<compile_context>
chip_gen: v7x
topology: tpu7x:2x2x1
jax: 0.10.2.dev20260603
libtpu: 0.0.44.dev20260713+nightly
codegen_flags: <defaults>
</compile_context>

<pallas_src>
import functools

import jax
import jax.numpy as jnp
from jax import lax
from jax.experimental import pallas as pl
from jax.experimental.pallas import tpu as pltpu
from jax.experimental.pallas import tpu_sc as plsc

N = 10000
E = 320000
F_IN = 128
H = 64
G = 64

NC, NS = 2, 16
NW = NC * NS
CH = 128
NCHUNK = 80
EPW = NCHUNK * CH
E_PAD = NW * EPW
NACC = 10240
RPT = NACC // NS
DW = 16

BK = 240
NPAD = N + BK

_SC_MESH = plsc.VectorSubcoreMesh(core_axis_name="c", subcore_axis_name="s")



def _sc_agg(hs, srcr, dstr, zrows):

    @functools.partial(
        pl.kernel,
        out_type=jax.ShapeDtypeStruct((NC, NACC, H), jnp.float32),
        mesh=_SC_MESH,
        compiler_params=pltpu.CompilerParams(use_tc_tiling_on_sc=False),
        scratch_types=[
            pltpu.VMEM((NCHUNK, CH), jnp.int32),
            pltpu.VMEM((NCHUNK, CH), jnp.int32),
            pltpu.VMEM((CH, H), jnp.float32),
            pltpu.VMEM((CH, H), jnp.float32),
            pltpu.VMEM((CH, H), jnp.float32),
            pltpu.VMEM((CH, H), jnp.float32),
            pltpu.VMEM_SHARED((NACC, H), jnp.float32),
            pltpu.SemaphoreType.DMA,
            pltpu.SemaphoreType.DMA,
            pltpu.SemaphoreType.DMA,
            pltpu.SemaphoreType.DMA,
            pltpu.SemaphoreType.DMA,
        ],
    )
    def k(hs_hbm, src_hbm, dst_hbm, z_hbm, out_hbm,
          sslab, dslab, rows0, rows1, rows2, rows3, acc,
          gs0, gs1, gs2, gs3, ssem):
        cid = lax.axis_index("c")
        sid = lax.axis_index("s")
        wid = sid * NC + cid
        r0 = sid * RPT

        pltpu.sync_copy(z_hbm, acc.at[pl.ds(r0, RPT)])
        pltpu.sync_copy(src_hbm.at[wid], sslab)
        pltpu.sync_copy(dst_hbm.at[wid], dslab)
        plsc.subcore_barrier()

        rbuf = (rows0, rows1, rows2, rows3)
        gsem = (gs0, gs1, gs2, gs3)
        for b in range(4):
            pltpu.async_copy(hs_hbm.at[sslab.at[b]], rbuf[b], gsem[b])

        @pl.loop(0, NCHUNK, step=4)
        def _(j):
            pltpu.make_async_copy(hs_hbm.at[sslab.at[j]], rows0, gs0).wait()
            pltpu.make_async_copy(hs_hbm.at[sslab.at[j + 1]], rows1, gs1).wait()
            pltpu.async_copy(rows0, acc.at[dslab.at[j]], ssem, add=True)
            pltpu.async_copy(rows1, acc.at[dslab.at[j + 1]], ssem, add=True)
            pltpu.make_async_copy(hs_hbm.at[sslab.at[j + 2]], rows2, gs2).wait()
            pltpu.make_async_copy(hs_hbm.at[sslab.at[j + 3]], rows3, gs3).wait()
            pltpu.make_async_copy(rows0, acc.at[dslab.at[j]], ssem).wait()
            pltpu.make_async_copy(rows1, acc.at[dslab.at[j + 1]], ssem).wait()
            pltpu.async_copy(rows2, acc.at[dslab.at[j + 2]], ssem, add=True)
            pltpu.async_copy(rows3, acc.at[dslab.at[j + 3]], ssem, add=True)

            @pl.when(j + 4 < NCHUNK)
            def _():
                pltpu.async_copy(hs_hbm.at[sslab.at[j + 4]], rows0, gs0)

            @pl.when(j + 5 < NCHUNK)
            def _():
                pltpu.async_copy(hs_hbm.at[sslab.at[j + 5]], rows1, gs1)

            pltpu.make_async_copy(rows2, acc.at[dslab.at[j + 2]], ssem).wait()
            pltpu.make_async_copy(rows3, acc.at[dslab.at[j + 3]], ssem).wait()

            @pl.when(j + 6 < NCHUNK)
            def _():
                pltpu.async_copy(hs_hbm.at[sslab.at[j + 6]], rows2, gs2)

            @pl.when(j + 7 < NCHUNK)
            def _():
                pltpu.async_copy(hs_hbm.at[sslab.at[j + 7]], rows3, gs3)

        plsc.subcore_barrier()
        pltpu.sync_copy(acc.at[pl.ds(r0, RPT)], out_hbm.at[cid, pl.ds(r0, RPT)])

    return k(hs, srcr, dstr, zrows)


def _sc_deg(dstr, ones, zrows):

    @functools.partial(
        pl.kernel,
        out_type=jax.ShapeDtypeStruct((NC, NACC, DW), jnp.float32),
        mesh=_SC_MESH,
        compiler_params=pltpu.CompilerParams(use_tc_tiling_on_sc=False),
        scratch_types=[
            pltpu.VMEM((NCHUNK, CH), jnp.int32),
            pltpu.VMEM((CH, DW), jnp.float32),
            pltpu.VMEM_SHARED((NACC, DW), jnp.float32),
            pltpu.SemaphoreType.DMA,
        ],
    )
    def k(dst_hbm, ones_hbm, z_hbm, out_hbm, dslab, ones_v, acc, sem):
        cid = lax.axis_index("c")
        sid = lax.axis_index("s")
        wid = sid * NC + cid
        r0 = sid * RPT

        pltpu.sync_copy(z_hbm, acc.at[pl.ds(r0, RPT)])
        pltpu.sync_copy(ones_hbm, ones_v)
        pltpu.sync_copy(dst_hbm.at[wid], dslab)
        plsc.subcore_barrier()

        @pl.loop(0, NCHUNK, step=4)
        def _(j):
            pltpu.async_copy(ones_v, acc.at[dslab.at[j]], sem, add=True)
            pltpu.async_copy(ones_v, acc.at[dslab.at[j + 1]], sem, add=True)
            pltpu.async_copy(ones_v, acc.at[dslab.at[j + 2]], sem, add=True)
            pltpu.async_copy(ones_v, acc.at[dslab.at[j + 3]], sem, add=True)
            pltpu.make_async_copy(ones_v, acc.at[dslab.at[j]], sem).wait()
            pltpu.make_async_copy(ones_v, acc.at[dslab.at[j + 1]], sem).wait()
            pltpu.make_async_copy(ones_v, acc.at[dslab.at[j + 2]], sem).wait()
            pltpu.make_async_copy(ones_v, acc.at[dslab.at[j + 3]], sem).wait()

        plsc.subcore_barrier()
        pltpu.sync_copy(acc.at[pl.ds(r0, RPT)], out_hbm.at[cid, pl.ds(r0, RPT)])

    return k(dstr, ones, zrows)



NP = N // 2
NPA = NACC // 2
BKP = 128
NPADP = NP + BKP

_VM = pl.BlockSpec(memory_space=pltpu.VMEM)


def _fold_mean(m):
    h = (m[:, 0:H] + m[:, H:2 * H]) * 0.5
    return jnp.concatenate([h, h], axis=1)


def _tc_head(xP, w1s, degp128, batch2):

    def body(x_ref, w_ref, d_ref, bt_ref, dinv_ref, hs_ref, co_ref):
        dsum = d_ref[0:1280, :] + d_ref[1280:2560, :]
        r = lax.broadcasted_iota(jnp.int32, (128, 8), 0)
        c = lax.broadcasted_iota(jnp.int32, (128, 8), 1)
        sel = (r == 16 * c).astype(jnp.float32)
        deg8 = lax.dot_general(dsum, sel, (((1,), (0,)), ((), ())),
                               precision=lax.Precision.HIGHEST,
                               preferred_element_type=jnp.float32)
        dinv8 = lax.rsqrt(1.0 + deg8)
        quads = []
        for q in range(4):
            e = jnp.broadcast_to(dinv8[:, 2 * q:2 * q + 1], (1280, H))
            o = jnp.broadcast_to(dinv8[:, 2 * q + 1:2 * q + 2], (1280, H))
            quads.append(jnp.concatenate([e, o], axis=1))
        dinvP = jnp.stack(quads, axis=1).reshape(NPA, 128)
        dinv_ref[...] = dinvP
        z1 = jnp.dot(x_ref[...], w_ref[...],
                     preferred_element_type=jnp.float32)
        hs_ref[...] = z1 * dinvP[0:NP, :]
        bt = bt_ref[...]
        gi = lax.broadcasted_iota(jnp.int32, (N, G), 1)
        co_ref[0:1, :] = jnp.sum((bt == gi).astype(jnp.int32), axis=0,
                                 keepdims=True)
        co_ref[1:2, :] = jnp.sum((bt < gi).astype(jnp.int32), axis=0,
                                 keepdims=True)

    return pl.pallas_call(
        body,
        out_shape=(jax.ShapeDtypeStruct((NPA, 128), jnp.float32),
                   jax.ShapeDtypeStruct((NP, 128), jnp.float32),
                   jax.ShapeDtypeStruct((2, G), jnp.int32)))(
            xP, w1s, degp128, batch2)


def _bn_relu_pair(aggP, gP, beP):
    m = _fold_mean(jnp.mean(aggP, axis=0, keepdims=True))
    c = aggP - m
    v = _fold_mean(jnp.mean(c * c, axis=0, keepdims=True))
    return jnp.maximum(c * lax.rsqrt(v + 1e-5) * gP + beP, 0.0)


def _tc_layer(ap128, hsP, dinvP, bP, gP, beP, wns):

    def body(p_ref, hs_ref, dinv_ref, b_ref, g_ref, be_ref, w_ref, o_ref):
        dv = dinv_ref[0:NP, :]
        aggP = dv * (p_ref[0:NP, :] + p_ref[NPA:NPA + NP, :] + hs_ref[...]) \
            + b_ref[...]
        hn = _bn_relu_pair(aggP, g_ref[...], be_ref[...])
        z = jnp.dot(hn, w_ref[...], preferred_element_type=jnp.float32)
        o_ref[...] = z * dv

    return pl.pallas_call(
        body, out_shape=jax.ShapeDtypeStruct((NP, 128), jnp.float32))(
            ap128, hsP, dinvP, bP, gP, beP, wns)


def _tc_final(ap128, hsP, dinvP, bP, gP, beP, co, wo, bo):

    def body(p_ref, hs_ref, dinv_ref, b_ref, g_ref, be_ref, co_ref, wo_ref,
             bo_ref, o_ref, h3_s, mean_s, max_s):
        dv = dinv_ref[0:NP, :]
        aggP = dv * (p_ref[0:NP, :] + p_ref[NPA:NPA + NP, :] + hs_ref[...]) \
            + b_ref[...]
        h3_s[0:NP, :] = _bn_relu_pair(aggP, g_ref[...], be_ref[...])
        h3_s[NP:NPADP, :] = jnp.zeros((NPADP - NP, 128), jnp.float32)

        def seg(gidx, carry):
            cnt = co_ref[0, gidx]
            off = co_ref[1, gidx]
            pr0 = off // 2
            prn = (off + cnt + 1) // 2 - pr0
            nblk = (prn + (BKP - 1)) // BKP

            def blk(i, sm):
                s, mx = sm
                rows = h3_s[pl.ds(pr0 + i * BKP, BKP), :]
                ne = 2 * (lax.broadcasted_iota(jnp.int32, (BKP, 1), 0)
                          + pr0 + i * BKP)
                ve = ((ne >= off) & (ne < off + cnt)).astype(jnp.float32)
                vo = ((ne + 1 >= off) & (ne + 1 < off + cnt)).astype(
                    jnp.float32)
                mask = jnp.concatenate(
                    [jnp.broadcast_to(ve, (BKP, H)),
                     jnp.broadcast_to(vo, (BKP, H))], axis=1) > 0.5
                s = s + jnp.sum(jnp.where(mask, rows, 0.0), axis=0,
                                keepdims=True)
                mx = jnp.maximum(mx, jnp.max(
                    jnp.where(mask, rows, -jnp.inf), axis=0, keepdims=True))
                return s, mx

            s0 = jnp.zeros((1, 128), jnp.float32)
            m0 = jnp.full((1, 128), -jnp.inf, jnp.float32)
            s, mx = lax.fori_loop(0, nblk, blk, (s0, m0))
            s64 = s[:, 0:H] + s[:, H:2 * H]
            m64 = jnp.maximum(mx[:, 0:H], mx[:, H:2 * H])
            cntf = jnp.maximum(cnt, 1).astype(jnp.float32)
            mean_s[pl.ds(gidx, 1), :] = s64 / cntf
            max_s[pl.ds(gidx, 1), :] = jnp.where(cnt > 0, m64, 0.0)
            return carry

        lax.fori_loop(0, G, seg, 0)
        o_ref[...] = (
            jnp.dot(mean_s[...], wo_ref[0:H, :],
                    preferred_element_type=jnp.float32)
            + jnp.dot(max_s[...], wo_ref[H:2 * H, :],
                      preferred_element_type=jnp.float32)
            + bo_ref[...])

    return pl.pallas_call(
        body,
        out_shape=jax.ShapeDtypeStruct((G, 1), jnp.float32),
        in_specs=[_VM, _VM, _VM, _VM, _VM, _VM,
                  pl.BlockSpec(memory_space=pltpu.SMEM), _VM, _VM],
        scratch_shapes=[
            pltpu.VMEM((NPADP, 128), jnp.float32),
            pltpu.VMEM((G, H), jnp.float32),
            pltpu.VMEM((G, H), jnp.float32),
        ])(ap128, hsP, dinvP, bP, gP, beP, co, wo, bo)



def _blockdiag(w, k):
    z = jnp.zeros(w.shape, jnp.float32)
    top = jnp.concatenate([w, z], axis=1)
    bot = jnp.concatenate([z, w], axis=1)
    return jnp.concatenate([top, bot], axis=0)


def kernel(x, edge_index, batch, W1, b1, W2, b2, W3, b3,
           g1, be1, g2, be2, g3, be3, Wo, bo):
    import numpy as _np
    npad_e = E_PAD - E
    pad_i = _np.arange(npad_e, dtype=_np.int32)
    pad_src = jnp.asarray(pad_i % N)
    pad_dst = jnp.asarray(N + pad_i % (NACC - N))
    srcr = jnp.concatenate([edge_index[0], pad_src]).reshape(NW, NCHUNK, CH)
    dstr = jnp.concatenate([edge_index[1], pad_dst]).reshape(NW, NCHUNK, CH)
    batch2 = batch.reshape(N, 1)
    xP = x.reshape(NP, 2 * F_IN)
    w1s = _blockdiag(W1, 2)
    w2s = _blockdiag(W2, 2)
    w3s = _blockdiag(W3, 2)
    bP = [jnp.concatenate([v, v]).reshape(1, 128) for v in
          (b1, g1, be1, b2, g2, be2, b3, g3, be3)]
    bor = bo.reshape(1, 1)
    zH = jnp.zeros((RPT, H), jnp.float32)
    zD = jnp.zeros((RPT, DW), jnp.float32)
    onesD = jnp.ones((CH, DW), jnp.float32)

    degp = _sc_deg(dstr, onesD, zD)
    degp128 = degp.reshape(NC * NACC * DW // 128, 128)
    dinvP, hs1P, co = _tc_head(xP, w1s, degp128, batch2)

    a1 = _sc_agg(hs1P.reshape(N, H), srcr, dstr, zH)
    hs2P = _tc_layer(a1.reshape(NC * NPA, 128), hs1P, dinvP,
                     bP[0], bP[1], bP[2], w2s)
    a2 = _sc_agg(hs2P.reshape(N, H), srcr, dstr, zH)
    hs3P = _tc_layer(a2.reshape(NC * NPA, 128), hs2P, dinvP,
                     bP[3], bP[4], bP[5], w3s)
    a3 = _sc_agg(hs3P.reshape(N, H), srcr, dstr, zH)

    return _tc_final(a3.reshape(NC * NPA, 128), hs3P, dinvP,
                     bP[6], bP[7], bP[8], co, Wo, bor)

# --- scband reference (transcript-rebuilt; emitter-appended) ---
"""Pipeline reference for scband-molecule-net-regressor-66125316489287 (READ-ONLY COPY).

The authoritative reference and input builder live on the scoring server;
editing this copy changes nothing except your own understanding.
"""

import jax, jax.numpy as jnp
import numpy as np

N = 10000
E = 320000
F_IN = 128
H = 64
G = 64


def setup_inputs(seed: int = 0) -> dict:
    key = jax.random.key(seed)
    ks = jax.random.split(key, 20)
    x = jax.random.normal(ks[0], (N, F_IN), dtype=jnp.float32)
    edge_index = jax.random.randint(ks[1], (2, E), 0, N, dtype=jnp.int32)
    batch = jnp.sort(jax.random.randint(ks[2], (N,), 0, G, dtype=jnp.int32))
    def w(k, shape, scale=0.05):
        return jax.random.normal(k, shape, dtype=jnp.float32) * scale
    params = {
        'W1': w(ks[3], (F_IN, H)), 'b1': jnp.zeros((H,), jnp.float32),
        'W2': w(ks[4], (H, H)),    'b2': jnp.zeros((H,), jnp.float32),
        'W3': w(ks[5], (H, H)),    'b3': jnp.zeros((H,), jnp.float32),
        'g1': jnp.ones((H,), jnp.float32), 'be1': jnp.zeros((H,), jnp.float32),
        'g2': jnp.ones((H,), jnp.float32), 'be2': jnp.zeros((H,), jnp.float32),
        'g3': jnp.ones((H,), jnp.float32), 'be3': jnp.zeros((H,), jnp.float32),
        'Wo': w(ks[6], (2 * H, 1)), 'bo': jnp.zeros((1,), jnp.float32),
    }
    out = {'x': x, 'edge_index': edge_index, 'batch': batch}
    out.update(params)
    return out


def _gcn_conv(x, src, dst, norm, W, b):
    h = x @ W
    agg = jnp.zeros_like(h).at[dst].add(h[src] * norm[:, None])
    return agg + b


def _bn(x, g, b):
    m = jnp.mean(x, axis=0)
    v = jnp.var(x, axis=0)
    return (x - m) / jnp.sqrt(v + 1e-5) * g + b


def reference(x, edge_index, batch, W1, b1, W2, b2, W3, b3, g1, be1, g2, be2, g3, be3, Wo, bo):
    n = x.shape[0]
    loop = jnp.arange(n, dtype=edge_index.dtype)
    src = jnp.concatenate([edge_index[0], loop])
    dst = jnp.concatenate([edge_index[1], loop])
    deg = jnp.zeros((n,), x.dtype).at[dst].add(1.0)
    dinv = jnp.where(deg > 0, deg ** -0.5, 0.0)
    norm = dinv[src] * dinv[dst]

    h = jax.nn.relu(_bn(_gcn_conv(x, src, dst, norm, W1, b1), g1, be1))
    # dropout: identity (eval mode)
    h = jax.nn.relu(_bn(_gcn_conv(h, src, dst, norm, W2, b2), g2, be2))
    h = jax.nn.relu(_bn(_gcn_conv(h, src, dst, norm, W3, b3), g3, be3))

    counts = jax.ops.segment_sum(jnp.ones((n,), h.dtype), batch, num_segments=G)
    h_sum = jax.ops.segment_sum(h, batch, num_segments=G)
    h_mean = h_sum / jnp.clip(counts, 1.0, None)[:, None]
    h_max = jax.ops.segment_max(h, batch, num_segments=G)
    h_max = jnp.where(counts[:, None] > 0, h_max, 0.0)

    pooled = jnp.concatenate([h_mean, h_max], axis=1)
    return pooled @ Wo + bo

if __name__ == "__main__":
    import jax
    _d = setup_inputs()
    print(jax.jit(kernel)(*tuple(_d.values())))

</pallas_src>

<mosaic_0001>
#map = affine_map<(d0, d1) -> (0, 0)>
#map1 = affine_map<(d0, d1) -> (0, 0, 0)>
module attributes {stable_mosaic.version = 14 : i64} {
  func.func @k(%arg0: i32, %arg1: i32, %arg2: memref<10000x64xf32, #tpu.memory_space<hbm>>, %arg3: memref<32x80x128xi32, #tpu.memory_space<hbm>>, %arg4: memref<32x80x128xi32, #tpu.memory_space<hbm>>, %arg5: memref<640x64xf32, #tpu.memory_space<hbm>>, %arg6: memref<2x10240x64xf32, #tpu.memory_space<hbm>>, %arg7: memref<80x128xi32, #tpu.memory_space<vmem>>, %arg8: memref<80x128xi32, #tpu.memory_space<vmem>>, %arg9: memref<128x64xf32, #tpu.memory_space<vmem>>, %arg10: memref<128x64xf32, #tpu.memory_space<vmem>>, %arg11: memref<128x64xf32, #tpu.memory_space<vmem>>, %arg12: memref<128x64xf32, #tpu.memory_space<vmem>>, %arg13: memref<10240x64xf32, #tpu.memory_space<vmem_shared>>, %arg14: memref<!tpu.dma_semaphore, #tpu.memory_space<semaphore_mem>>, %arg15: memref<!tpu.dma_semaphore, #tpu.memory_space<semaphore_mem>>, %arg16: memref<!tpu.dma_semaphore, #tpu.memory_space<semaphore_mem>>, %arg17: memref<!tpu.dma_semaphore, #tpu.memory_space<semaphore_mem>>, %arg18: memref<!tpu.dma_semaphore, #tpu.memory_space<semaphore_mem>>) attributes {dimension_semantics = [#tpu.dimension_semantics<core_parallel>, #tpu.dimension_semantics<subcore_parallel>], iteration_bounds = array<i64: 2, 16>, scalar_prefetch = 0 : i64, scratch_operands = 12 : i64, tpu.core_type = #tpu.core_type<sc_vector_subcore>, window_params = [{transform_indices = #map}, {transform_indices = #map1}, {transform_indices = #map1}, {transform_indices = #map}, {transform_indices = #map1}]} {
    %mul3A = arith.constant 2 : i32
    %mul3A_0 = arith.muli %arg1, %mul3A : i32
    %add3A = arith.addi %mul3A_0, %arg0 : i32
    %mul3A_1 = arith.constant 640 : i32
    %mul3A_2 = arith.muli %arg1, %mul3A_1 : i32
    "tpu.region"() ({
      %run_scoped3A = tpu.sem_alloc : memref<!tpu.dma_semaphore, #tpu.memory_space<semaphore_mem>>
      %dma_start3A_35 = arith.constant 0 : i32
      %dma_start3A_36 = tpu.memref_slice %arg13[%mul3A_2, %dma_start3A_35] : memref<10240x64xf32, #tpu.memory_space<vmem_shared>> -> memref<640x64xf32, #tpu.memory_space<vmem_shared>>
      tpu.enqueue_dma source(%arg5 : memref<640x64xf32, #tpu.memory_space<hbm>>) target(%dma_start3A_36 : memref<640x64xf32, #tpu.memory_space<vmem_shared>>) target_semaphore(%run_scoped3A : memref<!tpu.dma_semaphore, #tpu.memory_space<semaphore_mem>>)
      %dma_wait3A = arith.constant 0 : i32
      %dma_wait3A_37 = tpu.memref_slice %arg13[%mul3A_2, %dma_wait3A] : memref<10240x64xf32, #tpu.memory_space<vmem_shared>> -> memref<640x64xf32, #tpu.memory_space<vmem_shared>>
      tpu.wait_dma2 semaphore(%run_scoped3A : memref<!tpu.dma_semaphore, #tpu.memory_space<semaphore_mem>>) src(%arg5 : memref<640x64xf32, #tpu.memory_space<hbm>>) dst(%dma_wait3A_37 : memref<640x64xf32, #tpu.memory_space<vmem_shared>>)
      tpu.yield
    }) : () -> ()
    "tpu.region"() ({
      %run_scoped3A = tpu.sem_alloc : memref<!tpu.dma_semaphore, #tpu.memory_space<semaphore_mem>>
      %dma_start3A_35 = arith.constant 0 : i32
      %dma_start3A_36 = arith.constant 0 : i32
      %dma_start3A_37 = tpu.memref_slice %arg3[%add3A, %dma_start3A_35, %dma_start3A_36] : memref<32x80x128xi32, #tpu.memory_space<hbm>> -> memref<1x80x128xi32, #tpu.memory_space<hbm>>
      %dma_start3A_38 = tpu.memref_squeeze %dma_start3A_37 : memref<1x80x128xi32, #tpu.memory_space<hbm>> -> memref<80x128xi32, #tpu.memory_space<hbm>>
      %dma_start3A_39 = arith.constant 0 : i32
      %dma_start3A_40 = arith.constant 0 : i32
      %dma_start3A_41 = tpu.memref_slice %arg3[%add3A, %dma_start3A_39, %dma_start3A_40] : memref<32x80x128xi32, #tpu.memory_space<hbm>> -> memref<1x80x128xi32, #tpu.memory_space<hbm>>
      %dma_start3A_42 = tpu.memref_squeeze %dma_start3A_41 : memref<1x80x128xi32, #tpu.memory_space<hbm>> -> memref<80x128xi32, #tpu.memory_space<hbm>>
      tpu.enqueue_dma source(%dma_start3A_42 : memref<80x128xi32, #tpu.memory_space<hbm>>) target(%arg7 : memref<80x128xi32, #tpu.memory_space<vmem>>) target_semaphore(%run_scoped3A : memref<!tpu.dma_semaphore, #tpu.memory_space<semaphore_mem>>)
      %dma_wait3A = arith.constant 0 : i32
      %dma_wait3A_43 = arith.constant 0 : i32
      %dma_wait3A_44 = tpu.memref_slice %arg3[%add3A, %dma_wait3A, %dma_wait3A_43] : memref<32x80x128xi32, #tpu.memory_space<hbm>> -> memref<1x80x128xi32, #tpu.memory_space<hbm>>
      %dma_wait3A_45 = tpu.memref_squeeze %dma_wait3A_44 : memref<1x80x128xi32, #tpu.memory_space<hbm>> -> memref<80x128xi32, #tpu.memory_space<hbm>>
      %dma_wait3A_46 = arith.constant 0 : i32
      %dma_wait3A_47 = arith.constant 0 : i32
      %dma_wait3A_48 = tpu.memref_slice %arg3[%add3A, %dma_wait3A_46, %dma_wait3A_47] : memref<32x80x128xi32, #tpu.memory_space<hbm>> -> memref<1x80x128xi32, #tpu.memory_space<hbm>>
      %dma_wait3A_49 = tpu.memref_squeeze %dma_wait3A_48 : memref<1x80x128xi32, #tpu.memory_space<hbm>> -> memref<80x128xi32, #tpu.memory_space<hbm>>
      tpu.wait_dma2 semaphore(%run_scoped3A : memref<!tpu.dma_semaphore, #tpu.memory_space<semaphore_mem>>) src(%dma_wait3A_49 : memref<80x128xi32, #tpu.memory_space<hbm>>) dst(%arg7 : memref<80x128xi32, #tpu.memory_space<vmem>>)
      tpu.yield
    }) : () -> ()
    "tpu.region"() ({
      %run_scoped3A = tpu.sem_alloc : memref<!tpu.dma_semaphore, #tpu.memory_space<semaphore_mem>>
      %dma_start3A_35 = arith.constant 0 : i32
      %dma_start3A_36 = arith.constant 0 : i32
      %dma_start3A_37 = tpu.memref_slice %arg4[%add3A, %dma_start3A_35, %dma_start3A_36] : memref<32x80x128xi32, #tpu.memory_space<hbm>> -> memref<1x80x128xi32, #tpu.memory_space<hbm>>
      %dma_start3A_38 = tpu.memref_squeeze %dma_start3A_37 : memref<1x80x128xi32, #tpu.memory_space<hbm>> -> memref<80x128xi32, #tpu.memory_space<hbm>>
      %dma_start3A_39 = arith.constant 0 : i32
      %dma_start3A_40 = arith.constant 0 : i32
      %dma_start3A_41 = tpu.memref_slice %arg4[%add3A, %dma_start3A_39, %dma_start3A_40] : memref<32x80x128xi32, #tpu.memory_space<hbm>> -> memref<1x80x128xi32, #tpu.memory_space<hbm>>
      %dma_start3A_42 = tpu.memref_squeeze %dma_start3A_41 : memref<1x80x128xi32, #tpu.memory_space<hbm>> -> memref<80x128xi32, #tpu.memory_space<hbm>>
      tpu.enqueue_dma source(%dma_start3A_42 : memref<80x128xi32, #tpu.memory_space<hbm>>) target(%arg8 : memref<80x128xi32, #tpu.memory_space<vmem>>) target_semaphore(%run_scoped3A : memref<!tpu.dma_semaphore, #tpu.memory_space<semaphore_mem>>)
      %dma_wait3A = arith.constant 0 : i32
      %dma_wait3A_43 = arith.constant 0 : i32
      %dma_wait3A_44 = tpu.memref_slice %arg4[%add3A, %dma_wait3A, %dma_wait3A_43] : memref<32x80x128xi32, #tpu.memory_space<hbm>> -> memref<1x80x128xi32, #tpu.memory_space<hbm>>
      %dma_wait3A_45 = tpu.memref_squeeze %dma_wait3A_44 : memref<1x80x128xi32, #tpu.memory_space<hbm>> -> memref<80x128xi32, #tpu.memory_space<hbm>>
      %dma_wait3A_46 = arith.constant 0 : i32
      %dma_wait3A_47 = arith.constant 0 : i32
      %dma_wait3A_48 = tpu.memref_slice %arg4[%add3A, %dma_wait3A_46, %dma_wait3A_47] : memref<32x80x128xi32, #tpu.memory_space<hbm>> -> memref<1x80x128xi32, #tpu.memory_space<hbm>>
      %dma_wait3A_49 = tpu.memref_squeeze %dma_wait3A_48 : memref<1x80x128xi32, #tpu.memory_space<hbm>> -> memref<80x128xi32, #tpu.memory_space<hbm>>
      tpu.wait_dma2 semaphore(%run_scoped3A : memref<!tpu.dma_semaphore, #tpu.memory_space<semaphore_mem>>) src(%dma_wait3A_49 : memref<80x128xi32, #tpu.memory_space<hbm>>) dst(%arg8 : memref<80x128xi32, #tpu.memory_space<vmem>>)
      tpu.yield
    }) : () -> ()
    %barrier3A = arith.constant 0 : index
    tpu.barrier barrier_id(%barrier3A)
    %dma_start3A = arith.constant 0 : i32
    %dma_start3A_3 = arith.constant 0 : i32
    %dma_start3A_4 = tpu.memref_slice %arg7[%dma_start3A, %dma_start3A_3] : memref<80x128xi32, #tpu.memory_space<vmem>> -> memref<1x128xi32, #tpu.memory_space<vmem>>
    %dma_start3A_5 = tpu.memref_squeeze %dma_start3A_4 : memref<1x128xi32, #tpu.memory_space<vmem>> -> memref<128xi32, #tpu.memory_space<vmem>>
    %dma_start3A_6 = arith.constant 0 : i32
    %dma_start3A_7 = arith.constant 0 : i32
    %dma_start3A_8 = tpu.memref_slice %arg2[%dma_start3A_6, %dma_start3A_7] : memref<10000x64xf32, #tpu.memory_space<hbm>> -> memref<10000x64xf32, #tpu.memory_space<hbm>>
    tpu.enqueue_indirect_dma source(%dma_start3A_8 : memref<10000x64xf32, #tpu.memory_space<hbm>>) target(%arg9 : memref<128x64xf32, #tpu.memory_space<vmem>>) offsets(%dma_start3A_5 : memref<128xi32, #tpu.memory_space<vmem>>) semaphore(%arg14 : memref<!tpu.dma_semaphore, #tpu.memory_space<semaphore_mem>>)
    %dma_start3A_9 = arith.constant 1 : i32
    %dma_start3A_10 = arith.constant 0 : i32
    %dma_start3A_11 = tpu.memref_slice %arg7[%dma_start3A_9, %dma_start3A_10] : memref<80x128xi32, #tpu.memory_space<vmem>> -> memref<1x128xi32, #tpu.memory_space<vmem>>
    %dma_start3A_12 = tpu.memref_squeeze %dma_start3A_11 : memref<1x128xi32, #tpu.memory_space<vmem>> -> memref<128xi32, #tpu.memory_space<vmem>>
    %dma_start3A_13 = arith.constant 0 : i32
    %dma_start3A_14 = arith.constant 0 : i32
    %dma_start3A_15 = tpu.memref_slice %arg2[%dma_start3A_13, %dma_start3A_14] : memref<10000x64xf32, #tpu.memory_space<hbm>> -> memref<10000x64xf32, #tpu.memory_space<hbm>>
    tpu.enqueue_indirect_dma source(%dma_start3A_15 : memref<10000x64xf32, #tpu.memory_space<hbm>>) target(%arg10 : memref<128x64xf32, #tpu.memory_space<vmem>>) offsets(%dma_start3A_12 : memref<128xi32, #tpu.memory_space<vmem>>) semaphore(%arg15 : memref<!tpu.dma_semaphore, #tpu.memory_space<semaphore_mem>>)
    %dma_start3A_16 = arith.constant 2 : i32
    %dma_start3A_17 = arith.constant 0 : i32
    %dma_start3A_18 = tpu.memref_slice %arg7[%dma_start3A_16, %dma_start3A_17] : memref<80x128xi32, #tpu.memory_space<vmem>> -> memref<1x128xi32, #tpu.memory_space<vmem>>
    %dma_start3A_19 = tpu.memref_squeeze %dma_start3A_18 : memref<1x128xi32, #tpu.memory_space<vmem>> -> memref<128xi32, #tpu.memory_space<vmem>>
    %dma_start3A_20 = arith.constant 0 : i32
    %dma_start3A_21 = arith.constant 0 : i32
    %dma_start3A_22 = tpu.memref_slice %arg2[%dma_start3A_20, %dma_start3A_21] : memref<10000x64xf32, #tpu.memory_space<hbm>> -> memref<10000x64xf32, #tpu.memory_space<hbm>>
    tpu.enqueue_indirect_dma source(%dma_start3A_22 : memref<10000x64xf32, #tpu.memory_space<hbm>>) target(%arg11 : memref<128x64xf32, #tpu.memory_space<vmem>>) offsets(%dma_start3A_19 : memref<128xi32, #tpu.memory_space<vmem>>) semaphore(%arg16 : memref<!tpu.dma_semaphore, #tpu.memory_space<semaphore_mem>>)
    %dma_start3A_23 = arith.constant 3 : i32
    %dma_start3A_24 = arith.constant 0 : i32
    %dma_start3A_25 = tpu.memref_slice %arg7[%dma_start3A_23, %dma_start3A_24] : memref<80x128xi32, #tpu.memory_space<vmem>> -> memref<1x128xi32, #tpu.memory_space<vmem>>
    %dma_start3A_26 = tpu.memref_squeeze %dma_start3A_25 : memref<1x128xi32, #tpu.memory_space<vmem>> -> memref<128xi32, #tpu.memory_space<vmem>>
    %dma_start3A_27 = arith.constant 0 : i32
    %dma_start3A_28 = arith.constant 0 : i32
    %dma_start3A_29 = tpu.memref_slice %arg2[%dma_start3A_27, %dma_start3A_28] : memref<10000x64xf32, #tpu.memory_space<hbm>> -> memref<10000x64xf32, #tpu.memory_space<hbm>>
    tpu.enqueue_indirect_dma source(%dma_start3A_29 : memref<10000x64xf32, #tpu.memory_space<hbm>>) target(%arg12 : memref<128x64xf32, #tpu.memory_space<vmem>>) offsets(%dma_start3A_26 : memref<128xi32, #tpu.memory_space<vmem>>) semaphore(%arg17 : memref<!tpu.dma_semaphore, #tpu.memory_space<semaphore_mem>>)
    %scan3A = arith.constant 0 : i32
    %scan3A_30 = arith.constant 20 : i32
    %scan3A_31 = arith.addi %scan3A, %scan3A_30 : i32
    %scan3A_32 = arith.constant 1 : i32
    scf.for %scan3A_35 = %scan3A to %scan3A_31 step %scan3A_32  : i32 {
      %mul3A_36 = arith.constant 4 : i32
      %mul3A_37 = arith.muli %scan3A_35, %mul3A_36 : i32
      %add3A_38 = arith.constant 0 : i32
      %add3A_39 = arith.addi %add3A_38, %mul3A_37 : i32
      %dma_wait3A = arith.constant 0 : i32
      %dma_wait3A_40 = tpu.memref_slice %arg7[%add3A_39, %dma_wait3A] : memref<80x128xi32, #tpu.memory_space<vmem>> -> memref<1x128xi32, #tpu.memory_space<vmem>>
      %dma_wait3A_41 = tpu.memref_squeeze %dma_wait3A_40 : memref<1x128xi32, #tpu.memory_space<vmem>> -> memref<128xi32, #tpu.memory_space<vmem>>
      %dma_wait3A_42 = arith.constant 0 : i32
      %dma_wait3A_43 = arith.constant 0 : i32
      %dma_wait3A_44 = tpu.memref_slice %arg2[%dma_wait3A_42, %dma_wait3A_43] : memref<10000x64xf32, #tpu.memory_space<hbm>> -> memref<10000x64xf32, #tpu.memory_space<hbm>>
      tpu.wait_indirect_dma semaphore(%arg14 : memref<!tpu.dma_semaphore, #tpu.memory_space<semaphore_mem>>) src(%dma_wait3A_44 : memref<10000x64xf32, #tpu.memory_space<hbm>>) dst(%arg9 : memref<128x64xf32, #tpu.memory_space<vmem>>)
      %add3A_45 = arith.constant 1 : i32
      %add3A_46 = arith.addi %add3A_39, %add3A_45 : i32
      %dma_wait3A_47 = arith.constant 0 : i32
      %dma_wait3A_48 = tpu.memref_slice %arg7[%add3A_46, %dma_wait3A_47] : memref<80x128xi32, #tpu.memory_space<vmem>> -> memref<1x128xi32, #tpu.memory_space<vmem>>
      %dma_wait3A_49 = tpu.memref_squeeze %dma_wait3A_48 : memref<1x128xi32, #tpu.memory_space<vmem>> -> memref<128xi32, #tpu.memory_space<vmem>>
      %dma_wait3A_50 = arith.constant 0 : i32
      %dma_wait3A_51 = arith.constant 0 : i32
      %dma_wait3A_52 = tpu.memref_slice %arg2[%dma_wait3A_50, %dma_wait3A_51] : memref<10000x64xf32, #tpu.memory_space<hbm>> -> memref<10000x64xf32, #tpu.memory_space<hbm>>
      tpu.wait_indirect_dma semaphore(%arg15 : memref<!tpu.dma_semaphore, #tpu.memory_space<semaphore_mem>>) src(%dma_wait3A_52 : memref<10000x64xf32, #tpu.memory_space<hbm>>) dst(%arg10 : memref<128x64xf32, #tpu.memory_space<vmem>>)
      %dma_start3A_53 = arith.constant 0 : i32
      %dma_start3A_54 = tpu.memref_slice %arg8[%add3A_39, %dma_start3A_53] : memref<80x128xi32, #tpu.memory_space<vmem>> -> memref<1x128xi32, #tpu.memory_space<vmem>>
      %dma_start3A_55 = tpu.memref_squeeze %dma_start3A_54 : memref<1x128xi32, #tpu.memory_space<vmem>> -> memref<128xi32, #tpu.memory_space<vmem>>
      %dma_start3A_56 = arith.constant 0 : i32
      %dma_start3A_57 = arith.constant 0 : i32
      %dma_start3A_58 = tpu.memref_slice %arg13[%dma_start3A_56, %dma_start3A_57] : memref<10240x64xf32, #tpu.memory_space<vmem_shared>> -> memref<10240x64xf32, #tpu.memory_space<vmem_shared>>
      tpu.enqueue_indirect_dma source(%arg9 : memref<128x64xf32, #tpu.memory_space<vmem>>) target(%dma_start3A_58 : memref<10240x64xf32, #tpu.memory_space<vmem_shared>>) offsets(%dma_start3A_55 : memref<128xi32, #tpu.memory_space<vmem>>) semaphore(%arg18 : memref<!tpu.dma_semaphore, #tpu.memory_space<semaphore_mem>>) {add = true}
      %add3A_59 = arith.constant 1 : i32
      %add3A_60 = arith.addi %add3A_39, %add3A_59 : i32
      %dma_start3A_61 = arith.constant 0 : i32
      %dma_start3A_62 = tpu.memref_slice %arg8[%add3A_60, %dma_start3A_61] : memref<80x128xi32, #tpu.memory_space<vmem>> -> memref<1x128xi32, #tpu.memory_space<vmem>>
      %dma_start3A_63 = tpu.memref_squeeze %dma_start3A_62 : memref<1x128xi32, #tpu.memory_space<vmem>> -> memref<128xi32, #tpu.memory_space<vmem>>
      %dma_start3A_64 = arith.constant 0 : i32
      %dma_start3A_65 = arith.constant 0 : i32
      %dma_start3A_66 = tpu.memref_slice %arg13[%dma_start3A_64, %dma_start3A_65] : memref<10240x64xf32, #tpu.memory_space<vmem_shared>> -> memref<10240x64xf32, #tpu.memory_space<vmem_shared>>
      tpu.enqueue_indirect_dma source(%arg10 : memref<128x64xf32, #tpu.memory_space<vmem>>) target(%dma_start3A_66 : memref<10240x64xf32, #tpu.memory_space<vmem_shared>>) offsets(%dma_start3A_63 : memref<128xi32, #tpu.memory_space<vmem>>) semaphore(%arg18 : memref<!tpu.dma_semaphore, #tpu.memory_space<semaphore_mem>>) {add = true}
      %add3A_67 = arith.constant 2 : i32
      %add3A_68 = arith.addi %add3A_39, %add3A_67 : i32
      %dma_wait3A_69 = arith.constant 0 : i32
      %dma_wait3A_70 = tpu.memref_slice %arg7[%add3A_68, %dma_wait3A_69] : memref<80x128xi32, #tpu.memory_space<vmem>> -> memref<1x128xi32, #tpu.memory_space<vmem>>
      %dma_wait3A_71 = tpu.memref_squeeze %dma_wait3A_70 : memref<1x128xi32, #tpu.memory_space<vmem>> -> memref<128xi32, #tpu.memory_space<vmem>>
      %dma_wait3A_72 = arith.constant 0 : i32
      %dma_wait3A_73 = arith.constant 0 : i32
      %dma_wait3A_74 = tpu.memref_slice %arg2[%dma_wait3A_72, %dma_wait3A_73] : memref<10000x64xf32, #tpu.memory_space<hbm>> -> memref<10000x64xf32, #tpu.memory_space<hbm>>
      tpu.wait_indirect_dma semaphore(%arg16 : memref<!tpu.dma_semaphore, #tpu.memory_space<semaphore_mem>>) src(%dma_wait3A_74 : memref<10000x64xf32, #tpu.memory_space<hbm>>) dst(%arg11 : memref<128x64xf32, #tpu.memory_space<vmem>>)
      %add3A_75 = arith.constant 3 : i32
      %add3A_76 = arith.addi %add3A_39, %add3A_75 : i32
      %dma_wait3A_77 = arith.constant 0 : i32
      %dma_wait3A_78 = tpu.memref_slice %arg7[%add3A_76, %dma_wait3A_77] : memref<80x128xi32, #tpu.memory_space<vmem>> -> memref<1x128xi32, #tpu.memory_space<vmem>>
      %dma_wait3A_79 = tpu.memref_squeeze %dma_wait3A_78 : memref<1x128xi32, #tpu.memory_space<vmem>> -> memref<128xi32, #tpu.memory_space<vmem>>
      %dma_wait3A_80 = arith.constant 0 : i32
      %dma_wait3A_81 = arith.constant 0 : i32
      %dma_wait3A_82 = tpu.memref_slice %arg2[%dma_wait3A_80, %dma_wait3A_81] : memref<10000x64xf32, #tpu.memory_space<hbm>> -> memref<10000x64xf32, #tpu.memory_space<hbm>>
      tpu.wait_indirect_dma semaphore(%arg17 : memref<!tpu.dma_semaphore, #tpu.memory_space<semaphore_mem>>) src(%dma_wait3A_82 : memref<10000x64xf32, #tpu.memory_space<hbm>>) dst(%arg12 : memref<128x64xf32, #tpu.memory_space<vmem>>)
      %dma_wait3A_83 = arith.constant 0 : i32
      %dma_wait3A_84 = tpu.memref_slice %arg8[%add3A_39, %dma_wait3A_83] : memref<80x128xi32, #tpu.memory_space<vmem>> -> memref<1x128xi32, #tpu.memory_space<vmem>>
      %dma_wait3A_85 = tpu.memref_squeeze %dma_wait3A_84 : memref<1x128xi32, #tpu.memory_space<vmem>> -> memref<128xi32, #tpu.memory_space<vmem>>
      %dma_wait3A_86 = arith.constant 0 : i32
      %dma_wait3A_87 = arith.constant 0 : i32
      %dma_wait3A_88 = tpu.memref_slice %arg13[%dma_wait3A_86, %dma_wait3A_87] : memref<10240x64xf32, #tpu.memory_space<vmem_shared>> -> memref<10240x64xf32, #tpu.memory_space<vmem_shared>>
      tpu.wait_indirect_dma semaphore(%arg18 : memref<!tpu.dma_semaphore, #tpu.memory_space<semaphore_mem>>) src(%arg9 : memref<128x64xf32, #tpu.memory_space<vmem>>) dst(%dma_wait3A_88 : memref<10240x64xf32, #tpu.memory_space<vmem_shared>>)
      %add3A_89 = arith.constant 1 : i32
      %add3A_90 = arith.addi %add3A_39, %add3A_89 : i32
      %dma_wait3A_91 = arith.constant 0 : i32
      %dma_wait3A_92 = tpu.memref_slice %arg8[%add3A_90, %dma_wait3A_91] : memref<80x128xi32, #tpu.memory_space<vmem>> -> memref<1x128xi32, #tpu.memory_space<vmem>>
      %dma_wait3A_93 = tpu.memref_squeeze %dma_wait3A_92 : memref<1x128xi32, #tpu.memory_space<vmem>> -> memref<128xi32, #tpu.memory_space<vmem>>
      %dma_wait3A_94 = arith.constant 0 : i32
      %dma_wait3A_95 = arith.constant 0 : i32
      %dma_wait3A_96 = tpu.memref_slice %arg13[%dma_wait3A_94, %dma_wait3A_95] : memref<10240x64xf32, #tpu.memory_space<vmem_shared>> -> memref<10240x64xf32, #tpu.memory_space<vmem_shared>>
      tpu.wait_indirect_dma semaphore(%arg18 : memref<!tpu.dma_semaphore, #tpu.memory_space<semaphore_mem>>) src(%arg10 : memref<128x64xf32, #tpu.memory_space<vmem>>) dst(%dma_wait3A_96 : memref<10240x64xf32, #tpu.memory_space<vmem_shared>>)
      %add3A_97 = arith.constant 2 : i32
      %add3A_98 = arith.addi %add3A_39, %add3A_97 : i32
      %dma_start3A_99 = arith.constant 0 : i32
      %dma_start3A_100 = tpu.memref_slice %arg8[%add3A_98, %dma_start3A_99] : memref<80x128xi32, #tpu.memory_space<vmem>> -> memref<1x128xi32, #tpu.memory_space<vmem>>
      %dma_start3A_101 = tpu.memref_squeeze %dma_start3A_100 : memref<1x128xi32, #tpu.memory_space<vmem>> -> memref<128xi32, #tpu.memory_space<vmem>>
      %dma_start3A_102 = arith.constant 0 : i32
      %dma_start3A_103 = arith.constant 0 : i32
      %dma_start3A_104 = tpu.memref_slice %arg13[%dma_start3A_102, %dma_start3A_103] : memref<10240x64xf32, #tpu.memory_space<vmem_shared>> -> memref<10240x64xf32, #tpu.memory_space<vmem_shared>>
      tpu.enqueue_indirect_dma source(%arg11 : memref<128x64xf32, #tpu.memory_space<vmem>>) target(%dma_start3A_104 : memref<10240x64xf32, #tpu.memory_space<vmem_shared>>) offsets(%dma_start3A_101 : memref<128xi32, #tpu.memory_space<vmem>>) semaphore(%arg18 : memref<!tpu.dma_semaphore, #tpu.memory_space<semaphore_mem>>) {add = true}
      %add3A_105 = arith.constant 3 : i32
      %add3A_106 = arith.addi %add3A_39, %add3A_105 : i32
      %dma_start3A_107 = arith.constant 0 : i32
      %dma_start3A_108 = tpu.memref_slice %arg8[%add3A_106, %dma_start3A_107] : memref<80x128xi32, #tpu.memory_space<vmem>> -> memref<1x128xi32, #tpu.memory_space<vmem>>
      %dma_start3A_109 = tpu.memref_squeeze %dma_start3A_108 : memref<1x128xi32, #tpu.memory_space<vmem>> -> memref<128xi32, #tpu.memory_space<vmem>>
      %dma_start3A_110 = arith.constant 0 : i32
      %dma_start3A_111 = arith.constant 0 : i32
      %dma_start3A_112 = tpu.memref_slice %arg13[%dma_start3A_110, %dma_start3A_111] : memref<10240x64xf32, #tpu.memory_space<vmem_shared>> -> memref<10240x64xf32, #tpu.memory_space<vmem_shared>>
      tpu.enqueue_indirect_dma source(%arg12 : memref<128x64xf32, #tpu.memory_space<vmem>>) target(%dma_start3A_112 : memref<10240x64xf32, #tpu.memory_space<vmem_shared>>) offsets(%dma_start3A_109 : memref<128xi32, #tpu.memory_space<vmem>>) semaphore(%arg18 : memref<!tpu.dma_semaphore, #tpu.memory_space<semaphore_mem>>) {add = true}
      %add3A_113 = arith.constant 4 : i32
      %add3A_114 = arith.addi %add3A_39, %add3A_113 : i32
      %lt3A = arith.constant 80 : i32
      %lt3A_115 = arith.cmpi slt, %add3A_114, %lt3A : i32
      %convert_element_type3A = arith.extui %lt3A_115 : i1 to i32
      %cond3A = arith.constant 0 : i32
      %cond3A_116 = arith.cmpi ne, %convert_element_type3A, %cond3A : i32
      scf.if %cond3A_116 {
        %add3A_154 = arith.constant 4 : i32
        %add3A_155 = arith.addi %add3A_39, %add3A_154 : i32
        %dma_start3A_156 = arith.constant 0 : i32
        %dma_start3A_157 = tpu.memref_slice %arg7[%add3A_155, %dma_start3A_156] : memref<80x128xi32, #tpu.memory_space<vmem>> -> memref<1x128xi32, #tpu.memory_space<vmem>>
        %dma_start3A_158 = tpu.memref_squeeze %dma_start3A_157 : memref<1x128xi32, #tpu.memory_space<vmem>> -> memref<128xi32, #tpu.memory_space<vmem>>
        %dma_start3A_159 = arith.constant 0 : i32
        %dma_start3A_160 = arith.constant 0 : i32
        %dma_start3A_161 = tpu.memref_slice %arg2[%dma_start3A_159, %dma_start3A_160] : memref<10000x64xf32, #tpu.memory_space<hbm>> -> memref<10000x64xf32, #tpu.memory_space<hbm>>
        tpu.enqueue_indirect_dma source(%dma_start3A_161 : memref<10000x64xf32, #tpu.memory_space<hbm>>) target(%arg9 : memref<128x64xf32, #tpu.memory_space<vmem>>) offsets(%dma_start3A_158 : memref<128xi32, #tpu.memory_space<vmem>>) semaphore(%arg14 : memref<!tpu.dma_semaphore, #tpu.memory_space<semaphore_mem>>)
      } else {
      }
      %add3A_117 = arith.constant 5 : i32
      %add3A_118 = arith.addi %add3A_39, %add3A_117 : i32
      %lt3A_119 = arith.constant 80 : i32
      %lt3A_120 = arith.cmpi slt, %add3A_118, %lt3A_119 : i32
      %convert_element_type3A_121 = arith.extui %lt3A_120 : i1 to i32
      %cond3A_122 = arith.constant 0 : i32
      %cond3A_123 = arith.cmpi ne, %convert_element_type3A_121, %cond3A_122 : i32
      scf.if %cond3A_123 {
        %add3A_154 = arith.constant 5 : i32
        %add3A_155 = arith.addi %add3A_39, %add3A_154 : i32
        %dma_start3A_156 = arith.constant 0 : i32
        %dma_start3A_157 = tpu.memref_slice %arg7[%add3A_155, %dma_start3A_156] : memref<80x128xi32, #tpu.memory_space<vmem>> -> memref<1x128xi32, #tpu.memory_space<vmem>>
        %dma_start3A_158 = tpu.memref_squeeze %dma_start3A_157 : memref<1x128xi32, #tpu.memory_space<vmem>> -> memref<128xi32, #tpu.memory_space<vmem>>
        %dma_start3A_159 = arith.constant 0 : i32
        %dma_start3A_160 = arith.constant 0 : i32
        %dma_start3A_161 = tpu.memref_slice %arg2[%dma_start3A_159, %dma_start3A_160] : memref<10000x64xf32, #tpu.memory_space<hbm>> -> memref<10000x64xf32, #tpu.memory_space<hbm>>
        tpu.enqueue_indirect_dma source(%dma_start3A_161 : memref<10000x64xf32, #tpu.memory_space<hbm>>) target(%arg10 : memref<128x64xf32, #tpu.memory_space<vmem>>) offsets(%dma_start3A_158 : memref<128xi32, #tpu.memory_space<vmem>>) semaphore(%arg15 : memref<!tpu.dma_semaphore, #tpu.memory_space<semaphore_mem>>)
      } else {
      }
      %add3A_124 = arith.constant 2 : i32
      %add3A_125 = arith.addi %add3A_39, %add3A_124 : i32
      %dma_wait3A_126 = arith.constant 0 : i32
      %dma_wait3A_127 = tpu.memref_slice %arg8[%add3A_125, %dma_wait3A_126] : memref<80x128xi32, #tpu.memory_space<vmem>> -> memref<1x128xi32, #tpu.memory_space<vmem>>
      %dma_wait3A_128 = tpu.memref_squeeze %dma_wait3A_127 : memref<1x128xi32, #tpu.memory_space<vmem>> -> memref<128xi32, #tpu.memory_space<vmem>>
      %dma_wait3A_129 = arith.constant 0 : i32
      %dma_wait3A_130 = arith.constant 0 : i32
      %dma_wait3A_131 = tpu.memref_slice %arg13[%dma_wait3A_129, %dma_wait3A_130] : memref<10240x64xf32, #tpu.memory_space<vmem_shared>> -> memref<10240x64xf32, #tpu.memory_space<vmem_shared>>
      tpu.wait_indirect_dma semaphore(%arg18 : memref<!tpu.dma_semaphore, #tpu.memory_space<semaphore_mem>>) src(%arg11 : memref<128x64xf32, #tpu.memory_space<vmem>>) dst(%dma_wait3A_131 : memref<10240x64xf32, #tpu.memory_space<vmem_shared>>)
      %add3A_132 = arith.constant 3 : i32
      %add3A_133 = arith.addi %add3A_39, %add3A_132 : i32
      %dma_wait3A_134 = arith.constant 0 : i32
      %dma_wait3A_135 = tpu.memref_slice %arg8[%add3A_133, %dma_wait3A_134] : memref<80x128xi32, #tpu.memory_space<vmem>> -> memref<1x128xi32, #tpu.memory_space<vmem>>
      %dma_wait3A_136 = tpu.memref_squeeze %dma_wait3A_135 : memref<1x128xi32, #tpu.memory_space<vmem>> -> memref<128xi32, #tpu.memory_space<vmem>>
      %dma_wait3A_137 = arith.constant 0 : i32
      %dma_wait3A_138 = arith.constant 0 : i32
      %dma_wait3A_139 = tpu.memref_slice %arg13[%dma_wait3A_137, %dma_wait3A_138] : memref<10240x64xf32, #tpu.memory_space<vmem_shared>> -> memref<10240x64xf32, #tpu.memory_space<vmem_shared>>
      tpu.wait_indirect_dma semaphore(%arg18 : memref<!tpu.dma_semaphore, #tpu.memory_space<semaphore_mem>>) src(%arg12 : memref<128x64xf32, #tpu.memory_space<vmem>>) dst(%dma_wait3A_139 : memref<10240x64xf32, #tpu.memory_space<vmem_shared>>)
      %add3A_140 = arith.constant 6 : i32
      %add3A_141 = arith.addi %add3A_39, %add3A_140 : i32
      %lt3A_142 = arith.constant 80 : i32
      %lt3A_143 = arith.cmpi slt, %add3A_141, %lt3A_142 : i32
      %convert_element_type3A_144 = arith.extui %lt3A_143 : i1 to i32
      %cond3A_145 = arith.constant 0 : i32
      %cond3A_146 = arith.cmpi ne, %convert_element_type3A_144, %cond3A_145 : i32
      scf.if %cond3A_146 {
        %add3A_154 = arith.constant 6 : i32
        %add3A_155 = arith.addi %add3A_39, %add3A_154 : i32
        %dma_start3A_156 = arith.constant 0 : i32
        %dma_start3A_157 = tpu.memref_slice %arg7[%add3A_155, %dma_start3A_156] : memref<80x128xi32, #tpu.memory_space<vmem>> -> memref<1x128xi32, #tpu.memory_space<vmem>>
        %dma_start3A_158 = tpu.memref_squeeze %dma_start3A_157 : memref<1x128xi32, #tpu.memory_space<vmem>> -> memref<128xi32, #tpu.memory_space<vmem>>
        %dma_start3A_159 = arith.constant 0 : i32
        %dma_start3A_160 = arith.constant 0 : i32
        %dma_start3A_161 = tpu.memref_slice %arg2[%dma_start3A_159, %dma_start3A_160] : memref<10000x64xf32, #tpu.memory_space<hbm>> -> memref<10000x64xf32, #tpu.memory_space<hbm>>
        tpu.enqueue_indirect_dma source(%dma_start3A_161 : memref<10000x64xf32, #tpu.memory_space<hbm>>) target(%arg11 : memref<128x64xf32, #tpu.memory_space<vmem>>) offsets(%dma_start3A_158 : memref<128xi32, #tpu.memory_space<vmem>>) semaphore(%arg16 : memref<!tpu.dma_semaphore, #tpu.memory_space<semaphore_mem>>)
      } else {
      }
      %add3A_147 = arith.constant 7 : i32
      %add3A_148 = arith.addi %add3A_39, %add3A_147 : i32
      %lt3A_149 = arith.constant 80 : i32
      %lt3A_150 = arith.cmpi slt, %add3A_148, %lt3A_149 : i32
      %convert_element_type3A_151 = arith.extui %lt3A_150 : i1 to i32
      %cond3A_152 = arith.constant 0 : i32
      %cond3A_153 = arith.cmpi ne, %convert_element_type3A_151, %cond3A_152 : i32
      scf.if %cond3A_153 {
        %add3A_154 = arith.constant 7 : i32
        %add3A_155 = arith.addi %add3A_39, %add3A_154 : i32
        %dma_start3A_156 = arith.constant 0 : i32
        %dma_start3A_157 = tpu.memref_slice %arg7[%add3A_155, %dma_start3A_156] : memref<80x128xi32, #tpu.memory_space<vmem>> -> memref<1x128xi32, #tpu.memory_space<vmem>>
        %dma_start3A_158 = tpu.memref_squeeze %dma_start3A_157 : memref<1x128xi32, #tpu.memory_space<vmem>> -> memref<128xi32, #tpu.memory_space<vmem>>
        %dma_start3A_159 = arith.constant 0 : i32
        %dma_start3A_160 = arith.constant 0 : i32
        %dma_start3A_161 = tpu.memref_slice %arg2[%dma_start3A_159, %dma_start3A_160] : memref<10000x64xf32, #tpu.memory_space<hbm>> -> memref<10000x64xf32, #tpu.memory_space<hbm>>
        tpu.enqueue_indirect_dma source(%dma_start3A_161 : memref<10000x64xf32, #tpu.memory_space<hbm>>) target(%arg12 : memref<128x64xf32, #tpu.memory_space<vmem>>) offsets(%dma_start3A_158 : memref<128xi32, #tpu.memory_space<vmem>>) semaphore(%arg17 : memref<!tpu.dma_semaphore, #tpu.memory_space<semaphore_mem>>)
      } else {
      }
    }
    %scan3A_33 = arith.constant 20 : i32
    %barrier3A_34 = arith.constant 0 : index
    tpu.barrier barrier_id(%barrier3A_34)
    "tpu.region"() ({
      %run_scoped3A = tpu.sem_alloc : memref<!tpu.dma_semaphore, #tpu.memory_space<semaphore_mem>>
      %dma_start3A_35 = arith.constant 0 : i32
      %dma_start3A_36 = tpu.memref_slice %arg6[%arg0, %mul3A_2, %dma_start3A_35] : memref<2x10240x64xf32, #tpu.memory_space<hbm>> -> memref<1x640x64xf32, #tpu.memory_space<hbm>>
      %dma_start3A_37 = tpu.memref_squeeze %dma_start3A_36 : memref<1x640x64xf32, #tpu.memory_space<hbm>> -> memref<640x64xf32, #tpu.memory_space<hbm>>
      %dma_start3A_38 = arith.constant 0 : i32
      %dma_start3A_39 = tpu.memref_slice %arg13[%mul3A_2, %dma_start3A_38] : memref<10240x64xf32, #tpu.memory_space<vmem_shared>> -> memref<640x64xf32, #tpu.memory_space<vmem_shared>>
      tpu.enqueue_dma source(%dma_start3A_39 : memref<640x64xf32, #tpu.memory_space<vmem_shared>>) target(%dma_start3A_37 : memref<640x64xf32, #tpu.memory_space<hbm>>) target_semaphore(%run_scoped3A : memref<!tpu.dma_semaphore, #tpu.memory_space<semaphore_mem>>)
      %dma_wait3A = arith.constant 0 : i32
      %dma_wait3A_40 = tpu.memref_slice %arg6[%arg0, %mul3A_2, %dma_wait3A] : memref<2x10240x64xf32, #tpu.memory_space<hbm>> -> memref<1x640x64xf32, #tpu.memory_space<hbm>>
      %dma_wait3A_41 = tpu.memref_squeeze %dma_wait3A_40 : memref<1x640x64xf32, #tpu.memory_space<hbm>> -> memref<640x64xf32, #tpu.memory_space<hbm>>
      %dma_wait3A_42 = arith.constant 0 : i32
      %dma_wait3A_43 = tpu.memref_slice %arg13[%mul3A_2, %dma_wait3A_42] : memref<10240x64xf32, #tpu.memory_space<vmem_shared>> -> memref<640x64xf32, #tpu.memory_space<vmem_shared>>
      tpu.wait_dma2 semaphore(%run_scoped3A : memref<!tpu.dma_semaphore, #tpu.memory_space<semaphore_mem>>) src(%dma_wait3A_43 : memref<640x64xf32, #tpu.memory_space<vmem_shared>>) dst(%dma_wait3A_41 : memref<640x64xf32, #tpu.memory_space<hbm>>)
      tpu.yield
    }) : () -> ()
    return
  }
}

#map = affine_map<(d0, d1) -> (0, 0)>
#map1 = affine_map<(d0, d1) -> (0, 0, 0)>
module attributes {stable_mosaic.version = 14 : i64} {
  func.func @k(%arg0: i32, %arg1: i32, %arg2: memref<10000x64xf32, #tpu.memory_space<hbm>>, %arg3: memref<32x80x128xi32, #tpu.memory_space<hbm>>, %arg4: memref<32x80x128xi32, #tpu.memory_space<hbm>>, %arg5: memref<640x64xf32, #tpu.memory_space<hbm>>, %arg6: memref<2x10240x64xf32, #tpu.memory_space<hbm>>, %arg7: memref<80x128xi32, #tpu.memory_space<vmem>>, %arg8: memref<80x128xi32, #tpu.memory_space<vmem>>, %arg9: memref<128x64xf32, #tpu.memory_space<vmem>>, %arg10: memref<128x64xf32, #tpu.memory_space<vmem>>, %arg11: memref<128x64xf32, #tpu.memory_space<vmem>>, %arg12: memref<128x64xf32, #tpu.memory_space<vmem>>, %arg13: memref<10240x64xf32, #tpu.memory_space<vmem_shared>>, %arg14: memref<!tpu.dma_semaphore, #tpu.memory_space<semaphore_mem>>, %arg15: memref<!tpu.dma_semaphore, #tpu.memory_space<semaphore_mem>>, %arg16: memref<!tpu.dma_semaphore, #tpu.memory_space<semaphore_mem>>, %arg17: memref<!tpu.dma_semaphore, #tpu.memory_space<semaphore_mem>>, %arg18: memref<!tpu.dma_semaphore, #tpu.memory_space<semaphore_mem>>) attributes {dimension_semantics = [#tpu.dimension_semantics<core_parallel>, #tpu.dimension_semantics<subcore_parallel>], iteration_bounds = array<i64: 2, 16>, scalar_prefetch = 0 : i64, scratch_operands = 12 : i64, tpu.core_type = #tpu.core_type<sc_vector_subcore>, window_params = [{transform_indices = #map}, {transform_indices = #map1}, {transform_indices = #map1}, {transform_indices = #map}, {transform_indices = #map1}]} {
    %mul3A = arith.constant 2 : i32
    %mul3A_0 = arith.muli %arg1, %mul3A : i32
    %add3A = arith.addi %mul3A_0, %arg0 : i32
    %mul3A_1 = arith.constant 640 : i32
    %mul3A_2 = arith.muli %arg1, %mul3A_1 : i32
    "tpu.region"() ({
      %run_scoped3A = tpu.sem_alloc : memref<!tpu.dma_semaphore, #tpu.memory_space<semaphore_mem>>
      %dma_start3A_35 = arith.constant 0 : i32
      %dma_start3A_36 = tpu.memref_slice %arg13[%mul3A_2, %dma_start3A_35] : memref<10240x64xf32, #tpu.memory_space<vmem_shared>> -> memref<640x64xf32, #tpu.memory_space<vmem_shared>>
      tpu.enqueue_dma source(%arg5 : memref<640x64xf32, #tpu.memory_space<hbm>>) target(%dma_start3A_36 : memref<640x64xf32, #tpu.memory_space<vmem_shared>>) target_semaphore(%run_scoped3A : memref<!tpu.dma_semaphore, #tpu.memory_space<semaphore_mem>>)
      %dma_wait3A = arith.constant 0 : i32
      %dma_wait3A_37 = tpu.memref_slice %arg13[%mul3A_2, %dma_wait3A] : memref<10240x64xf32, #tpu.memory_space<vmem_shared>> -> memref<640x64xf32, #tpu.memory_space<vmem_shared>>
      tpu.wait_dma2 semaphore(%run_scoped3A : memref<!tpu.dma_semaphore, #tpu.memory_space<semaphore_mem>>) src(%arg5 : memref<640x64xf32, #tpu.memory_space<hbm>>) dst(%dma_wait3A_37 : memref<640x64xf32, #tpu.memory_space<vmem_shared>>)
      tpu.yield
    }) : () -> ()
    "tpu.region"() ({
      %run_scoped3A = tpu.sem_alloc : memref<!tpu.dma_semaphore, #tpu.memory_space<semaphore_mem>>
      %dma_start3A_35 = arith.constant 0 : i32
      %dma_start3A_36 = arith.constant 0 : i32
      %dma_start3A_37 = tpu.memref_slice %arg3[%add3A, %dma_start3A_35, %dma_start3A_36] : memref<32x80x128xi32, #tpu.memory_space<hbm>> -> memref<1x80x128xi32, #tpu.memory_space<hbm>>
      %dma_start3A_38 = tpu.memref_squeeze %dma_start3A_37 : memref<1x80x128xi32, #tpu.memory_space<hbm>> -> memref<80x128xi32, #tpu.memory_space<hbm>>
      %dma_start3A_39 = arith.constant 0 : i32
      %dma_start3A_40 = arith.constant 0 : i32
      %dma_start3A_41 = tpu.memref_slice %arg3[%add3A, %dma_start3A_39, %dma_start3A_40] : memref<32x80x128xi32, #tpu.memory_space<hbm>> -> memref<1x80x128xi32, #tpu.memory_space<hbm>>
      %dma_start3A_42 = tpu.memref_squeeze %dma_start3A_41 : memref<1x80x128xi32, #tpu.memory_space<hbm>> -> memref<80x128xi32, #tpu.memory_space<hbm>>
      tpu.enqueue_dma source(%dma_start3A_42 : memref<80x128xi32, #tpu.memory_space<hbm>>) target(%arg7 : memref<80x128xi32, #tpu.memory_space<vmem>>) target_semaphore(%run_scoped3A : memref<!tpu.dma_semaphore, #tpu.memory_space<semaphore_mem>>)
      %dma_wait3A = arith.constant 0 : i32
      %dma_wait3A_43 = arith.constant 0 : i32
      %dma_wait3A_44 = tpu.memref_slice %arg3[%add3A, %dma_wait3A, %dma_wait3A_43] : memref<32x80x128xi32, #tpu.memory_space<hbm>> -> memref<1x80x128xi32, #tpu.memory_space<hbm>>
      %dma_wait3A_45 = tpu.memref_squeeze %dma_wait3A_44 : memref<1x80x128xi32, #tpu.memory_space<hbm>> -> memref<80x128xi32, #tpu.memory_space<hbm>>
      %dma_wait3A_46 = arith.constant 0 : i32
      %dma_wait3A_47 = arith.constant 0 : i32
      %dma_wait3A_48 = tpu.memref_slice %arg3[%add3A, %dma_wait3A_46, %dma_wait3A_47] : memref<32x80x128xi32, #tpu.memory_space<hbm>> -> memref<1x80x128xi32, #tpu.memory_space<hbm>>
      %dma_wait3A_49 = tpu.memref_squeeze %dma_wait3A_48 : memref<1x80x128xi32, #tpu.memory_space<hbm>> -> memref<80x128xi32, #tpu.memory_space<hbm>>
      tpu.wait_dma2 semaphore(%run_scoped3A : memref<!tpu.dma_semaphore, #tpu.memory_space<semaphore_mem>>) src(%dma_wait3A_49 : memref<80x128xi32, #tpu.memory_space<hbm>>) dst(%arg7 : memref<80x128xi32, #tpu.memory_space<vmem>>)
      tpu.yield
    }) : () -> ()
    "tpu.region"() ({
      %run_scoped3A = tpu.sem_alloc : memref<!tpu.dma_semaphore, #tpu.memory_space<semaphore_mem>>
      %dma_start3A_35 = arith.constant 0 : i32
      %dma_start3A_36 = arith.constant 0 : i32
      %dma_start3A_37 = tpu.memref_slice %arg4[%add3A, %dma_start3A_35, %dma_start3A_36] : memref<32x80x128xi32, #tpu.memory_space<hbm>> -> memref<1x80x128xi32, #tpu.memory_space<hbm>>
      %dma_start3A_38 = tpu.memref_squeeze %dma_start3A_37 : memref<1x80x128xi32, #tpu.memory_space<hbm>> -> memref<80x128xi32, #tpu.memory_space<hbm>>
      %dma_start3A_39 = arith.constant 0 : i32
      %dma_start3A_40 = arith.constant 0 : i32
      %dma_start3A_41 = tpu.memref_slice %arg4[%add3A, %dma_start3A_39, %dma_start3A_40] : memref<32x80x128xi32, #tpu.memory_space<hbm>> -> memref<1x80x128xi32, #tpu.memory_space<hbm>>
      %dma_start3A_42 = tpu.memref_squeeze %dma_start3A_41 : memref<1x80x128xi32, #tpu.memory_space<hbm>> -> memref<80x128xi32, #tpu.memory_space<hbm>>
      tpu.enqueue_dma source(%dma_start3A_42 : memref<80x128xi32, #tpu.memory_space<hbm>>) target(%arg8 : memref<80x128xi32, #tpu.memory_space<vmem>>) target_semaphore(%run_scoped3A : memref<!tpu.dma_semaphore, #tpu.memory_space<semaphore_mem>>)
      %dma_wait3A = arith.constant 0 : i32
      %dma_wait3A_43 = arith.constant 0 : i32
      %dma_wait3A_44 = tpu.memref_slice %arg4[%add3A, %dma_wait3A, %dma_wait3A_43] : memref<32x80x128xi32, #tpu.memory_space<hbm>> -> memref<1x80x128xi32, #tpu.memory_space<hbm>>
      %dma_wait3A_45 = tpu.memref_squeeze %dma_wait3A_44 : memref<1x80x128xi32, #tpu.memory_space<hbm>> -> memref<80x128xi32, #tpu.memory_space<hbm>>
      %dma_wait3A_46 = arith.constant 0 : i32
      %dma_wait3A_47 = arith.constant 0 : i32
      %dma_wait3A_48 = tpu.memref_slice %arg4[%add3A, %dma_wait3A_46, %dma_wait3A_47] : memref<32x80x128xi32, #tpu.memory_space<hbm>> -> memref<1x80x128xi32, #tpu.memory_space<hbm>>
      %dma_wait3A_49 = tpu.memref_squeeze %dma_wait3A_48 : memref<1x80x128xi32, #tpu.memory_space<hbm>> -> memref<80x128xi32, #tpu.memory_space<hbm>>
      tpu.wait_dma2 semaphore(%run_scoped3A : memref<!tpu.dma_semaphore, #tpu.memory_space<semaphore_mem>>) src(%dma_wait3A_49 : memref<80x128xi32, #tpu.memory_space<hbm>>) dst(%arg8 : memref<80x128xi32, #tpu.memory_space<vmem>>)
      tpu.yield
    }) : () -> ()
    %barrier3A = arith.constant 0 : index
    tpu.barrier barrier_id(%barrier3A)
    %dma_start3A = arith.constant 0 : i32
    %dma_start3A_3 = arith.constant 0 : i32
    %dma_start3A_4 = tpu.memref_slice %arg7[%dma_start3A, %dma_start3A_3] : memref<80x128xi32, #tpu.memory_space<vmem>> -> memref<1x128xi32, #tpu.memory_space<vmem>>
    %dma_start3A_5 = tpu.memref_squeeze %dma_start3A_4 : memref<1x128xi32, #tpu.memory_space<vmem>> -> memref<128xi32, #tpu.memory_space<vmem>>
    %dma_start3A_6 = arith.constant 0 : i32
    %dma_start3A_7 = arith.constant 0 : i32
    %dma_start3A_8 = tpu.memref_slice %arg2[%dma_start3A_6, %dma_start3A_7] : memref<10000x64xf32, #tpu.memory_space<hbm>> -> memref<10000x64xf32, #tpu.memory_space<hbm>>
    tpu.enqueue_indirect_dma source(%dma_start3A_8 : memref<10000x64xf32, #tpu.memory_space<hbm>>) target(%arg9 : memref<128x64xf32, #tpu.memory_space<vmem>>) offsets(%dma_start3A_5 : memref<128xi32, #tpu.memory_space<vmem>>) semaphore(%arg14 : memref<!tpu.dma_semaphore, #tpu.memory_space<semaphore_mem>>)
    %dma_start3A_9 = arith.constant 1 : i32
    %dma_start3A_10 = arith.constant 0 : i32
    %dma_start3A_11 = tpu.memref_slice %arg7[%dma_start3A_9, %dma_start3A_10] : memref<80x128xi32, #tpu.memory_space<vmem>> -> memref<1x128xi32, #tpu.memory_space<vmem>>
    %dma_start3A_12 = tpu.memref_squeeze %dma_start3A_11 : memref<1x128xi32, #tpu.memory_space<vmem>> -> memref<128xi32, #tpu.memory_space<vmem>>
    %dma_start3A_13 = arith.constant 0 : i32
    %dma_start3A_14 = arith.constant 0 : i32
    %dma_start3A_15 = tpu.memref_slice %arg2[%dma_start3A_13, %dma_start3A_14] : memref<10000x64xf32, #tpu.memory_space<hbm>> -> memref<10000x64xf32, #tpu.memory_space<hbm>>
    tpu.enqueue_indirect_dma source(%dma_start3A_15 : memref<10000x64xf32, #tpu.memory_space<hbm>>) target(%arg10 : memref<128x64xf32, #tpu.memory_space<vmem>>) offsets(%dma_start3A_12 : memref<128xi32, #tpu.memory_space<vmem>>) semaphore(%arg15 : memref<!tpu.dma_semaphore, #tpu.memory_space<semaphore_mem>>)
    %dma_start3A_16 = arith.constant 2 : i32
    %dma_start3A_17 = arith.constant 0 : i32
    %dma_start3A_18 = tpu.memref_slice %arg7[%dma_start3A_16, %dma_start3A_17] : memref<80x128xi32, #tpu.memory_space<vmem>> -> memref<1x128xi32, #tpu.memory_space<vmem>>
    %dma_start3A_19 = tpu.memref_squeeze %dma_start3A_18 : memref<1x128xi32, #tpu.memory_space<vmem>> -> memref<128xi32, #tpu.memory_space<vmem>>
    %dma_start3A_20 = arith.constant 0 : i32
    %dma_start3A_21 = arith.constant 0 : i32
    %dma_start3A_22 = tpu.memref_slice %arg2[%dma_start3A_20, %dma_start3A_21] : memref<10000x64xf32, #tpu.memory_space<hbm>> -> memref<10000x64xf32, #tpu.memory_space<hbm>>
    tpu.enqueue_indirect_dma source(%dma_start3A_22 : memref<10000x64xf32, #tpu.memory_space<hbm>>) target(%arg11 : memref<128x64xf32, #tpu.memory_space<vmem>>) offsets(%dma_start3A_19 : memref<128xi32, #tpu.memory_space<vmem>>) semaphore(%arg16 : memref<!tpu.dma_semaphore, #tpu.memory_space<semaphore_mem>>)
    %dma_start3A_23 = arith.constant 3 : i32
    %dma_start3A_24 = arith.constant 0 : i32
    %dma_start3A_25 = tpu.memref_slice %arg7[%dma_start3A_23, %dma_start3A_24] : memref<80x128xi32, #tpu.memory_space<vmem>> -> memref<1x128xi32, #tpu.memory_space<vmem>>
    %dma_start3A_26 = tpu.memref_squeeze %dma_start3A_25 : memref<1x128xi32, #tpu.memory_space<vmem>> -> memref<128xi32, #tpu.memory_space<vmem>>
    %dma_start3A_27 = arith.constant 0 : i32
    %dma_start3A_28 = arith.constant 0 : i32
    %dma_start3A_29 = tpu.memref_slice %arg2[%dma_start3A_27, %dma_start3A_28] : memref<10000x64xf32, #tpu.memory_space<hbm>> -> memref<10000x64xf32, #tpu.memory_space<hbm>>
    tpu.enqueue_indirect_dma source(%dma_start3A_29 : memref<10000x64xf32, #tpu.memory_space<hbm>>) target(%arg12 : memref<128x64xf32, #tpu.memory_space<vmem>>) offsets(%dma_start3A_26 : memref<128xi32, #tpu.memory_space<vmem>>) semaphore(%arg17 : memref<!tpu.dma_semaphore, #tpu.memory_space<semaphore_mem>>)
    %scan3A = arith.constant 0 : i32
    %scan3A_30 = arith.constant 20 : i32
    %scan3A_31 = arith.addi %scan3A, %scan3A_30 : i32
    %scan3A_32 = arith.constant 1 : i32
    scf.for %scan3A_35 = %scan3A to %scan3A_31 step %scan3A_32  : i32 {
      %mul3A_36 = arith.constant 4 : i32
      %mul3A_37 = arith.muli %scan3A_35, %mul3A_36 : i32
      %add3A_38 = arith.constant 0 : i32
      %add3A_39 = arith.addi %add3A_38, %mul3A_37 : i32
      %dma_wait3A = arith.constant 0 : i32
      %dma_wait3A_40 = tpu.memref_slice %arg7[%add3A_39, %dma_wait3A] : memref<80x128xi32, #tpu.memory_space<vmem>> -> memref<1x128xi32, #tpu.memory_space<vmem>>
      %dma_wait3A_41 = tpu.memref_squeeze %dma_wait3A_40 : memref<1x128xi32, #tpu.memory_space<vmem>> -> memref<128xi32, #tpu.memory_space<vmem>>
      %dma_wait3A_42 = arith.constant 0 : i32
      %dma_wait3A_43 = arith.constant 0 : i32
      %dma_wait3A_44 = tpu.memref_slice %arg2[%dma_wait3A_42, %dma_wait3A_43] : memref<10000x64xf32, #tpu.memory_space<hbm>> -> memref<10000x64xf32, #tpu.memory_space<hbm>>
      tpu.wait_indirect_dma semaphore(%arg14 : memref<!tpu.dma_semaphore, #tpu.memory_space<semaphore_mem>>) src(%dma_wait3A_44 : memref<10000x64xf32, #tpu.memory_space<hbm>>) dst(%arg9 : memref<128x64xf32, #tpu.memory_space<vmem>>)
      %add3A_45 = arith.constant 1 : i32
      %add3A_46 = arith.addi %add3A_39, %add3A_45 : i32
      %dma_wait3A_47 = arith.constant 0 : i32
      %dma_wait3A_48 = tpu.memref_slice %arg7[%add3A_46, %dma_wait3A_47] : memref<80x128xi32, #tpu.memory_space<vmem>> -> memref<1x128xi32, #tpu.memory_space<vmem>>
      %dma_wait3A_49 = tpu.memref_squeeze %dma_wait3A_48 : memref<1x128xi32, #tpu.memory_space<vmem>> -> memref<128xi32, #tpu.memory_space<vmem>>
      %dma_wait3A_50 = arith.constant 0 : i32
      %dma_wait3A_51 = arith.constant 0 : i32
      %dma_wait3A_52 = tpu.memref_slice %arg2[%dma_wait3A_50, %dma_wait3A_51] : memref<10000x64xf32, #tpu.memory_space<hbm>> -> memref<10000x64xf32, #tpu.memory_space<hbm>>
      tpu.wait_indirect_dma semaphore(%arg15 : memref<!tpu.dma_semaphore, #tpu.memory_space<semaphore_mem>>) src(%dma_wait3A_52 : memref<10000x64xf32, #tpu.memory_space<hbm>>) dst(%arg10 : memref<128x64xf32, #tpu.memory_space<vmem>>)
      %dma_start3A_53 = arith.constant 0 : i32
      %dma_start3A_54 = tpu.memref_slice %arg8[%add3A_39, %dma_start3A_53] : memref<80x128xi32, #tpu.memory_space<vmem>> -> memref<1x128xi32, #tpu.memory_space<vmem>>
      %dma_start3A_55 = tpu.memref_squeeze %dma_start3A_54 : memref<1x128xi32, #tpu.memory_space<vmem>> -> memref<128xi32, #tpu.memory_space<vmem>>
      %dma_start3A_56 = arith.constant 0 : i32
      %dma_start3A_57 = arith.constant 0 : i32
      %dma_start3A_58 = tpu.memref_slice %arg13[%dma_start3A_56, %dma_start3A_57] : memref<10240x64xf32, #tpu.memory_space<vmem_shared>> -> memref<10240x64xf32, #tpu.memory_space<vmem_shared>>
      tpu.enqueue_indirect_dma source(%arg9 : memref<128x64xf32, #tpu.memory_space<vmem>>) target(%dma_start3A_58 : memref<10240x64xf32, #tpu.memory_space<vmem_shared>>) offsets(%dma_start3A_55 : memref<128xi32, #tpu.memory_space<vmem>>) semaphore(%arg18 : memref<!tpu.dma_semaphore, #tpu.memory_space<semaphore_mem>>) {add = true}
      %add3A_59 = arith.constant 1 : i32
      %add3A_60 = arith.addi %add3A_39, %add3A_59 : i32
      %dma_start3A_61 = arith.constant 0 : i32
      %dma_start3A_62 = tpu.memref_slice %arg8[%add3A_60, %dma_start3A_61] : memref<80x128xi32, #tpu.memory_space<vmem>> -> memref<1x128xi32, #tpu.memory_space<vmem>>
      %dma_start3A_63 = tpu.memref_squeeze %dma_start3A_62 : memref<1x128xi32, #tpu.memory_space<vmem>> -> memref<128xi32, #tpu.memory_space<vmem>>
      %dma_start3A_64 = arith.constant 0 : i32
      %dma_start3A_65 = arith.constant 0 : i32
      %dma_start3A_66 = tpu.memref_slice %arg13[%dma_start3A_64, %dma_start3A_65] : memref<10240x64xf32, #tpu.memory_space<vmem_shared>> -> memref<10240x64xf32, #tpu.memory_space<vmem_shared>>
      tpu.enqueue_indirect_dma source(%arg10 : memref<128x64xf32, #tpu.memory_space<vmem>>) target(%dma_start3A_66 : memref<10240x64xf32, #tpu.memory_space<vmem_shared>>) offsets(%dma_start3A_63 : memref<128xi32, #tpu.memory_space<vmem>>) semaphore(%arg18 : memref<!tpu.dma_semaphore, #tpu.memory_space<semaphore_mem>>) {add = true}
      %add3A_67 = arith.constant 2 : i32
      %add3A_68 = arith.addi %add3A_39, %add3A_67 : i32
      %dma_wait3A_69 = arith.constant 0 : i32
      %dma_wait3A_70 = tpu.memref_slice %arg7[%add3A_68, %dma_wait3A_69] : memref<80x128xi32, #tpu.memory_space<vmem>> -> memref<1x128xi32, #tpu.memory_space<vmem>>
      %dma_wait3A_71 = tpu.memref_squeeze %dma_wait3A_70 : memref<1x128xi32, #tpu.memory_space<vmem>> -> memref<128xi32, #tpu.memory_space<vmem>>
      %dma_wait3A_72 = arith.constant 0 : i32
      %dma_wait3A_73 = arith.constant 0 : i32
      %dma_wait3A_74 = tpu.memref_slice %arg2[%dma_wait3A_72, %dma_wait3A_73] : memref<10000x64xf32, #tpu.memory_space<hbm>> -> memref<10000x64xf32, #tpu.memory_space<hbm>>
      tpu.wait_indirect_dma semaphore(%arg16 : memref<!tpu.dma_semaphore, #tpu.memory_space<semaphore_mem>>) src(%dma_wait3A_74 : memref<10000x64xf32, #tpu.memory_space<hbm>>) dst(%arg11 : memref<128x64xf32, #tpu.memory_space<vmem>>)
      %add3A_75 = arith.constant 3 : i32
      %add3A_76 = arith.addi %add3A_39, %add3A_75 : i32
      %dma_wait3A_77 = arith.constant 0 : i32
      %dma_wait3A_78 = tpu.memref_slice %arg7[%add3A_76, %dma_wait3A_77] : memref<80x128xi32, #tpu.memory_space<vmem>> -> memref<1x128xi32, #tpu.memory_space<vmem>>
      %dma_wait3A_79 = tpu.memref_squeeze %dma_wait3A_78 : memref<1x128xi32, #tpu.memory_space<vmem>> -> memref<128xi32, #tpu.memory_space<vmem>>
      %dma_wait3A_80 = arith.constant 0 : i32
      %dma_wait3A_81 = arith.constant 0 : i32
      %dma_wait3A_82 = tpu.memref_slice %arg2[%dma_wait3A_80, %dma_wait3A_81] : memref<10000x64xf32, #tpu.memory_space<hbm>> -> memref<10000x64xf32, #tpu.memory_space<hbm>>
      tpu.wait_indirect_dma semaphore(%arg17 : memref<!tpu.dma_semaphore, #tpu.memory_space<semaphore_mem>>) src(%dma_wait3A_82 : memref<10000x64xf32, #tpu.memory_space<hbm>>) dst(%arg12 : memref<128x64xf32, #tpu.memory_space<vmem>>)
      %dma_wait3A_83 = arith.constant 0 : i32
      %dma_wait3A_84 = tpu.memref_slice %arg8[%add3A_39, %dma_wait3A_83] : memref<80x128xi32, #tpu.memory_space<vmem>> -> memref<1x128xi32, #tpu.memory_space<vmem>>
      %dma_wait3A_85 = tpu.memref_squeeze %dma_wait3A_84 : memref<1x128xi32, #tpu.memory_space<vmem>> -> memref<128xi32, #tpu.memory_space<vmem>>
      %dma_wait3A_86 = arith.constant 0 : i32
      %dma_wait3A_87 = arith.constant 0 : i32
      %dma_wait3A_88 = tpu.memref_slice %arg13[%dma_wait3A_86, %dma_wait3A_87] : memref<10240x64xf32, #tpu.memory_space<vmem_shared>> -> memref<10240x64xf32, #tpu.memory_space<vmem_shared>>
      tpu.wait_indirect_dma semaphore(%arg18 : memref<!tpu.dma_semaphore, #tpu.memory_space<semaphore_mem>>) src(%arg9 : memref<128x64xf32, #tpu.memory_space<vmem>>) dst(%dma_wait3A_88 : memref<10240x64xf32, #tpu.memory_space<vmem_shared>>)
      %add3A_89 = arith.constant 1 : i32
      %add3A_90 = arith.addi %add3A_39, %add3A_89 : i32
      %dma_wait3A_91 = arith.constant 0 : i32
      %dma_wait3A_92 = tpu.memref_slice %arg8[%add3A_90, %dma_wait3A_91] : memref<80x128xi32, #tpu.memory_space<vmem>> -> memref<1x128xi32, #tpu.memory_space<vmem>>
      %dma_wait3A_93 = tpu.memref_squeeze %dma_wait3A_92 : memref<1x128xi32, #tpu.memory_space<vmem>> -> memref<128xi32, #tpu.memory_space<vmem>>
      %dma_wait3A_94 = arith.constant 0 : i32
      %dma_wait3A_95 = arith.constant 0 : i32
      %dma_wait3A_96 = tpu.memref_slice %arg13[%dma_wait3A_94, %dma_wait3A_95] : memref<10240x64xf32, #tpu.memory_space<vmem_shared>> -> memref<10240x64xf32, #tpu.memory_space<vmem_shared>>
      tpu.wait_indirect_dma semaphore(%arg18 : memref<!tpu.dma_semaphore, #tpu.memory_space<semaphore_mem>>) src(%arg10 : memref<128x64xf32, #tpu.memory_space<vmem>>) dst(%dma_wait3A_96 : memref<10240x64xf32, #tpu.memory_space<vmem_shared>>)
      %add3A_97 = arith.constant 2 : i32
      %add3A_98 = arith.addi %add3A_39, %add3A_97 : i32
      %dma_start3A_99 = arith.constant 0 : i32
      %dma_start3A_100 = tpu.memref_slice %arg8[%add3A_98, %dma_start3A_99] : memref<80x128xi32, #tpu.memory_space<vmem>> -> memref<1x128xi32, #tpu.memory_space<vmem>>
      %dma_start3A_101 = tpu.memref_squeeze %dma_start3A_100 : memref<1x128xi32, #tpu.memory_space<vmem>> -> memref<128xi32, #tpu.memory_space<vmem>>
      %dma_start3A_102 = arith.constant 0 : i32
      %dma_start3A_103 = arith.constant 0 : i32
      %dma_start3A_104 = tpu.memref_slice %arg13[%dma_start3A_102, %dma_start3A_103] : memref<10240x64xf32, #tpu.memory_space<vmem_shared>> -> memref<10240x64xf32, #tpu.memory_space<vmem_shared>>
      tpu.enqueue_indirect_dma source(%arg11 : memref<128x64xf32, #tpu.memory_space<vmem>>) target(%dma_start3A_104 : memref<10240x64xf32, #tpu.memory_space<vmem_shared>>) offsets(%dma_start3A_101 : memref<128xi32, #tpu.memory_space<vmem>>) semaphore(%arg18 : memref<!tpu.dma_semaphore, #tpu.memory_space<semaphore_mem>>) {add = true}
      %add3A_105 = arith.constant 3 : i32
      %add3A_106 = arith.addi %add3A_39, %add3A_105 : i32
      %dma_start3A_107 = arith.constant 0 : i32
      %dma_start3A_108 = tpu.memref_slice %arg8[%add3A_106, %dma_start3A_107] : memref<80x128xi32, #tpu.memory_space<vmem>> -> memref<1x128xi32, #tpu.memory_space<vmem>>
      %dma_start3A_109 = tpu.memref_squeeze %dma_start3A_108 : memref<1x128xi32, #tpu.memory_space<vmem>> -> memref<128xi32, #tpu.memory_space<vmem>>
      %dma_start3A_110 = arith.constant 0 : i32
      %dma_start3A_111 = arith.constant 0 : i32
      %dma_start3A_112 = tpu.memref_slice %arg13[%dma_start3A_110, %dma_start3A_111] : memref<10240x64xf32, #tpu.memory_space<vmem_shared>> -> memref<10240x64xf32, #tpu.memory_space<vmem_shared>>
      tpu.enqueue_indirect_dma source(%arg12 : memref<128x64xf32, #tpu.memory_space<vmem>>) target(%dma_start3A_112 : memref<10240x64xf32, #tpu.memory_space<vmem_shared>>) offsets(%dma_start3A_109 : memref<128xi32, #tpu.memory_space<vmem>>) semaphore(%arg18 : memref<!tpu.dma_semaphore, #tpu.memory_space<semaphore_mem>>) {add = true}
      %add3A_113 = arith.constant 4 : i32
      %add3A_114 = arith.addi %add3A_39, %add3A_113 : i32
      %lt3A = arith.constant 80 : i32
      %lt3A_115 = arith.cmpi slt, %add3A_114, %lt3A : i32
      %convert_element_type3A = arith.extui %lt3A_115 : i1 to i32
      %cond3A = arith.constant 0 : i32
      %cond3A_116 = arith.cmpi ne, %convert_element_type3A, %cond3A : i32
      scf.if %cond3A_116 {
        %add3A_154 = arith.constant 4 : i32
        %add3A_155 = arith.addi %add3A_39, %add3A_154 : i32
        %dma_start3A_156 = arith.constant 0 : i32
        %dma_start3A_157 = tpu.memref_slice %arg7[%add3A_155, %dma_start3A_156] : memref<80x128xi32, #tpu.memory_space<vmem>> -> memref<1x128xi32, #tpu.memory_space<vmem>>
        %dma_start3A_158 = tpu.memref_squeeze %dma_start3A_157 : memref<1x128xi32, #tpu.memory_space<vmem>> -> memref<128xi32, #tpu.memory_space<vmem>>
        %dma_start3A_159 = arith.constant 0 : i32
        %dma_start3A_160 = arith.constant 0 : i32
        %dma_start3A_161 = tpu.memref_slice %arg2[%dma_start3A_159, %dma_start3A_160] : memref<10000x64xf32, #tpu.memory_space<hbm>> -> memref<10000x64xf32, #tpu.memory_space<hbm>>
        tpu.enqueue_indirect_dma source(%dma_start3A_161 : memref<10000x64xf32, #tpu.memory_space<hbm>>) target(%arg9 : memref<128x64xf32, #tpu.memory_space<vmem>>) offsets(%dma_start3A_158 : memref<128xi32, #tpu.memory_space<vmem>>) semaphore(%arg14 : memref<!tpu.dma_semaphore, #tpu.memory_space<semaphore_mem>>)
      } else {
      }
      %add3A_117 = arith.constant 5 : i32
      %add3A_118 = arith.addi %add3A_39, %add3A_117 : i32
      %lt3A_119 = arith.constant 80 : i32
      %lt3A_120 = arith.cmpi slt, %add3A_118, %lt3A_119 : i32
      %convert_element_type3A_121 = arith.extui %lt3A_120 : i1 to i32
      %cond3A_122 = arith.constant 0 : i32
      %cond3A_123 = arith.cmpi ne, %convert_element_type3A_121, %cond3A_122 : i32
      scf.if %cond3A_123 {
        %add3A_154 = arith.constant 5 : i32
        %add3A_155 = arith.addi %add3A_39, %add3A_154 : i32
        %dma_start3A_156 = arith.constant 0 : i32
        %dma_start3A_157 = tpu.memref_slice %arg7[%add3A_155, %dma_start3A_156] : memref<80x128xi32, #tpu.memory_space<vmem>> -> memref<1x128xi32, #tpu.memory_space<vmem>>
        %dma_start3A_158 = tpu.memref_squeeze %dma_start3A_157 : memref<1x128xi32, #tpu.memory_space<vmem>> -> memref<128xi32, #tpu.memory_space<vmem>>
        %dma_start3A_159 = arith.constant 0 : i32
        %dma_start3A_160 = arith.constant 0 : i32
        %dma_start3A_161 = tpu.memref_slice %arg2[%dma_start3A_159, %dma_start3A_160] : memref<10000x64xf32, #tpu.memory_space<hbm>> -> memref<10000x64xf32, #tpu.memory_space<hbm>>
        tpu.enqueue_indirect_dma source(%dma_start3A_161 : memref<10000x64xf32, #tpu.memory_space<hbm>>) target(%arg10 : memref<128x64xf32, #tpu.memory_space<vmem>>) offsets(%dma_start3A_158 : memref<128xi32, #tpu.memory_space<vmem>>) semaphore(%arg15 : memref<!tpu.dma_semaphore, #tpu.memory_space<semaphore_mem>>)
      } else {
      }
      %add3A_124 = arith.constant 2 : i32
      %add3A_125 = arith.addi %add3A_39, %add3A_124 : i32
      %dma_wait3A_126 = arith.constant 0 : i32
      %dma_wait3A_127 = tpu.memref_slice %arg8[%add3A_125, %dma_wait3A_126] : memref<80x128xi32, #tpu.memory_space<vmem>> -> memref<1x128xi32, #tpu.memory_space<vmem>>
      %dma_wait3A_128 = tpu.memref_squeeze %dma_wait3A_127 : memref<1x128xi32, #tpu.memory_space<vmem>> -> memref<128xi32, #tpu.memory_space<vmem>>
      %dma_wait3A_129 = arith.constant 0 : i32
      %dma_wait3A_130 = arith.constant 0 : i32
      %dma_wait3A_131 = tpu.memref_slice %arg13[%dma_wait3A_129, %dma_wait3A_130] : memref<10240x64xf32, #tpu.memory_space<vmem_shared>> -> memref<10240x64xf32, #tpu.memory_space<vmem_shared>>
      tpu.wait_indirect_dma semaphore(%arg18 : memref<!tpu.dma_semaphore, #tpu.memory_space<semaphore_mem>>) src(%arg11 : memref<128x64xf32, #tpu.memory_space<vmem>>) dst(%dma_wait3A_131 : memref<10240x64xf32, #tpu.memory_space<vmem_shared>>)
      %add3A_132 = arith.constant 3 : i32
      %add3A_133 = arith.addi %add3A_39, %add3A_132 : i32
      %dma_wait3A_134 = arith.constant 0 : i32
      %dma_wait3A_135 = tpu.memref_slice %arg8[%add3A_133, %dma_wait3A_134] : memref<80x128xi32, #tpu.memory_space<vmem>> -> memref<1x128xi32, #tpu.memory_space<vmem>>
      %dma_wait3A_136 = tpu.memref_squeeze %dma_wait3A_135 : memref<1x128xi32, #tpu.memory_space<vmem>> -> memref<128xi32, #tpu.memory_space<vmem>>
      %dma_wait3A_137 = arith.constant 0 : i32
      %dma_wait3A_138 = arith.constant 0 : i32
      %dma_wait3A_139 = tpu.memref_slice %arg13[%dma_wait3A_137, %dma_wait3A_138] : memref<10240x64xf32, #tpu.memory_space<vmem_shared>> -> memref<10240x64xf32, #tpu.memory_space<vmem_shared>>
      tpu.wait_indirect_dma semaphore(%arg18 : memref<!tpu.dma_semaphore, #tpu.memory_space<semaphore_mem>>) src(%arg12 : memref<128x64xf32, #tpu.memory_space<vmem>>) dst(%dma_wait3A_139 : memref<10240x64xf32, #tpu.memory_space<vmem_shared>>)
      %add3A_140 = arith.constant 6 : i32
      %add3A_141 = arith.addi %add3A_39, %add3A_140 : i32
      %lt3A_142 = arith.constant 80 : i32
      %lt3A_143 = arith.cmpi slt, %add3A_141, %lt3A_142 : i32
      %convert_element_type3A_144 = arith.extui %lt3A_143 : i1 to i32
      %cond3A_145 = arith.constant 0 : i32
      %cond3A_146 = arith.cmpi ne, %convert_element_type3A_144, %cond3A_145 : i32
      scf.if %cond3A_146 {
        %add3A_154 = arith.constant 6 : i32
        %add3A_155 = arith.addi %add3A_39, %add3A_154 : i32
        %dma_start3A_156 = arith.constant 0 : i32
        %dma_start3A_157 = tpu.memref_slice %arg7[%add3A_155, %dma_start3A_156] : memref<80x128xi32, #tpu.memory_space<vmem>> -> memref<1x128xi32, #tpu.memory_space<vmem>>
        %dma_start3A_158 = tpu.memref_squeeze %dma_start3A_157 : memref<1x128xi32, #tpu.memory_space<vmem>> -> memref<128xi32, #tpu.memory_space<vmem>>
        %dma_start3A_159 = arith.constant 0 : i32
        %dma_start3A_160 = arith.constant 0 : i32
        %dma_start3A_161 = tpu.memref_slice %arg2[%dma_start3A_159, %dma_start3A_160] : memref<10000x64xf32, #tpu.memory_space<hbm>> -> memref<10000x64xf32, #tpu.memory_space<hbm>>
        tpu.enqueue_indirect_dma source(%dma_start3A_161 : memref<10000x64xf32, #tpu.memory_space<hbm>>) target(%arg11 : memref<128x64xf32, #tpu.memory_space<vmem>>) offsets(%dma_start3A_158 : memref<128xi32, #tpu.memory_space<vmem>>) semaphore(%arg16 : memref<!tpu.dma_semaphore, #tpu.memory_space<semaphore_mem>>)
      } else {
      }
      %add3A_147 = arith.constant 7 : i32
      %add3A_148 = arith.addi %add3A_39, %add3A_147 : i32
      %lt3A_149 = arith.constant 80 : i32
      %lt3A_150 = arith.cmpi slt, %add3A_148, %lt3A_149 : i32
      %convert_element_type3A_151 = arith.extui %lt3A_150 : i1 to i32
      %cond3A_152 = arith.constant 0 : i32
      %cond3A_153 = arith.cmpi ne, %convert_element_type3A_151, %cond3A_152 : i32
      scf.if %cond3A_153 {
        %add3A_154 = arith.constant 7 : i32
        %add3A_155 = arith.addi %add3A_39, %add3A_154 : i32
        %dma_start3A_156 = arith.constant 0 : i32
        %dma_start3A_157 = tpu.memref_slice %arg7[%add3A_155, %dma_start3A_156] : memref<80x128xi32, #tpu.memory_space<vmem>> -> memref<1x128xi32, #tpu.memory_space<vmem>>
        %dma_start3A_158 = tpu.memref_squeeze %dma_start3A_157 : memref<1x128xi32, #tpu.memory_space<vmem>> -> memref<128xi32, #tpu.memory_space<vmem>>
        %dma_start3A_159 = arith.constant 0 : i32
        %dma_start3A_160 = arith.constant 0 : i32
        %dma_start3A_161 = tpu.memref_slice %arg2[%dma_start3A_159, %dma_start3A_160] : memref<10000x64xf32, #tpu.memory_space<hbm>> -> memref<10000x64xf32, #tpu.memory_space<hbm>>
        tpu.enqueue_indirect_dma source(%dma_start3A_161 : memref<10000x64xf32, #tpu.memory_space<hbm>>) target(%arg12 : memref<128x64xf32, #tpu.memory_space<vmem>>) offsets(%dma_start3A_158 : memref<128xi32, #tpu.memory_space<vmem>>) semaphore(%arg17 : memref<!tpu.dma_semaphore, #tpu.memory_space<semaphore_mem>>)
      } else {
      }
    }
    %scan3A_33 = arith.constant 20 : i32
    %barrier3A_34 = arith.constant 0 : index
    tpu.barrier barrier_id(%barrier3A_34)
    "tpu.region"() ({
      %run_scoped3A = tpu.sem_alloc : memref<!tpu.dma_semaphore, #tpu.memory_space<semaphore_mem>>
      %dma_start3A_35 = arith.constant 0 : i32
      %dma_start3A_36 = tpu.memref_slice %arg6[%arg0, %mul3A_2, %dma_start3A_35] : memref<2x10240x64xf32, #tpu.memory_space<hbm>> -> memref<1x640x64xf32, #tpu.memory_space<hbm>>
      %dma_start3A_37 = tpu.memref_squeeze %dma_start3A_36 : memref<1x640x64xf32, #tpu.memory_space<hbm>> -> memref<640x64xf32, #tpu.memory_space<hbm>>
      %dma_start3A_38 = arith.constant 0 : i32
      %dma_start3A_39 = tpu.memref_slice %arg13[%mul3A_2, %dma_start3A_38] : memref<10240x64xf32, #tpu.memory_space<vmem_shared>> -> memref<640x64xf32, #tpu.memory_space<vmem_shared>>
      tpu.enqueue_dma source(%dma_start3A_39 : memref<640x64xf32, #tpu.memory_space<vmem_shared>>) target(%dma_start3A_37 : memref<640x64xf32, #tpu.memory_space<hbm>>) target_semaphore(%run_scoped3A : memref<!tpu.dma_semaphore, #tpu.memory_space<semaphore_mem>>)
      %dma_wait3A = arith.constant 0 : i32
      %dma_wait3A_40 = tpu.memref_slice %arg6[%arg0, %mul3A_2, %dma_wait3A] : memref<2x10240x64xf32, #tpu.memory_space<hbm>> -> memref<1x640x64xf32, #tpu.memory_space<hbm>>
      %dma_wait3A_41 = tpu.memref_squeeze %dma_wait3A_40 : memref<1x640x64xf32, #tpu.memory_space<hbm>> -> memref<640x64xf32, #tpu.memory_space<hbm>>
      %dma_wait3A_42 = arith.constant 0 : i32
      %dma_wait3A_43 = tpu.memref_slice %arg13[%mul3A_2, %dma_wait3A_42] : memref<10240x64xf32, #tpu.memory_space<vmem_shared>> -> memref<640x64xf32, #tpu.memory_space<vmem_shared>>
      tpu.wait_dma2 semaphore(%run_scoped3A : memref<!tpu.dma_semaphore, #tpu.memory_space<semaphore_mem>>) src(%dma_wait3A_43 : memref<640x64xf32, #tpu.memory_space<vmem_shared>>) dst(%dma_wait3A_41 : memref<640x64xf32, #tpu.memory_space<hbm>>)
      tpu.yield
    }) : () -> ()
    return
  }
}

#map = affine_map<(d0, d1) -> (0, 0, 0)>
#map1 = affine_map<(d0, d1) -> (0, 0)>
module attributes {stable_mosaic.version = 14 : i64} {
  func.func @k(%arg0: i32, %arg1: i32, %arg2: memref<32x80x128xi32, #tpu.memory_space<hbm>>, %arg3: memref<128x16xf32, #tpu.memory_space<hbm>>, %arg4: memref<640x16xf32, #tpu.memory_space<hbm>>, %arg5: memref<2x10240x16xf32, #tpu.memory_space<hbm>>, %arg6: memref<80x128xi32, #tpu.memory_space<vmem>>, %arg7: memref<128x16xf32, #tpu.memory_space<vmem>>, %arg8: memref<10240x16xf32, #tpu.memory_space<vmem_shared>>, %arg9: memref<!tpu.dma_semaphore, #tpu.memory_space<semaphore_mem>>) attributes {dimension_semantics = [#tpu.dimension_semantics<core_parallel>, #tpu.dimension_semantics<subcore_parallel>], iteration_bounds = array<i64: 2, 16>, scalar_prefetch = 0 : i64, scratch_operands = 4 : i64, tpu.core_type = #tpu.core_type<sc_vector_subcore>, window_params = [{transform_indices = #map}, {transform_indices = #map1}, {transform_indices = #map1}, {transform_indices = #map}]} {
    %mul3A = arith.constant 2 : i32
    %mul3A_0 = arith.muli %arg1, %mul3A : i32
    %add3A = arith.addi %mul3A_0, %arg0 : i32
    %mul3A_1 = arith.constant 640 : i32
    %mul3A_2 = arith.muli %arg1, %mul3A_1 : i32
    "tpu.region"() ({
      %run_scoped3A = tpu.sem_alloc : memref<!tpu.dma_semaphore, #tpu.memory_space<semaphore_mem>>
      %dma_start3A = arith.constant 0 : i32
      %dma_start3A_8 = tpu.memref_slice %arg8[%mul3A_2, %dma_start3A] : memref<10240x16xf32, #tpu.memory_space<vmem_shared>> -> memref<640x16xf32, #tpu.memory_space<vmem_shared>>
      tpu.enqueue_dma source(%arg4 : memref<640x16xf32, #tpu.memory_space<hbm>>) target(%dma_start3A_8 : memref<640x16xf32, #tpu.memory_space<vmem_shared>>) target_semaphore(%run_scoped3A : memref<!tpu.dma_semaphore, #tpu.memory_space<semaphore_mem>>)
      %dma_wait3A = arith.constant 0 : i32
      %dma_wait3A_9 = tpu.memref_slice %arg8[%mul3A_2, %dma_wait3A] : memref<10240x16xf32, #tpu.memory_space<vmem_shared>> -> memref<640x16xf32, #tpu.memory_space<vmem_shared>>
      tpu.wait_dma2 semaphore(%run_scoped3A : memref<!tpu.dma_semaphore, #tpu.memory_space<semaphore_mem>>) src(%arg4 : memref<640x16xf32, #tpu.memory_space<hbm>>) dst(%dma_wait3A_9 : memref<640x16xf32, #tpu.memory_space<vmem_shared>>)
      tpu.yield
    }) : () -> ()
    "tpu.region"() ({
      %run_scoped3A = tpu.sem_alloc : memref<!tpu.dma_semaphore, #tpu.memory_space<semaphore_mem>>
      tpu.enqueue_dma source(%arg3 : memref<128x16xf32, #tpu.memory_space<hbm>>) target(%arg7 : memref<128x16xf32, #tpu.memory_space<vmem>>) target_semaphore(%run_scoped3A : memref<!tpu.dma_semaphore, #tpu.memory_space<semaphore_mem>>)
      tpu.wait_dma2 semaphore(%run_scoped3A : memref<!tpu.dma_semaphore, #tpu.memory_space<semaphore_mem>>) src(%arg3 : memref<128x16xf32, #tpu.memory_space<hbm>>) dst(%arg7 : memref<128x16xf32, #tpu.memory_space<vmem>>)
      tpu.yield
    }) : () -> ()
    "tpu.region"() ({
      %run_scoped3A = tpu.sem_alloc : memref<!tpu.dma_semaphore, #tpu.memory_space<semaphore_mem>>
      %dma_start3A = arith.constant 0 : i32
      %dma_start3A_8 = arith.constant 0 : i32
      %dma_start3A_9 = tpu.memref_slice %arg2[%add3A, %dma_start3A, %dma_start3A_8] : memref<32x80x128xi32, #tpu.memory_space<hbm>> -> memref<1x80x128xi32, #tpu.memory_space<hbm>>
      %dma_start3A_10 = tpu.memref_squeeze %dma_start3A_9 : memref<1x80x128xi32, #tpu.memory_space<hbm>> -> memref<80x128xi32, #tpu.memory_space<hbm>>
      %dma_start3A_11 = arith.constant 0 : i32
      %dma_start3A_12 = arith.constant 0 : i32
      %dma_start3A_13 = tpu.memref_slice %arg2[%add3A, %dma_start3A_11, %dma_start3A_12] : memref<32x80x128xi32, #tpu.memory_space<hbm>> -> memref<1x80x128xi32, #tpu.memory_space<hbm>>
      %dma_start3A_14 = tpu.memref_squeeze %dma_start3A_13 : memref<1x80x128xi32, #tpu.memory_space<hbm>> -> memref<80x128xi32, #tpu.memory_space<hbm>>
      tpu.enqueue_dma source(%dma_start3A_14 : memref<80x128xi32, #tpu.memory_space<hbm>>) target(%arg6 : memref<80x128xi32, #tpu.memory_space<vmem>>) target_semaphore(%run_scoped3A : memref<!tpu.dma_semaphore, #tpu.memory_space<semaphore_mem>>)
      %dma_wait3A = arith.constant 0 : i32
      %dma_wait3A_15 = arith.constant 0 : i32
      %dma_wait3A_16 = tpu.memref_slice %arg2[%add3A, %dma_wait3A, %dma_wait3A_15] : memref<32x80x128xi32, #tpu.memory_space<hbm>> -> memref<1x80x128xi32, #tpu.memory_space<hbm>>
      %dma_wait3A_17 = tpu.memref_squeeze %dma_wait3A_16 : memref<1x80x128xi32, #tpu.memory_space<hbm>> -> memref<80x128xi32, #tpu.memory_space<hbm>>
      %dma_wait3A_18 = arith.constant 0 : i32
      %dma_wait3A_19 = arith.constant 0 : i32
      %dma_wait3A_20 = tpu.memref_slice %arg2[%add3A, %dma_wait3A_18, %dma_wait3A_19] : memref<32x80x128xi32, #tpu.memory_space<hbm>> -> memref<1x80x128xi32, #tpu.memory_space<hbm>>
      %dma_wait3A_21 = tpu.memref_squeeze %dma_wait3A_20 : memref<1x80x128xi32, #tpu.memory_space<hbm>> -> memref<80x128xi32, #tpu.memory_space<hbm>>
      tpu.wait_dma2 semaphore(%run_scoped3A : memref<!tpu.dma_semaphore, #tpu.memory_space<semaphore_mem>>) src(%dma_wait3A_21 : memref<80x128xi32, #tpu.memory_space<hbm>>) dst(%arg6 : memref<80x128xi32, #tpu.memory_space<vmem>>)
      tpu.yield
    }) : () -> ()
    %barrier3A = arith.constant 0 : index
    tpu.barrier barrier_id(%barrier3A)
    %scan3A = arith.constant 0 : i32
    %scan3A_3 = arith.constant 20 : i32
    %scan3A_4 = arith.addi %scan3A, %scan3A_3 : i32
    %scan3A_5 = arith.constant 1 : i32
    scf.for %scan3A_8 = %scan3A to %scan3A_4 step %scan3A_5  : i32 {
      %mul3A_9 = arith.constant 4 : i32
      %mul3A_10 = arith.muli %scan3A_8, %mul3A_9 : i32
      %add3A_11 = arith.constant 0 : i32
      %add3A_12 = arith.addi %add3A_11, %mul3A_10 : i32
      %dma_start3A = arith.constant 0 : i32
      %dma_start3A_13 = tpu.memref_slice %arg6[%add3A_12, %dma_start3A] : memref<80x128xi32, #tpu.memory_space<vmem>> -> memref<1x128xi32, #tpu.memory_space<vmem>>
      %dma_start3A_14 = tpu.memref_squeeze %dma_start3A_13 : memref<1x128xi32, #tpu.memory_space<vmem>> -> memref<128xi32, #tpu.memory_space<vmem>>
      %dma_start3A_15 = arith.constant 0 : i32
      %dma_start3A_16 = arith.constant 0 : i32
      %dma_start3A_17 = tpu.memref_slice %arg8[%dma_start3A_15, %dma_start3A_16] : memref<10240x16xf32, #tpu.memory_space<vmem_shared>> -> memref<10240x16xf32, #tpu.memory_space<vmem_shared>>
      tpu.enqueue_indirect_dma source(%arg7 : memref<128x16xf32, #tpu.memory_space<vmem>>) target(%dma_start3A_17 : memref<10240x16xf32, #tpu.memory_space<vmem_shared>>) offsets(%dma_start3A_14 : memref<128xi32, #tpu.memory_space<vmem>>) semaphore(%arg9 : memref<!tpu.dma_semaphore, #tpu.memory_space<semaphore_mem>>) {add = true}
      %add3A_18 = arith.constant 1 : i32
      %add3A_19 = arith.addi %add3A_12, %add3A_18 : i32
      %dma_start3A_20 = arith.constant 0 : i32
      %dma_start3A_21 = tpu.memref_slice %arg6[%add3A_19, %dma_start3A_20] : memref<80x128xi32, #tpu.memory_space<vmem>> -> memref<1x128xi32, #tpu.memory_space<vmem>>
      %dma_start3A_22 = tpu.memref_squeeze %dma_start3A_21 : memref<1x128xi32, #tpu.memory_space<vmem>> -> memref<128xi32, #tpu.memory_space<vmem>>
      %dma_start3A_23 = arith.constant 0 : i32
      %dma_start3A_24 = arith.constant 0 : i32
      %dma_start3A_25 = tpu.memref_slice %arg8[%dma_start3A_23, %dma_start3A_24] : memref<10240x16xf32, #tpu.memory_space<vmem_shared>> -> memref<10240x16xf32, #tpu.memory_space<vmem_shared>>
      tpu.enqueue_indirect_dma source(%arg7 : memref<128x16xf32, #tpu.memory_space<vmem>>) target(%dma_start3A_25 : memref<10240x16xf32, #tpu.memory_space<vmem_shared>>) offsets(%dma_start3A_22 : memref<128xi32, #tpu.memory_space<vmem>>) semaphore(%arg9 : memref<!tpu.dma_semaphore, #tpu.memory_space<semaphore_mem>>) {add = true}
      %add3A_26 = arith.constant 2 : i32
      %add3A_27 = arith.addi %add3A_12, %add3A_26 : i32
      %dma_start3A_28 = arith.constant 0 : i32
      %dma_start3A_29 = tpu.memref_slice %arg6[%add3A_27, %dma_start3A_28] : memref<80x128xi32, #tpu.memory_space<vmem>> -> memref<1x128xi32, #tpu.memory_space<vmem>>
      %dma_start3A_30 = tpu.memref_squeeze %dma_start3A_29 : memref<1x128xi32, #tpu.memory_space<vmem>> -> memref<128xi32, #tpu.memory_space<vmem>>
      %dma_start3A_31 = arith.constant 0 : i32
      %dma_start3A_32 = arith.constant 0 : i32
      %dma_start3A_33 = tpu.memref_slice %arg8[%dma_start3A_31, %dma_start3A_32] : memref<10240x16xf32, #tpu.memory_space<vmem_shared>> -> memref<10240x16xf32, #tpu.memory_space<vmem_shared>>
      tpu.enqueue_indirect_dma source(%arg7 : memref<128x16xf32, #tpu.memory_space<vmem>>) target(%dma_start3A_33 : memref<10240x16xf32, #tpu.memory_space<vmem_shared>>) offsets(%dma_start3A_30 : memref<128xi32, #tpu.memory_space<vmem>>) semaphore(%arg9 : memref<!tpu.dma_semaphore, #tpu.memory_space<semaphore_mem>>) {add = true}
      %add3A_34 = arith.constant 3 : i32
      %add3A_35 = arith.addi %add3A_12, %add3A_34 : i32
      %dma_start3A_36 = arith.constant 0 : i32
      %dma_start3A_37 = tpu.memref_slice %arg6[%add3A_35, %dma_start3A_36] : memref<80x128xi32, #tpu.memory_space<vmem>> -> memref<1x128xi32, #tpu.memory_space<vmem>>
      %dma_start3A_38 = tpu.memref_squeeze %dma_start3A_37 : memref<1x128xi32, #tpu.memory_space<vmem>> -> memref<128xi32, #tpu.memory_space<vmem>>
      %dma_start3A_39 = arith.constant 0 : i32
      %dma_start3A_40 = arith.constant 0 : i32
      %dma_start3A_41 = tpu.memref_slice %arg8[%dma_start3A_39, %dma_start3A_40] : memref<10240x16xf32, #tpu.memory_space<vmem_shared>> -> memref<10240x16xf32, #tpu.memory_space<vmem_shared>>
      tpu.enqueue_indirect_dma source(%arg7 : memref<128x16xf32, #tpu.memory_space<vmem>>) target(%dma_start3A_41 : memref<10240x16xf32, #tpu.memory_space<vmem_shared>>) offsets(%dma_start3A_38 : memref<128xi32, #tpu.memory_space<vmem>>) semaphore(%arg9 : memref<!tpu.dma_semaphore, #tpu.memory_space<semaphore_mem>>) {add = true}
      %dma_wait3A = arith.constant 0 : i32
      %dma_wait3A_42 = tpu.memref_slice %arg6[%add3A_12, %dma_wait3A] : memref<80x128xi32, #tpu.memory_space<vmem>> -> memref<1x128xi32, #tpu.memory_space<vmem>>
      %dma_wait3A_43 = tpu.memref_squeeze %dma_wait3A_42 : memref<1x128xi32, #tpu.memory_space<vmem>> -> memref<128xi32, #tpu.memory_space<vmem>>
      %dma_wait3A_44 = arith.constant 0 : i32
      %dma_wait3A_45 = arith.constant 0 : i32
      %dma_wait3A_46 = tpu.memref_slice %arg8[%dma_wait3A_44, %dma_wait3A_45] : memref<10240x16xf32, #tpu.memory_space<vmem_shared>> -> memref<10240x16xf32, #tpu.memory_space<vmem_shared>>
      tpu.wait_indirect_dma semaphore(%arg9 : memref<!tpu.dma_semaphore, #tpu.memory_space<semaphore_mem>>) src(%arg7 : memref<128x16xf32, #tpu.memory_space<vmem>>) dst(%dma_wait3A_46 : memref<10240x16xf32, #tpu.memory_space<vmem_shared>>)
      %add3A_47 = arith.constant 1 : i32
      %add3A_48 = arith.addi %add3A_12, %add3A_47 : i32
      %dma_wait3A_49 = arith.constant 0 : i32
      %dma_wait3A_50 = tpu.memref_slice %arg6[%add3A_48, %dma_wait3A_49] : memref<80x128xi32, #tpu.memory_space<vmem>> -> memref<1x128xi32, #tpu.memory_space<vmem>>
      %dma_wait3A_51 = tpu.memref_squeeze %dma_wait3A_50 : memref<1x128xi32, #tpu.memory_space<vmem>> -> memref<128xi32, #tpu.memory_space<vmem>>
      %dma_wait3A_52 = arith.constant 0 : i32
      %dma_wait3A_53 = arith.constant 0 : i32
      %dma_wait3A_54 = tpu.memref_slice %arg8[%dma_wait3A_52, %dma_wait3A_53] : memref<10240x16xf32, #tpu.memory_space<vmem_shared>> -> memref<10240x16xf32, #tpu.memory_space<vmem_shared>>
      tpu.wait_indirect_dma semaphore(%arg9 : memref<!tpu.dma_semaphore, #tpu.memory_space<semaphore_mem>>) src(%arg7 : memref<128x16xf32, #tpu.memory_space<vmem>>) dst(%dma_wait3A_54 : memref<10240x16xf32, #tpu.memory_space<vmem_shared>>)
      %add3A_55 = arith.constant 2 : i32
      %add3A_56 = arith.addi %add3A_12, %add3A_55 : i32
      %dma_wait3A_57 = arith.constant 0 : i32
      %dma_wait3A_58 = tpu.memref_slice %arg6[%add3A_56, %dma_wait3A_57] : memref<80x128xi32, #tpu.memory_space<vmem>> -> memref<1x128xi32, #tpu.memory_space<vmem>>
      %dma_wait3A_59 = tpu.memref_squeeze %dma_wait3A_58 : memref<1x128xi32, #tpu.memory_space<vmem>> -> memref<128xi32, #tpu.memory_space<vmem>>
      %dma_wait3A_60 = arith.constant 0 : i32
      %dma_wait3A_61 = arith.constant 0 : i32
      %dma_wait3A_62 = tpu.memref_slice %arg8[%dma_wait3A_60, %dma_wait3A_61] : memref<10240x16xf32, #tpu.memory_space<vmem_shared>> -> memref<10240x16xf32, #tpu.memory_space<vmem_shared>>
      tpu.wait_indirect_dma semaphore(%arg9 : memref<!tpu.dma_semaphore, #tpu.memory_space<semaphore_mem>>) src(%arg7 : memref<128x16xf32, #tpu.memory_space<vmem>>) dst(%dma_wait3A_62 : memref<10240x16xf32, #tpu.memory_space<vmem_shared>>)
      %add3A_63 = arith.constant 3 : i32
      %add3A_64 = arith.addi %add3A_12, %add3A_63 : i32
      %dma_wait3A_65 = arith.constant 0 : i32
      %dma_wait3A_66 = tpu.memref_slice %arg6[%add3A_64, %dma_wait3A_65] : memref<80x128xi32, #tpu.memory_space<vmem>> -> memref<1x128xi32, #tpu.memory_space<vmem>>
      %dma_wait3A_67 = tpu.memref_squeeze %dma_wait3A_66 : memref<1x128xi32, #tpu.memory_space<vmem>> -> memref<128xi32, #tpu.memory_space<vmem>>
      %dma_wait3A_68 = arith.constant 0 : i32
      %dma_wait3A_69 = arith.constant 0 : i32
      %dma_wait3A_70 = tpu.memref_slice %arg8[%dma_wait3A_68, %dma_wait3A_69] : memref<10240x16xf32, #tpu.memory_space<vmem_shared>> -> memref<10240x16xf32, #tpu.memory_space<vmem_shared>>
      tpu.wait_indirect_dma semaphore(%arg9 : memref<!tpu.dma_semaphore, #tpu.memory_space<semaphore_mem>>) src(%arg7 : memref<128x16xf32, #tpu.memory_space<vmem>>) dst(%dma_wait3A_70 : memref<10240x16xf32, #tpu.memory_space<vmem_shared>>)
    }
    %scan3A_6 = arith.constant 20 : i32
    %barrier3A_7 = arith.constant 0 : index
    tpu.barrier barrier_id(%barrier3A_7)
    "tpu.region"() ({
      %run_scoped3A = tpu.sem_alloc : memref<!tpu.dma_semaphore, #tpu.memory_space<semaphore_mem>>
      %dma_start3A = arith.constant 0 : i32
      %dma_start3A_8 = tpu.memref_slice %arg5[%arg0, %mul3A_2, %dma_start3A] : memref<2x10240x16xf32, #tpu.memory_space<hbm>> -> memref<1x640x16xf32, #tpu.memory_space<hbm>>
      %dma_start3A_9 = tpu.memref_squeeze %dma_start3A_8 : memref<1x640x16xf32, #tpu.memory_space<hbm>> -> memref<640x16xf32, #tpu.memory_space<hbm>>
      %dma_start3A_10 = arith.constant 0 : i32
      %dma_start3A_11 = tpu.memref_slice %arg8[%mul3A_2, %dma_start3A_10] : memref<10240x16xf32, #tpu.memory_space<vmem_shared>> -> memref<640x16xf32, #tpu.memory_space<vmem_shared>>
      tpu.enqueue_dma source(%dma_start3A_11 : memref<640x16xf32, #tpu.memory_space<vmem_shared>>) target(%dma_start3A_9 : memref<640x16xf32, #tpu.memory_space<hbm>>) target_semaphore(%run_scoped3A : memref<!tpu.dma_semaphore, #tpu.memory_space<semaphore_mem>>)
      %dma_wait3A = arith.constant 0 : i32
      %dma_wait3A_12 = tpu.memref_slice %arg5[%arg0, %mul3A_2, %dma_wait3A] : memref<2x10240x16xf32, #tpu.memory_space<hbm>> -> memref<1x640x16xf32, #tpu.memory_space<hbm>>
      %dma_wait3A_13 = tpu.memref_squeeze %dma_wait3A_12 : memref<1x640x16xf32, #tpu.memory_space<hbm>> -> memref<640x16xf32, #tpu.memory_space<hbm>>
      %dma_wait3A_14 = arith.constant 0 : i32
      %dma_wait3A_15 = tpu.memref_slice %arg8[%mul3A_2, %dma_wait3A_14] : memref<10240x16xf32, #tpu.memory_space<vmem_shared>> -> memref<640x16xf32, #tpu.memory_space<vmem_shared>>
      tpu.wait_dma2 semaphore(%run_scoped3A : memref<!tpu.dma_semaphore, #tpu.memory_space<semaphore_mem>>) src(%dma_wait3A_15 : memref<640x16xf32, #tpu.memory_space<vmem_shared>>) dst(%dma_wait3A_13 : memref<640x16xf32, #tpu.memory_space<hbm>>)
      tpu.yield
    }) : () -> ()
    return
  }
}

#map = affine_map<(d0, d1) -> (0, 0)>
#map1 = affine_map<(d0, d1) -> (0, 0, 0)>
module attributes {stable_mosaic.version = 14 : i64} {
  func.func @k(%arg0: i32, %arg1: i32, %arg2: memref<10000x64xf32, #tpu.memory_space<hbm>>, %arg3: memref<32x80x128xi32, #tpu.memory_space<hbm>>, %arg4: memref<32x80x128xi32, #tpu.memory_space<hbm>>, %arg5: memref<640x64xf32, #tpu.memory_space<hbm>>, %arg6: memref<2x10240x64xf32, #tpu.memory_space<hbm>>, %arg7: memref<80x128xi32, #tpu.memory_space<vmem>>, %arg8: memref<80x128xi32, #tpu.memory_space<vmem>>, %arg9: memref<128x64xf32, #tpu.memory_space<vmem>>, %arg10: memref<128x64xf32, #tpu.memory_space<vmem>>, %arg11: memref<128x64xf32, #tpu.memory_space<vmem>>, %arg12: memref<128x64xf32, #tpu.memory_space<vmem>>, %arg13: memref<10240x64xf32, #tpu.memory_space<vmem_shared>>, %arg14: memref<!tpu.dma_semaphore, #tpu.memory_space<semaphore_mem>>, %arg15: memref<!tpu.dma_semaphore, #tpu.memory_space<semaphore_mem>>, %arg16: memref<!tpu.dma_semaphore, #tpu.memory_space<semaphore_mem>>, %arg17: memref<!tpu.dma_semaphore, #tpu.memory_space<semaphore_mem>>, %arg18: memref<!tpu.dma_semaphore, #tpu.memory_space<semaphore_mem>>) attributes {dimension_semantics = [#tpu.dimension_semantics<core_parallel>, #tpu.dimension_semantics<subcore_parallel>], iteration_bounds = array<i64: 2, 16>, scalar_prefetch = 0 : i64, scratch_operands = 12 : i64, tpu.core_type = #tpu.core_type<sc_vector_subcore>, window_params = [{transform_indices = #map}, {transform_indices = #map1}, {transform_indices = #map1}, {transform_indices = #map}, {transform_indices = #map1}]} {
    %mul3A = arith.constant 2 : i32
    %mul3A_0 = arith.muli %arg1, %mul3A : i32
    %add3A = arith.addi %mul3A_0, %arg0 : i32
    %mul3A_1 = arith.constant 640 : i32
    %mul3A_2 = arith.muli %arg1, %mul3A_1 : i32
    "tpu.region"() ({
      %run_scoped3A = tpu.sem_alloc : memref<!tpu.dma_semaphore, #tpu.memory_space<semaphore_mem>>
      %dma_start3A_35 = arith.constant 0 : i32
      %dma_start3A_36 = tpu.memref_slice %arg13[%mul3A_2, %dma_start3A_35] : memref<10240x64xf32, #tpu.memory_space<vmem_shared>> -> memref<640x64xf32, #tpu.memory_space<vmem_shared>>
      tpu.enqueue_dma source(%arg5 : memref<640x64xf32, #tpu.memory_space<hbm>>) target(%dma_start3A_36 : memref<640x64xf32, #tpu.memory_space<vmem_shared>>) target_semaphore(%run_scoped3A : memref<!tpu.dma_semaphore, #tpu.memory_space<semaphore_mem>>)
      %dma_wait3A = arith.constant 0 : i32
      %dma_wait3A_37 = tpu.memref_slice %arg13[%mul3A_2, %dma_wait3A] : memref<10240x64xf32, #tpu.memory_space<vmem_shared>> -> memref<640x64xf32, #tpu.memory_space<vmem_shared>>
      tpu.wait_dma2 semaphore(%run_scoped3A : memref<!tpu.dma_semaphore, #tpu.memory_space<semaphore_mem>>) src(%arg5 : memref<640x64xf32, #tpu.memory_space<hbm>>) dst(%dma_wait3A_37 : memref<640x64xf32, #tpu.memory_space<vmem_shared>>)
      tpu.yield
    }) : () -> ()
    "tpu.region"() ({
      %run_scoped3A = tpu.sem_alloc : memref<!tpu.dma_semaphore, #tpu.memory_space<semaphore_mem>>
      %dma_start3A_35 = arith.constant 0 : i32
      %dma_start3A_36 = arith.constant 0 : i32
      %dma_start3A_37 = tpu.memref_slice %arg3[%add3A, %dma_start3A_35, %dma_start3A_36] : memref<32x80x128xi32, #tpu.memory_space<hbm>> -> memref<1x80x128xi32, #tpu.memory_space<hbm>>
      %dma_start3A_38 = tpu.memref_squeeze %dma_start3A_37 : memref<1x80x128xi32, #tpu.memory_space<hbm>> -> memref<80x128xi32, #tpu.memory_space<hbm>>
      %dma_start3A_39 = arith.constant 0 : i32
      %dma_start3A_40 = arith.constant 0 : i32
      %dma_start3A_41 = tpu.memref_slice %arg3[%add3A, %dma_start3A_39, %dma_start3A_40] : memref<32x80x128xi32, #tpu.memory_space<hbm>> -> memref<1x80x128xi32, #tpu.memory_space<hbm>>
      %dma_start3A_42 = tpu.memref_squeeze %dma_start3A_41 : memref<1x80x128xi32, #tpu.memory_space<hbm>> -> memref<80x128xi32, #tpu.memory_space<hbm>>
      tpu.enqueue_dma source(%dma_start3A_42 : memref<80x128xi32, #tpu.memory_space<hbm>>) target(%arg7 : memref<80x128xi32, #tpu.memory_space<vmem>>) target_semaphore(%run_scoped3A : memref<!tpu.dma_semaphore, #tpu.memory_space<semaphore_mem>>)
      %dma_wait3A = arith.constant 0 : i32
      %dma_wait3A_43 = arith.constant 0 : i32
      %dma_wait3A_44 = tpu.memref_slice %arg3[%add3A, %dma_wait3A, %dma_wait3A_43] : memref<32x80x128xi32, #tpu.memory_space<hbm>> -> memref<1x80x128xi32, #tpu.memory_space<hbm>>
      %dma_wait3A_45 = tpu.memref_squeeze %dma_wait3A_44 : memref<1x80x128xi32, #tpu.memory_space<hbm>> -> memref<80x128xi32, #tpu.memory_space<hbm>>
      %dma_wait3A_46 = arith.constant 0 : i32
      %dma_wait3A_47 = arith.constant 0 : i32
      %dma_wait3A_48 = tpu.memref_slice %arg3[%add3A, %dma_wait3A_46, %dma_wait3A_47] : memref<32x80x128xi32, #tpu.memory_space<hbm>> -> memref<1x80x128xi32, #tpu.memory_space<hbm>>
      %dma_wait3A_49 = tpu.memref_squeeze %dma_wait3A_48 : memref<1x80x128xi32, #tpu.memory_space<hbm>> -> memref<80x128xi32, #tpu.memory_space<hbm>>
      tpu.wait_dma2 semaphore(%run_scoped3A : memref<!tpu.dma_semaphore, #tpu.memory_space<semaphore_mem>>) src(%dma_wait3A_49 : memref<80x128xi32, #tpu.memory_space<hbm>>) dst(%arg7 : memref<80x128xi32, #tpu.memory_space<vmem>>)
      tpu.yield
    }) : () -> ()
    "tpu.region"() ({
      %run_scoped3A = tpu.sem_alloc : memref<!tpu.dma_semaphore, #tpu.memory_space<semaphore_mem>>
      %dma_start3A_35 = arith.constant 0 : i32
      %dma_start3A_36 = arith.constant 0 : i32
      %dma_start3A_37 = tpu.memref_slice %arg4[%add3A, %dma_start3A_35, %dma_start3A_36] : memref<32x80x128xi32, #tpu.memory_space<hbm>> -> memref<1x80x128xi32, #tpu.memory_space<hbm>>
      %dma_start3A_38 = tpu.memref_squeeze %dma_start3A_37 : memref<1x80x128xi32, #tpu.memory_space<hbm>> -> memref<80x128xi32, #tpu.memory_space<hbm>>
      %dma_start3A_39 = arith.constant 0 : i32
      %dma_start3A_40 = arith.constant 0 : i32
      %dma_start3A_41 = tpu.memref_slice %arg4[%add3A, %dma_start3A_39, %dma_start3A_40] : memref<32x80x128xi32, #tpu.memory_space<hbm>> -> memref<1x80x128xi32, #tpu.memory_space<hbm>>
      %dma_start3A_42 = tpu.memref_squeeze %dma_start3A_41 : memref<1x80x128xi32, #tpu.memory_space<hbm>> -> memref<80x128xi32, #tpu.memory_space<hbm>>
      tpu.enqueue_dma source(%dma_start3A_42 : memref<80x128xi32, #tpu.memory_space<hbm>>) target(%arg8 : memref<80x128xi32, #tpu.memory_space<vmem>>) target_semaphore(%run_scoped3A : memref<!tpu.dma_semaphore, #tpu.memory_space<semaphore_mem>>)
      %dma_wait3A = arith.constant 0 : i32
      %dma_wait3A_43 = arith.constant 0 : i32
      %dma_wait3A_44 = tpu.memref_slice %arg4[%add3A, %dma_wait3A, %dma_wait3A_43] : memref<32x80x128xi32, #tpu.memory_space<hbm>> -> memref<1x80x128xi32, #tpu.memory_space<hbm>>
      %dma_wait3A_45 = tpu.memref_squeeze %dma_wait3A_44 : memref<1x80x128xi32, #tpu.memory_space<hbm>> -> memref<80x128xi32, #tpu.memory_space<hbm>>
      %dma_wait3A_46 = arith.constant 0 : i32
      %dma_wait3A_47 = arith.constant 0 : i32
      %dma_wait3A_48 = tpu.memref_slice %arg4[%add3A, %dma_wait3A_46, %dma_wait3A_47] : memref<32x80x128xi32, #tpu.memory_space<hbm>> -> memref<1x80x128xi32, #tpu.memory_space<hbm>>
      %dma_wait3A_49 = tpu.memref_squeeze %dma_wait3A_48 : memref<1x80x128xi32, #tpu.memory_space<hbm>> -> memref<80x128xi32, #tpu.memory_space<hbm>>
      tpu.wait_dma2 semaphore(%run_scoped3A : memref<!tpu.dma_semaphore, #tpu.memory_space<semaphore_mem>>) src(%dma_wait3A_49 : memref<80x128xi32, #tpu.memory_space<hbm>>) dst(%arg8 : memref<80x128xi32, #tpu.memory_space<vmem>>)
      tpu.yield
    }) : () -> ()
    %barrier3A = arith.constant 0 : index
    tpu.barrier barrier_id(%barrier3A)
    %dma_start3A = arith.constant 0 : i32
    %dma_start3A_3 = arith.constant 0 : i32
    %dma_start3A_4 = tpu.memref_slice %arg7[%dma_start3A, %dma_start3A_3] : memref<80x128xi32, #tpu.memory_space<vmem>> -> memref<1x128xi32, #tpu.memory_space<vmem>>
    %dma_start3A_5 = tpu.memref_squeeze %dma_start3A_4 : memref<1x128xi32, #tpu.memory_space<vmem>> -> memref<128xi32, #tpu.memory_space<vmem>>
    %dma_start3A_6 = arith.constant 0 : i32
    %dma_start3A_7 = arith.constant 0 : i32
    %dma_start3A_8 = tpu.memref_slice %arg2[%dma_start3A_6, %dma_start3A_7] : memref<10000x64xf32, #tpu.memory_space<hbm>> -> memref<10000x64xf32, #tpu.memory_space<hbm>>
    tpu.enqueue_indirect_dma source(%dma_start3A_8 : memref<10000x64xf32, #tpu.memory_space<hbm>>) target(%arg9 : memref<128x64xf32, #tpu.memory_space<vmem>>) offsets(%dma_start3A_5 : memref<128xi32, #tpu.memory_space<vmem>>) semaphore(%arg14 : memref<!tpu.dma_semaphore, #tpu.memory_space<semaphore_mem>>)
    %dma_start3A_9 = arith.constant 1 : i32
    %dma_start3A_10 = arith.constant 0 : i32
    %dma_start3A_11 = tpu.memref_slice %arg7[%dma_start3A_9, %dma_start3A_10] : memref<80x128xi32, #tpu.memory_space<vmem>> -> memref<1x128xi32, #tpu.memory_space<vmem>>
    %dma_start3A_12 = tpu.memref_squeeze %dma_start3A_11 : memref<1x128xi32, #tpu.memory_space<vmem>> -> memref<128xi32, #tpu.memory_space<vmem>>
    %dma_start3A_13 = arith.constant 0 : i32
    %dma_start3A_14 = arith.constant 0 : i32
    %dma_start3A_15 = tpu.memref_slice %arg2[%dma_start3A_13, %dma_start3A_14] : memref<10000x64xf32, #tpu.memory_space<hbm>> -> memref<10000x64xf32, #tpu.memory_space<hbm>>
    tpu.enqueue_indirect_dma source(%dma_start3A_15 : memref<10000x64xf32, #tpu.memory_space<hbm>>) target(%arg10 : memref<128x64xf32, #tpu.memory_space<vmem>>) offsets(%dma_start3A_12 : memref<128xi32, #tpu.memory_space<vmem>>) semaphore(%arg15 : memref<!tpu.dma_semaphore, #tpu.memory_space<semaphore_mem>>)
    %dma_start3A_16 = arith.constant 2 : i32
    %dma_start3A_17 = arith.constant 0 : i32
    %dma_start3A_18 = tpu.memref_slice %arg7[%dma_start3A_16, %dma_start3A_17] : memref<80x128xi32, #tpu.memory_space<vmem>> -> memref<1x128xi32, #tpu.memory_space<vmem>>
    %dma_start3A_19 = tpu.memref_squeeze %dma_start3A_18 : memref<1x128xi32, #tpu.memory_space<vmem>> -> memref<128xi32, #tpu.memory_space<vmem>>
    %dma_start3A_20 = arith.constant 0 : i32
    %dma_start3A_21 = arith.constant 0 : i32
    %dma_start3A_22 = tpu.memref_slice %arg2[%dma_start3A_20, %dma_start3A_21] : memref<10000x64xf32, #tpu.memory_space<hbm>> -> memref<10000x64xf32, #tpu.memory_space<hbm>>
    tpu.enqueue_indirect_dma source(%dma_start3A_22 : memref<10000x64xf32, #tpu.memory_space<hbm>>) target(%arg11 : memref<128x64xf32, #tpu.memory_space<vmem>>) offsets(%dma_start3A_19 : memref<128xi32, #tpu.memory_space<vmem>>) semaphore(%arg16 : memref<!tpu.dma_semaphore, #tpu.memory_space<semaphore_mem>>)
    %dma_start3A_23 = arith.constant 3 : i32
    %dma_start3A_24 = arith.constant 0 : i32
    %dma_start3A_25 = tpu.memref_slice %arg7[%dma_start3A_23, %dma_start3A_24] : memref<80x128xi32, #tpu.memory_space<vmem>> -> memref<1x128xi32, #tpu.memory_space<vmem>>
    %dma_start3A_26 = tpu.memref_squeeze %dma_start3A_25 : memref<1x128xi32, #tpu.memory_space<vmem>> -> memref<128xi32, #tpu.memory_space<vmem>>
    %dma_start3A_27 = arith.constant 0 : i32
    %dma_start3A_28 = arith.constant 0 : i32
    %dma_start3A_29 = tpu.memref_slice %arg2[%dma_start3A_27, %dma_start3A_28] : memref<10000x64xf32, #tpu.memory_space<hbm>> -> memref<10000x64xf32, #tpu.memory_space<hbm>>
    tpu.enqueue_indirect_dma source(%dma_start3A_29 : memref<10000x64xf32, #tpu.memory_space<hbm>>) target(%arg12 : memref<128x64xf32, #tpu.memory_space<vmem>>) offsets(%dma_start3A_26 : memref<128xi32, #tpu.memory_space<vmem>>) semaphore(%arg17 : memref<!tpu.dma_semaphore, #tpu.memory_space<semaphore_mem>>)
    %scan3A = arith.constant 0 : i32
    %scan3A_30 = arith.constant 20 : i32
    %scan3A_31 = arith.addi %scan3A, %scan3A_30 : i32
    %scan3A_32 = arith.constant 1 : i32
    scf.for %scan3A_35 = %scan3A to %scan3A_31 step %scan3A_32  : i32 {
      %mul3A_36 = arith.constant 4 : i32
      %mul3A_37 = arith.muli %scan3A_35, %mul3A_36 : i32
      %add3A_38 = arith.constant 0 : i32
      %add3A_39 = arith.addi %add3A_38, %mul3A_37 : i32
      %dma_wait3A = arith.constant 0 : i32
      %dma_wait3A_40 = tpu.memref_slice %arg7[%add3A_39, %dma_wait3A] : memref<80x128xi32, #tpu.memory_space<vmem>> -> memref<1x128xi32, #tpu.memory_space<vmem>>
      %dma_wait3A_41 = tpu.memref_squeeze %dma_wait3A_40 : memref<1x128xi32, #tpu.memory_space<vmem>> -> memref<128xi32, #tpu.memory_space<vmem>>
      %dma_wait3A_42 = arith.constant 0 : i32
      %dma_wait3A_43 = arith.constant 0 : i32
      %dma_wait3A_44 = tpu.memref_slice %arg2[%dma_wait3A_42, %dma_wait3A_43] : memref<10000x64xf32, #tpu.memory_space<hbm>> -> memref<10000x64xf32, #tpu.memory_space<hbm>>
      tpu.wait_indirect_dma semaphore(%arg14 : memref<!tpu.dma_semaphore, #tpu.memory_space<semaphore_mem>>) src(%dma_wait3A_44 : memref<10000x64xf32, #tpu.memory_space<hbm>>) dst(%arg9 : memref<128x64xf32, #tpu.memory_space<vmem>>)
      %add3A_45 = arith.constant 1 : i32
      %add3A_46 = arith.addi %add3A_39, %add3A_45 : i32
      %dma_wait3A_47 = arith.constant 0 : i32
      %dma_wait3A_48 = tpu.memref_slice %arg7[%add3A_46, %dma_wait3A_47] : memref<80x128xi32, #tpu.memory_space<vmem>> -> memref<1x128xi32, #tpu.memory_space<vmem>>
      %dma_wait3A_49 = tpu.memref_squeeze %dma_wait3A_48 : memref<1x128xi32, #tpu.memory_space<vmem>> -> memref<128xi32, #tpu.memory_space<vmem>>
      %dma_wait3A_50 = arith.constant 0 : i32
      %dma_wait3A_51 = arith.constant 0 : i32
      %dma_wait3A_52 = tpu.memref_slice %arg2[%dma_wait3A_50, %dma_wait3A_51] : memref<10000x64xf32, #tpu.memory_space<hbm>> -> memref<10000x64xf32, #tpu.memory_space<hbm>>
      tpu.wait_indirect_dma semaphore(%arg15 : memref<!tpu.dma_semaphore, #tpu.memory_space<semaphore_mem>>) src(%dma_wait3A_52 : memref<10000x64xf32, #tpu.memory_space<hbm>>) dst(%arg10 : memref<128x64xf32, #tpu.memory_space<vmem>>)
      %dma_start3A_53 = arith.constant 0 : i32
      %dma_start3A_54 = tpu.memref_slice %arg8[%add3A_39, %dma_start3A_53] : memref<80x128xi32, #tpu.memory_space<vmem>> -> memref<1x128xi32, #tpu.memory_space<vmem>>
      %dma_start3A_55 = tpu.memref_squeeze %dma_start3A_54 : memref<1x128xi32, #tpu.memory_space<vmem>> -> memref<128xi32, #tpu.memory_space<vmem>>
      %dma_start3A_56 = arith.constant 0 : i32
      %dma_start3A_57 = arith.constant 0 : i32
      %dma_start3A_58 = tpu.memref_slice %arg13[%dma_start3A_56, %dma_start3A_57] : memref<10240x64xf32, #tpu.memory_space<vmem_shared>> -> memref<10240x64xf32, #tpu.memory_space<vmem_shared>>
      tpu.enqueue_indirect_dma source(%arg9 : memref<128x64xf32, #tpu.memory_space<vmem>>) target(%dma_start3A_58 : memref<10240x64xf32, #tpu.memory_space<vmem_shared>>) offsets(%dma_start3A_55 : memref<128xi32, #tpu.memory_space<vmem>>) semaphore(%arg18 : memref<!tpu.dma_semaphore, #tpu.memory_space<semaphore_mem>>) {add = true}
      %add3A_59 = arith.constant 1 : i32
      %add3A_60 = arith.addi %add3A_39, %add3A_59 : i32
      %dma_start3A_61 = arith.constant 0 : i32
      %dma_start3A_62 = tpu.memref_slice %arg8[%add3A_60, %dma_start3A_61] : memref<80x128xi32, #tpu.memory_space<vmem>> -> memref<1x128xi32, #tpu.memory_space<vmem>>
      %dma_start3A_63 = tpu.memref_squeeze %dma_start3A_62 : memref<1x128xi32, #tpu.memory_space<vmem>> -> memref<128xi32, #tpu.memory_space<vmem>>
      %dma_start3A_64 = arith.constant 0 : i32
      %dma_start3A_65 = arith.constant 0 : i32
      %dma_start3A_66 = tpu.memref_slice %arg13[%dma_start3A_64, %dma_start3A_65] : memref<10240x64xf32, #tpu.memory_space<vmem_shared>> -> memref<10240x64xf32, #tpu.memory_space<vmem_shared>>
      tpu.enqueue_indirect_dma source(%arg10 : memref<128x64xf32, #tpu.memory_space<vmem>>) target(%dma_start3A_66 : memref<10240x64xf32, #tpu.memory_space<vmem_shared>>) offsets(%dma_start3A_63 : memref<128xi32, #tpu.memory_space<vmem>>) semaphore(%arg18 : memref<!tpu.dma_semaphore, #tpu.memory_space<semaphore_mem>>) {add = true}
      %add3A_67 = arith.constant 2 : i32
      %add3A_68 = arith.addi %add3A_39, %add3A_67 : i32
      %dma_wait3A_69 = arith.constant 0 : i32
      %dma_wait3A_70 = tpu.memref_slice %arg7[%add3A_68, %dma_wait3A_69] : memref<80x128xi32, #tpu.memory_space<vmem>> -> memref<1x128xi32, #tpu.memory_space<vmem>>
      %dma_wait3A_71 = tpu.memref_squeeze %dma_wait3A_70 : memref<1x128xi32, #tpu.memory_space<vmem>> -> memref<128xi32, #tpu.memory_space<vmem>>
      %dma_wait3A_72 = arith.constant 0 : i32
      %dma_wait3A_73 = arith.constant 0 : i32
      %dma_wait3A_74 = tpu.memref_slice %arg2[%dma_wait3A_72, %dma_wait3A_73] : memref<10000x64xf32, #tpu.memory_space<hbm>> -> memref<10000x64xf32, #tpu.memory_space<hbm>>
      tpu.wait_indirect_dma semaphore(%arg16 : memref<!tpu.dma_semaphore, #tpu.memory_space<semaphore_mem>>) src(%dma_wait3A_74 : memref<10000x64xf32, #tpu.memory_space<hbm>>) dst(%arg11 : memref<128x64xf32, #tpu.memory_space<vmem>>)
      %add3A_75 = arith.constant 3 : i32
      %add3A_76 = arith.addi %add3A_39, %add3A_75 : i32
      %dma_wait3A_77 = arith.constant 0 : i32
      %dma_wait3A_78 = tpu.memref_slice %arg7[%add3A_76, %dma_wait3A_77] : memref<80x128xi32, #tpu.memory_space<vmem>> -> memref<1x128xi32, #tpu.memory_space<vmem>>
      %dma_wait3A_79 = tpu.memref_squeeze %dma_wait3A_78 : memref<1x128xi32, #tpu.memory_space<vmem>> -> memref<128xi32, #tpu.memory_space<vmem>>
      %dma_wait3A_80 = arith.constant 0 : i32
      %dma_wait3A_81 = arith.constant 0 : i32
      %dma_wait3A_82 = tpu.memref_slice %arg2[%dma_wait3A_80, %dma_wait3A_81] : memref<10000x64xf32, #tpu.memory_space<hbm>> -> memref<10000x64xf32, #tpu.memory_space<hbm>>
      tpu.wait_indirect_dma semaphore(%arg17 : memref<!tpu.dma_semaphore, #tpu.memory_space<semaphore_mem>>) src(%dma_wait3A_82 : memref<10000x64xf32, #tpu.memory_space<hbm>>) dst(%arg12 : memref<128x64xf32, #tpu.memory_space<vmem>>)
      %dma_wait3A_83 = arith.constant 0 : i32
      %dma_wait3A_84 = tpu.memref_slice %arg8[%add3A_39, %dma_wait3A_83] : memref<80x128xi32, #tpu.memory_space<vmem>> -> memref<1x128xi32, #tpu.memory_space<vmem>>
      %dma_wait3A_85 = tpu.memref_squeeze %dma_wait3A_84 : memref<1x128xi32, #tpu.memory_space<vmem>> -> memref<128xi32, #tpu.memory_space<vmem>>
      %dma_wait3A_86 = arith.constant 0 : i32
      %dma_wait3A_87 = arith.constant 0 : i32
      %dma_wait3A_88 = tpu.memref_slice %arg13[%dma_wait3A_86, %dma_wait3A_87] : memref<10240x64xf32, #tpu.memory_space<vmem_shared>> -> memref<10240x64xf32, #tpu.memory_space<vmem_shared>>
      tpu.wait_indirect_dma semaphore(%arg18 : memref<!tpu.dma_semaphore, #tpu.memory_space<semaphore_mem>>) src(%arg9 : memref<128x64xf32, #tpu.memory_space<vmem>>) dst(%dma_wait3A_88 : memref<10240x64xf32, #tpu.memory_space<vmem_shared>>)
      %add3A_89 = arith.constant 1 : i32
      %add3A_90 = arith.addi %add3A_39, %add3A_89 : i32
      %dma_wait3A_91 = arith.constant 0 : i32
      %dma_wait3A_92 = tpu.memref_slice %arg8[%add3A_90, %dma_wait3A_91] : memref<80x128xi32, #tpu.memory_space<vmem>> -> memref<1x128xi32, #tpu.memory_space<vmem>>
      %dma_wait3A_93 = tpu.memref_squeeze %dma_wait3A_92 : memref<1x128xi32, #tpu.memory_space<vmem>> -> memref<128xi32, #tpu.memory_space<vmem>>
      %dma_wait3A_94 = arith.constant 0 : i32
      %dma_wait3A_95 = arith.constant 0 : i32
      %dma_wait3A_96 = tpu.memref_slice %arg13[%dma_wait3A_94, %dma_wait3A_95] : memref<10240x64xf32, #tpu.memory_space<vmem_shared>> -> memref<10240x64xf32, #tpu.memory_space<vmem_shared>>
      tpu.wait_indirect_dma semaphore(%arg18 : memref<!tpu.dma_semaphore, #tpu.memory_space<semaphore_mem>>) src(%arg10 : memref<128x64xf32, #tpu.memory_space<vmem>>) dst(%dma_wait3A_96 : memref<10240x64xf32, #tpu.memory_space<vmem_shared>>)
      %add3A_97 = arith.constant 2 : i32
      %add3A_98 = arith.addi %add3A_39, %add3A_97 : i32
      %dma_start3A_99 = arith.constant 0 : i32
      %dma_start3A_100 = tpu.memref_slice %arg8[%add3A_98, %dma_start3A_99] : memref<80x128xi32, #tpu.memory_space<vmem>> -> memref<1x128xi32, #tpu.memory_space<vmem>>
      %dma_start3A_101 = tpu.memref_squeeze %dma_start3A_100 : memref<1x128xi32, #tpu.memory_space<vmem>> -> memref<128xi32, #tpu.memory_space<vmem>>
      %dma_start3A_102 = arith.constant 0 : i32
      %dma_start3A_103 = arith.constant 0 : i32
      %dma_start3A_104 = tpu.memref_slice %arg13[%dma_start3A_102, %dma_start3A_103] : memref<10240x64xf32, #tpu.memory_space<vmem_shared>> -> memref<10240x64xf32, #tpu.memory_space<vmem_shared>>
      tpu.enqueue_indirect_dma source(%arg11 : memref<128x64xf32, #tpu.memory_space<vmem>>) target(%dma_start3A_104 : memref<10240x64xf32, #tpu.memory_space<vmem_shared>>) offsets(%dma_start3A_101 : memref<128xi32, #tpu.memory_space<vmem>>) semaphore(%arg18 : memref<!tpu.dma_semaphore, #tpu.memory_space<semaphore_mem>>) {add = true}
      %add3A_105 = arith.constant 3 : i32
      %add3A_106 = arith.addi %add3A_39, %add3A_105 : i32
      %dma_start3A_107 = arith.constant 0 : i32
      %dma_start3A_108 = tpu.memref_slice %arg8[%add3A_106, %dma_start3A_107] : memref<80x128xi32, #tpu.memory_space<vmem>> -> memref<1x128xi32, #tpu.memory_space<vmem>>
      %dma_start3A_109 = tpu.memref_squeeze %dma_start3A_108 : memref<1x128xi32, #tpu.memory_space<vmem>> -> memref<128xi32, #tpu.memory_space<vmem>>
      %dma_start3A_110 = arith.constant 0 : i32
      %dma_start3A_111 = arith.constant 0 : i32
      %dma_start3A_112 = tpu.memref_slice %arg13[%dma_start3A_110, %dma_start3A_111] : memref<10240x64xf32, #tpu.memory_space<vmem_shared>> -> memref<10240x64xf32, #tpu.memory_space<vmem_shared>>
      tpu.enqueue_indirect_dma source(%arg12 : memref<128x64xf32, #tpu.memory_space<vmem>>) target(%dma_start3A_112 : memref<10240x64xf32, #tpu.memory_space<vmem_shared>>) offsets(%dma_start3A_109 : memref<128xi32, #tpu.memory_space<vmem>>) semaphore(%arg18 : memref<!tpu.dma_semaphore, #tpu.memory_space<semaphore_mem>>) {add = true}
      %add3A_113 = arith.constant 4 : i32
      %add3A_114 = arith.addi %add3A_39, %add3A_113 : i32
      %lt3A = arith.constant 80 : i32
      %lt3A_115 = arith.cmpi slt, %add3A_114, %lt3A : i32
      %convert_element_type3A = arith.extui %lt3A_115 : i1 to i32
      %cond3A = arith.constant 0 : i32
      %cond3A_116 = arith.cmpi ne, %convert_element_type3A, %cond3A : i32
      scf.if %cond3A_116 {
        %add3A_154 = arith.constant 4 : i32
        %add3A_155 = arith.addi %add3A_39, %add3A_154 : i32
        %dma_start3A_156 = arith.constant 0 : i32
        %dma_start3A_157 = tpu.memref_slice %arg7[%add3A_155, %dma_start3A_156] : memref<80x128xi32, #tpu.memory_space<vmem>> -> memref<1x128xi32, #tpu.memory_space<vmem>>
        %dma_start3A_158 = tpu.memref_squeeze %dma_start3A_157 : memref<1x128xi32, #tpu.memory_space<vmem>> -> memref<128xi32, #tpu.memory_space<vmem>>
        %dma_start3A_159 = arith.constant 0 : i32
        %dma_start3A_160 = arith.constant 0 : i32
        %dma_start3A_161 = tpu.memref_slice %arg2[%dma_start3A_159, %dma_start3A_160] : memref<10000x64xf32, #tpu.memory_space<hbm>> -> memref<10000x64xf32, #tpu.memory_space<hbm>>
        tpu.enqueue_indirect_dma source(%dma_start3A_161 : memref<10000x64xf32, #tpu.memory_space<hbm>>) target(%arg9 : memref<128x64xf32, #tpu.memory_space<vmem>>) offsets(%dma_start3A_158 : memref<128xi32, #tpu.memory_space<vmem>>) semaphore(%arg14 : memref<!tpu.dma_semaphore, #tpu.memory_space<semaphore_mem>>)
      } else {
      }
      %add3A_117 = arith.constant 5 : i32
      %add3A_118 = arith.addi %add3A_39, %add3A_117 : i32
      %lt3A_119 = arith.constant 80 : i32
      %lt3A_120 = arith.cmpi slt, %add3A_118, %lt3A_119 : i32
      %convert_element_type3A_121 = arith.extui %lt3A_120 : i1 to i32
      %cond3A_122 = arith.constant 0 : i32
      %cond3A_123 = arith.cmpi ne, %convert_element_type3A_121, %cond3A_122 : i32
      scf.if %cond3A_123 {
        %add3A_154 = arith.constant 5 : i32
        %add3A_155 = arith.addi %add3A_39, %add3A_154 : i32
        %dma_start3A_156 = arith.constant 0 : i32
        %dma_start3A_157 = tpu.memref_slice %arg7[%add3A_155, %dma_start3A_156] : memref<80x128xi32, #tpu.memory_space<vmem>> -> memref<1x128xi32, #tpu.memory_space<vmem>>
        %dma_start3A_158 = tpu.memref_squeeze %dma_start3A_157 : memref<1x128xi32, #tpu.memory_space<vmem>> -> memref<128xi32, #tpu.memory_space<vmem>>
        %dma_start3A_159 = arith.constant 0 : i32
        %dma_start3A_160 = arith.constant 0 : i32
        %dma_start3A_161 = tpu.memref_slice %arg2[%dma_start3A_159, %dma_start3A_160] : memref<10000x64xf32, #tpu.memory_space<hbm>> -> memref<10000x64xf32, #tpu.memory_space<hbm>>
        tpu.enqueue_indirect_dma source(%dma_start3A_161 : memref<10000x64xf32, #tpu.memory_space<hbm>>) target(%arg10 : memref<128x64xf32, #tpu.memory_space<vmem>>) offsets(%dma_start3A_158 : memref<128xi32, #tpu.memory_space<vmem>>) semaphore(%arg15 : memref<!tpu.dma_semaphore, #tpu.memory_space<semaphore_mem>>)
      } else {
      }
      %add3A_124 = arith.constant 2 : i32
      %add3A_125 = arith.addi %add3A_39, %add3A_124 : i32
      %dma_wait3A_126 = arith.constant 0 : i32
      %dma_wait3A_127 = tpu.memref_slice %arg8[%add3A_125, %dma_wait3A_126] : memref<80x128xi32, #tpu.memory_space<vmem>> -> memref<1x128xi32, #tpu.memory_space<vmem>>
      %dma_wait3A_128 = tpu.memref_squeeze %dma_wait3A_127 : memref<1x128xi32, #tpu.memory_space<vmem>> -> memref<128xi32, #tpu.memory_space<vmem>>
      %dma_wait3A_129 = arith.constant 0 : i32
      %dma_wait3A_130 = arith.constant 0 : i32
      %dma_wait3A_131 = tpu.memref_slice %arg13[%dma_wait3A_129, %dma_wait3A_130] : memref<10240x64xf32, #tpu.memory_space<vmem_shared>> -> memref<10240x64xf32, #tpu.memory_space<vmem_shared>>
      tpu.wait_indirect_dma semaphore(%arg18 : memref<!tpu.dma_semaphore, #tpu.memory_space<semaphore_mem>>) src(%arg11 : memref<128x64xf32, #tpu.memory_space<vmem>>) dst(%dma_wait3A_131 : memref<10240x64xf32, #tpu.memory_space<vmem_shared>>)
      %add3A_132 = arith.constant 3 : i32
      %add3A_133 = arith.addi %add3A_39, %add3A_132 : i32
      %dma_wait3A_134 = arith.constant 0 : i32
      %dma_wait3A_135 = tpu.memref_slice %arg8[%add3A_133, %dma_wait3A_134] : memref<80x128xi32, #tpu.memory_space<vmem>> -> memref<1x128xi32, #tpu.memory_space<vmem>>
      %dma_wait3A_136 = tpu.memref_squeeze %dma_wait3A_135 : memref<1x128xi32, #tpu.memory_space<vmem>> -> memref<128xi32, #tpu.memory_space<vmem>>
      %dma_wait3A_137 = arith.constant 0 : i32
      %dma_wait3A_138 = arith.constant 0 : i32
      %dma_wait3A_139 = tpu.memref_slice %arg13[%dma_wait3A_137, %dma_wait3A_138] : memref<10240x64xf32, #tpu.memory_space<vmem_shared>> -> memref<10240x64xf32, #tpu.memory_space<vmem_shared>>
      tpu.wait_indirect_dma semaphore(%arg18 : memref<!tpu.dma_semaphore, #tpu.memory_space<semaphore_mem>>) src(%arg12 : memref<128x64xf32, #tpu.memory_space<vmem>>) dst(%dma_wait3A_139 : memref<10240x64xf32, #tpu.memory_space<vmem_shared>>)
      %add3A_140 = arith.constant 6 : i32
      %add3A_141 = arith.addi %add3A_39, %add3A_140 : i32
      %lt3A_142 = arith.constant 80 : i32
      %lt3A_143 = arith.cmpi slt, %add3A_141, %lt3A_142 : i32
      %convert_element_type3A_144 = arith.extui %lt3A_143 : i1 to i32
      %cond3A_145 = arith.constant 0 : i32
      %cond3A_146 = arith.cmpi ne, %convert_element_type3A_144, %cond3A_145 : i32
      scf.if %cond3A_146 {
        %add3A_154 = arith.constant 6 : i32
        %add3A_155 = arith.addi %add3A_39, %add3A_154 : i32
        %dma_start3A_156 = arith.constant 0 : i32
        %dma_start3A_157 = tpu.memref_slice %arg7[%add3A_155, %dma_start3A_156] : memref<80x128xi32, #tpu.memory_space<vmem>> -> memref<1x128xi32, #tpu.memory_space<vmem>>
        %dma_start3A_158 = tpu.memref_squeeze %dma_start3A_157 : memref<1x128xi32, #tpu.memory_space<vmem>> -> memref<128xi32, #tpu.memory_space<vmem>>
        %dma_start3A_159 = arith.constant 0 : i32
        %dma_start3A_160 = arith.constant 0 : i32
        %dma_start3A_161 = tpu.memref_slice %arg2[%dma_start3A_159, %dma_start3A_160] : memref<10000x64xf32, #tpu.memory_space<hbm>> -> memref<10000x64xf32, #tpu.memory_space<hbm>>
        tpu.enqueue_indirect_dma source(%dma_start3A_161 : memref<10000x64xf32, #tpu.memory_space<hbm>>) target(%arg11 : memref<128x64xf32, #tpu.memory_space<vmem>>) offsets(%dma_start3A_158 : memref<128xi32, #tpu.memory_space<vmem>>) semaphore(%arg16 : memref<!tpu.dma_semaphore, #tpu.memory_space<semaphore_mem>>)
      } else {
      }
      %add3A_147 = arith.constant 7 : i32
      %add3A_148 = arith.addi %add3A_39, %add3A_147 : i32
      %lt3A_149 = arith.constant 80 : i32
      %lt3A_150 = arith.cmpi slt, %add3A_148, %lt3A_149 : i32
      %convert_element_type3A_151 = arith.extui %lt3A_150 : i1 to i32
      %cond3A_152 = arith.constant 0 : i32
      %cond3A_153 = arith.cmpi ne, %convert_element_type3A_151, %cond3A_152 : i32
      scf.if %cond3A_153 {
        %add3A_154 = arith.constant 7 : i32
        %add3A_155 = arith.addi %add3A_39, %add3A_154 : i32
        %dma_start3A_156 = arith.constant 0 : i32
        %dma_start3A_157 = tpu.memref_slice %arg7[%add3A_155, %dma_start3A_156] : memref<80x128xi32, #tpu.memory_space<vmem>> -> memref<1x128xi32, #tpu.memory_space<vmem>>
        %dma_start3A_158 = tpu.memref_squeeze %dma_start3A_157 : memref<1x128xi32, #tpu.memory_space<vmem>> -> memref<128xi32, #tpu.memory_space<vmem>>
        %dma_start3A_159 = arith.constant 0 : i32
        %dma_start3A_160 = arith.constant 0 : i32
        %dma_start3A_161 = tpu.memref_slice %arg2[%dma_start3A_159, %dma_start3A_160] : memref<10000x64xf32, #tpu.memory_space<hbm>> -> memref<10000x64xf32, #tpu.memory_space<hbm>>
        tpu.enqueue_indirect_dma source(%dma_start3A_161 : memref<10000x64xf32, #tpu.memory_space<hbm>>) target(%arg12 : memref<128x64xf32, #tpu.memory_space<vmem>>) offsets(%dma_start3A_158 : memref<128xi32, #tpu.memory_space<vmem>>) semaphore(%arg17 : memref<!tpu.dma_semaphore, #tpu.memory_space<semaphore_mem>>)
      } else {
      }
    }
    %scan3A_33 = arith.constant 20 : i32
    %barrier3A_34 = arith.constant 0 : index
    tpu.barrier barrier_id(%barrier3A_34)
    "tpu.region"() ({
      %run_scoped3A = tpu.sem_alloc : memref<!tpu.dma_semaphore, #tpu.memory_space<semaphore_mem>>
      %dma_start3A_35 = arith.constant 0 : i32
      %dma_start3A_36 = tpu.memref_slice %arg6[%arg0, %mul3A_2, %dma_start3A_35] : memref<2x10240x64xf32, #tpu.memory_space<hbm>> -> memref<1x640x64xf32, #tpu.memory_space<hbm>>
      %dma_start3A_37 = tpu.memref_squeeze %dma_start3A_36 : memref<1x640x64xf32, #tpu.memory_space<hbm>> -> memref<640x64xf32, #tpu.memory_space<hbm>>
      %dma_start3A_38 = arith.constant 0 : i32
      %dma_start3A_39 = tpu.memref_slice %arg13[%mul3A_2, %dma_start3A_38] : memref<10240x64xf32, #tpu.memory_space<vmem_shared>> -> memref<640x64xf32, #tpu.memory_space<vmem_shared>>
      tpu.enqueue_dma source(%dma_start3A_39 : memref<640x64xf32, #tpu.memory_space<vmem_shared>>) target(%dma_start3A_37 : memref<640x64xf32, #tpu.memory_space<hbm>>) target_semaphore(%run_scoped3A : memref<!tpu.dma_semaphore, #tpu.memory_space<semaphore_mem>>)
      %dma_wait3A = arith.constant 0 : i32
      %dma_wait3A_40 = tpu.memref_slice %arg6[%arg0, %mul3A_2, %dma_wait3A] : memref<2x10240x64xf32, #tpu.memory_space<hbm>> -> memref<1x640x64xf32, #tpu.memory_space<hbm>>
      %dma_wait3A_41 = tpu.memref_squeeze %dma_wait3A_40 : memref<1x640x64xf32, #tpu.memory_space<hbm>> -> memref<640x64xf32, #tpu.memory_space<hbm>>
      %dma_wait3A_42 = arith.constant 0 : i32
      %dma_wait3A_43 = tpu.memref_slice %arg13[%mul3A_2, %dma_wait3A_42] : memref<10240x64xf32, #tpu.memory_space<vmem_shared>> -> memref<640x64xf32, #tpu.memory_space<vmem_shared>>
      tpu.wait_dma2 semaphore(%run_scoped3A : memref<!tpu.dma_semaphore, #tpu.memory_space<semaphore_mem>>) src(%dma_wait3A_43 : memref<640x64xf32, #tpu.memory_space<vmem_shared>>) dst(%dma_wait3A_41 : memref<640x64xf32, #tpu.memory_space<hbm>>)
      tpu.yield
    }) : () -> ()
    return
  }
}

module attributes {stable_mosaic.version = 14 : i64} {
  func.func @body(%arg0: memref<5000x256xf32, #tpu.memory_space<vmem>>, %arg1: memref<256x128xf32, #tpu.memory_space<vmem>>, %arg2: memref<2560x128xf32, #tpu.memory_space<vmem>>, %arg3: memref<10000x1xi32, #tpu.memory_space<vmem>>, %arg4: memref<5120x128xf32, #tpu.memory_space<vmem>>, %arg5: memref<5000x128xf32, #tpu.memory_space<vmem>>, %arg6: memref<2x64xi32, #tpu.memory_space<vmem>>) attributes {dimension_semantics = [], scalar_prefetch = 0 : i64, scratch_operands = 0 : i64, tpu.core_type = #tpu.core_type<tc>} {
    %get3A = arith.constant 0 : index
    %get3A_0 = arith.constant 0 : index
    %get3A_1 = vector.load %arg2[%get3A, %get3A_0] : memref<2560x128xf32, #tpu.memory_space<vmem>>, vector<1280x128xf32>
    %get3A_2 = arith.constant 1280 : index
    %get3A_3 = arith.constant 0 : index
    %get3A_4 = vector.load %arg2[%get3A_2, %get3A_3] : memref<2560x128xf32, #tpu.memory_space<vmem>>, vector<1280x128xf32>
    %add3A = arith.addf %get3A_1, %get3A_4 : vector<1280x128xf32>
    %iota3A = tpu.iota {dimensions = array<i32: 0>} : vector<128x8xi32>
    %iota3A_5 = tpu.iota {dimensions = array<i32: 1>} : vector<128x8xi32>
    %mul3A = arith.constant 16 : i32
    %mul3A_6 = vector.broadcast %mul3A : i32 to vector<128x8xi32>
    %mul3A_7 = arith.muli %mul3A_6, %iota3A_5 : vector<128x8xi32>
    %eq3A = arith.cmpi eq, %iota3A, %mul3A_7 : vector<128x8xi32>
    %convert_element_type3A = arith.extui %eq3A : vector<128x8xi1> to vector<128x8xi32>
    %convert_element_type3A_8 = arith.sitofp %convert_element_type3A : vector<128x8xi32> to vector<128x8xf32>
    %dot_general3A = arith.constant dense<0.000000e+00> : vector<1280x8xf32>
    %dot_general3A_9 = tpu.matmul %add3A, %convert_element_type3A_8, %dot_general3A {dimension_numbers = #tpu.dot_dimension_numbers<[1], [0], [0], [1], [0, 0, 1, 1], [], []>, precision = #tpu.contract_precision<fp32>, transpose_lhs_hint = false} : vector<1280x128xf32>, vector<128x8xf32>, vector<1280x8xf32> -> vector<1280x8xf32>
    %add3A_10 = arith.constant 1.000000e+00 : f32
    %add3A_11 = vector.broadcast %add3A_10 : f32 to vector<1280x8xf32>
    %add3A_12 = arith.addf %add3A_11, %dot_general3A_9 : vector<1280x8xf32>
    %rsqrt3A = math.rsqrt %add3A_12 : vector<1280x8xf32>
    %slice3A = vector.extract_strided_slice %rsqrt3A {offsets = [0, 0], sizes = [1280, 1], strides = [1, 1]} : vector<1280x8xf32> to vector<1280x1xf32>
    %broadcast_in_dim3A = vector.shape_cast %slice3A : vector<1280x1xf32> to vector<1280x1xf32>
    %broadcast_in_dim3A_13 = vector.broadcast %broadcast_in_dim3A : vector<1280x1xf32> to vector<1280x64xf32>
    %slice3A_14 = vector.extract_strided_slice %rsqrt3A {offsets = [0, 1], sizes = [1280, 1], strides = [1, 1]} : vector<1280x8xf32> to vector<1280x1xf32>
    %broadcast_in_dim3A_15 = vector.shape_cast %slice3A_14 : vector<1280x1xf32> to vector<1280x1xf32>
    %broadcast_in_dim3A_16 = vector.broadcast %broadcast_in_dim3A_15 : vector<1280x1xf32> to vector<1280x64xf32>
    %concatenate3A = tpu.concatenate %broadcast_in_dim3A_13, %broadcast_in_dim3A_16 in 1 : vector<1280x64xf32>, vector<1280x64xf32> -> vector<1280x128xf32>
    %slice3A_17 = vector.extract_strided_slice %rsqrt3A {offsets = [0, 2], sizes = [1280, 1], strides = [1, 1]} : vector<1280x8xf32> to vector<1280x1xf32>
    %broadcast_in_dim3A_18 = vector.shape_cast %slice3A_17 : vector<1280x1xf32> to vector<1280x1xf32>
    %broadcast_in_dim3A_19 = vector.broadcast %broadcast_in_dim3A_18 : vector<1280x1xf32> to vector<1280x64xf32>
    %slice3A_20 = vector.extract_strided_slice %rsqrt3A {offsets = [0, 3], sizes = [1280, 1], strides = [1, 1]} : vector<1280x8xf32> to vector<1280x1xf32>
    %broadcast_in_dim3A_21 = vector.shape_cast %slice3A_20 : vector<1280x1xf32> to vector<1280x1xf32>
    %broadcast_in_dim3A_22 = vector.broadcast %broadcast_in_dim3A_21 : vector<1280x1xf32> to vector<1280x64xf32>
    %concatenate3A_23 = tpu.concatenate %broadcast_in_dim3A_19, %broadcast_in_dim3A_22 in 1 : vector<1280x64xf32>, vector<1280x64xf32> -> vector<1280x128xf32>
    %slice3A_24 = vector.extract_strided_slice %rsqrt3A {offsets = [0, 4], sizes = [1280, 1], strides = [1, 1]} : vector<1280x8xf32> to vector<1280x1xf32>
    %broadcast_in_dim3A_25 = vector.shape_cast %slice3A_24 : vector<1280x1xf32> to vector<1280x1xf32>
    %broadcast_in_dim3A_26 = vector.broadcast %broadcast_in_dim3A_25 : vector<1280x1xf32> to vector<1280x64xf32>
    %slice3A_27 = vector.extract_strided_slice %rsqrt3A {offsets = [0, 5], sizes = [1280, 1], strides = [1, 1]} : vector<1280x8xf32> to vector<1280x1xf32>
    %broadcast_in_dim3A_28 = vector.shape_cast %slice3A_27 : vector<1280x1xf32> to vector<1280x1xf32>
    %broadcast_in_dim3A_29 = vector.broadcast %broadcast_in_dim3A_28 : vector<1280x1xf32> to vector<1280x64xf32>
    %concatenate3A_30 = tpu.concatenate %broadcast_in_dim3A_26, %broadcast_in_dim3A_29 in 1 : vector<1280x64xf32>, vector<1280x64xf32> -> vector<1280x128xf32>
    %slice3A_31 = vector.extract_strided_slice %rsqrt3A {offsets = [0, 6], sizes = [1280, 1], strides = [1, 1]} : vector<1280x8xf32> to vector<1280x1xf32>
    %broadcast_in_dim3A_32 = vector.shape_cast %slice3A_31 : vector<1280x1xf32> to vector<1280x1xf32>
    %broadcast_in_dim3A_33 = vector.broadcast %broadcast_in_dim3A_32 : vector<1280x1xf32> to vector<1280x64xf32>
    %slice3A_34 = vector.extract_strided_slice %rsqrt3A {offsets = [0, 7], sizes = [1280, 1], strides = [1, 1]} : vector<1280x8xf32> to vector<1280x1xf32>
    %broadcast_in_dim3A_35 = vector.shape_cast %slice3A_34 : vector<1280x1xf32> to vector<1280x1xf32>
    %broadcast_in_dim3A_36 = vector.broadcast %broadcast_in_dim3A_35 : vector<1280x1xf32> to vector<1280x64xf32>
    %concatenate3A_37 = tpu.concatenate %broadcast_in_dim3A_33, %broadcast_in_dim3A_36 in 1 : vector<1280x64xf32>, vector<1280x64xf32> -> vector<1280x128xf32>
    %stack3A = vector.shape_cast %concatenate3A : vector<1280x128xf32> to vector<1280x1x128xf32>
    %stack3A_38 = vector.shape_cast %concatenate3A_23 : vector<1280x128xf32> to vector<1280x1x128xf32>
    %stack3A_39 = vector.shape_cast %concatenate3A_30 : vector<1280x128xf32> to vector<1280x1x128xf32>
    %stack3A_40 = vector.shape_cast %concatenate3A_37 : vector<1280x128xf32> to vector<1280x1x128xf32>
    %stack3A_41 = tpu.concatenate %stack3A, %stack3A_38, %stack3A_39, %stack3A_40 in 1 : vector<1280x1x128xf32>, vector<1280x1x128xf32>, vector<1280x1x128xf32>, vector<1280x1x128xf32> -> vector<1280x4x128xf32>
    %reshape3A = vector.shape_cast %stack3A_41 : vector<1280x4x128xf32> to vector<5120x128xf32>
    %swap3A = arith.constant 0 : index
    %swap3A_42 = arith.constant 0 : index
    %swap3A_43 = vector.load %arg4[%swap3A, %swap3A_42] : memref<5120x128xf32, #tpu.memory_space<vmem>>, vector<5120x128xf32>
    tpu.vector_store %arg4[%swap3A, %swap3A_42], %reshape3A {strides = array<i32>} : memref<5120x128xf32, #tpu.memory_space<vmem>>, vector<5120x128xf32>,
    %get3A_44 = arith.constant 0 : index
    %get3A_45 = arith.constant 0 : index
    %get3A_46 = vector.load %arg0[%get3A_44, %get3A_45] : memref<5000x256xf32, #tpu.memory_space<vmem>>, vector<5000x256xf32>
    %get3A_47 = arith.constant 0 : index
    %get3A_48 = arith.constant 0 : index
    %get3A_49 = vector.load %arg1[%get3A_47, %get3A_48] : memref<256x128xf32, #tpu.memory_space<vmem>>, vector<256x128xf32>
    %dot_general3A_50 = arith.constant dense<0.000000e+00> : vector<5000x128xf32>
    %dot_general3A_51 = tpu.matmul %get3A_46, %get3A_49, %dot_general3A_50 {dimension_numbers = #tpu.dot_dimension_numbers<[1], [0], [0], [1], [0, 0, 1, 1], [], []>, transpose_lhs_hint = false} : vector<5000x256xf32>, vector<256x128xf32>, vector<5000x128xf32> -> vector<5000x128xf32>
    %slice3A_52 = vector.extract_strided_slice %reshape3A {offsets = [0, 0], sizes = [5000, 128], strides = [1, 1]} : vector<5120x128xf32> to vector<5000x128xf32>
    %mul3A_53 = arith.mulf %dot_general3A_51, %slice3A_52 : vector<5000x128xf32>
    %swap3A_54 = arith.constant 0 : index
    %swap3A_55 = arith.constant 0 : index
    %swap3A_56 = vector.load %arg5[%swap3A_54, %swap3A_55] : memref<5000x128xf32, #tpu.memory_space<vmem>>, vector<5000x128xf32>
    tpu.vector_store %arg5[%swap3A_54, %swap3A_55], %mul3A_53 {strides = array<i32>} : memref<5000x128xf32, #tpu.memory_space<vmem>>, vector<5000x128xf32>,
    %get3A_57 = arith.constant 0 : index
    %get3A_58 = arith.constant 0 : index
    %get3A_59 = vector.load %arg3[%get3A_57, %get3A_58] : memref<10000x1xi32, #tpu.memory_space<vmem>>, vector<10000x1xi32>
    %iota3A_60 = tpu.iota {dimensions = array<i32: 1>} : vector<10000x64xi32>
    %eq3A_61 = vector.broadcast %get3A_59 : vector<10000x1xi32> to vector<10000x64xi32>
    %eq3A_62 = arith.cmpi eq, %eq3A_61, %iota3A_60 : vector<10000x64xi32>
    %convert_element_type3A_63 = arith.extui %eq3A_62 : vector<10000x64xi1> to vector<10000x64xi32>
    %reduce_sum3A = arith.constant dense<0> : vector<64xi32>
    %reduce_sum3A_64 = vector.multi_reduction <add>, %convert_element_type3A_63, %reduce_sum3A [0] : vector<10000x64xi32> to vector<64xi32>
    %broadcast_in_dim3A_65 = vector.shape_cast %reduce_sum3A_64 : vector<64xi32> to vector<1x64xi32>
    %swap3A_66 = arith.constant 0 : index
    %swap3A_67 = arith.constant 0 : index
    %swap3A_68 = vector.load %arg6[%swap3A_66, %swap3A_67] : memref<2x64xi32, #tpu.memory_space<vmem>>, vector<1x64xi32>
    tpu.vector_store %arg6[%swap3A_66, %swap3A_67], %broadcast_in_dim3A_65 {strides = array<i32>} : memref<2x64xi32, #tpu.memory_space<vmem>>, vector<1x64xi32>,
    %lt3A = vector.broadcast %get3A_59 : vector<10000x1xi32> to vector<10000x64xi32>
    %lt3A_69 = arith.cmpi slt, %lt3A, %iota3A_60 : vector<10000x64xi32>
    %convert_element_type3A_70 = arith.extui %lt3A_69 : vector<10000x64xi1> to vector<10000x64xi32>
    %reduce_sum3A_71 = arith.constant dense<0> : vector<64xi32>
    %reduce_sum3A_72 = vector.multi_reduction <add>, %convert_element_type3A_70, %reduce_sum3A_71 [0] : vector<10000x64xi32> to vector<64xi32>
    %broadcast_in_dim3A_73 = vector.shape_cast %reduce_sum3A_72 : vector<64xi32> to vector<1x64xi32>
    %swap3A_74 = arith.constant 1 : index
    %swap3A_75 = arith.constant 0 : index
    %swap3A_76 = vector.load %arg6[%swap3A_74, %swap3A_75] : memref<2x64xi32, #tpu.memory_space<vmem>>, vector<1x64xi32>
    tpu.vector_store %arg6[%swap3A_74, %swap3A_75], %broadcast_in_dim3A_73 {strides = array<i32>} : memref<2x64xi32, #tpu.memory_space<vmem>>, vector<1x64xi32>,
    return
  }
}

module attributes {stable_mosaic.version = 14 : i64} {
  func.func @body(%arg0: memref<10240x128xf32, #tpu.memory_space<vmem>>, %arg1: memref<5000x128xf32, #tpu.memory_space<vmem>>, %arg2: memref<5120x128xf32, #tpu.memory_space<vmem>>, %arg3: memref<1x128xf32, #tpu.memory_space<vmem>>, %arg4: memref<1x128xf32, #tpu.memory_space<vmem>>, %arg5: memref<1x128xf32, #tpu.memory_space<vmem>>, %arg6: memref<128x128xf32, #tpu.memory_space<vmem>>, %arg7: memref<5000x128xf32, #tpu.memory_space<vmem>>) attributes {dimension_semantics = [], scalar_prefetch = 0 : i64, scratch_operands = 0 : i64, tpu.core_type = #tpu.core_type<tc>} {
    %get3A = arith.constant 0 : index
    %get3A_0 = arith.constant 0 : index
    %get3A_1 = vector.load %arg2[%get3A, %get3A_0] : memref<5120x128xf32, #tpu.memory_space<vmem>>, vector<5000x128xf32>
    %get3A_2 = arith.constant 0 : index
    %get3A_3 = arith.constant 0 : index
    %get3A_4 = vector.load %arg0[%get3A_2, %get3A_3] : memref<10240x128xf32, #tpu.memory_space<vmem>>, vector<5000x128xf32>
    %get3A_5 = arith.constant 5120 : index
    %get3A_6 = arith.constant 0 : index
    %get3A_7 = vector.load %arg0[%get3A_5, %get3A_6] : memref<10240x128xf32, #tpu.memory_space<vmem>>, vector<5000x128xf32>
    %add3A = arith.addf %get3A_4, %get3A_7 : vector<5000x128xf32>
    %get3A_8 = arith.constant 0 : index
    %get3A_9 = arith.constant 0 : index
    %get3A_10 = vector.load %arg1[%get3A_8, %get3A_9] : memref<5000x128xf32, #tpu.memory_space<vmem>>, vector<5000x128xf32>
    %add3A_11 = arith.addf %add3A, %get3A_10 : vector<5000x128xf32>
    %mul3A = arith.mulf %get3A_1, %add3A_11 : vector<5000x128xf32>
    %get3A_12 = arith.constant 0 : index
    %get3A_13 = arith.constant 0 : index
    %get3A_14 = vector.load %arg3[%get3A_12, %get3A_13] : memref<1x128xf32, #tpu.memory_space<vmem>>, vector<1x128xf32>
    %add3A_15 = vector.broadcast %get3A_14 : vector<1x128xf32> to vector<5000x128xf32>
    %add3A_16 = arith.addf %mul3A, %add3A_15 : vector<5000x128xf32>
    %get3A_17 = arith.constant 0 : index
    %get3A_18 = arith.constant 0 : index
    %get3A_19 = vector.load %arg4[%get3A_17, %get3A_18] : memref<1x128xf32, #tpu.memory_space<vmem>>, vector<1x128xf32>
    %get3A_20 = arith.constant 0 : index
    %get3A_21 = arith.constant 0 : index
    %get3A_22 = vector.load %arg5[%get3A_20, %get3A_21] : memref<1x128xf32, #tpu.memory_space<vmem>>, vector<1x128xf32>
    %reduce_sum3A = arith.constant dense<0.000000e+00> : vector<128xf32>
    %reduce_sum3A_23 = vector.multi_reduction <add>, %add3A_16, %reduce_sum3A [0] : vector<5000x128xf32> to vector<128xf32>
    %broadcast_in_dim3A = vector.shape_cast %reduce_sum3A_23 : vector<128xf32> to vector<1x128xf32>
    %div3A = arith.constant 5.000000e+03 : f32
    %div3A_24 = vector.broadcast %div3A : f32 to vector<1x128xf32>
    %div3A_25 = arith.divf %broadcast_in_dim3A, %div3A_24 : vector<1x128xf32>
    %slice3A = vector.extract_strided_slice %div3A_25 {offsets = [0, 0], sizes = [1, 64], strides = [1, 1]} : vector<1x128xf32> to vector<1x64xf32>
    %slice3A_26 = vector.extract_strided_slice %div3A_25 {offsets = [0, 64], sizes = [1, 64], strides = [1, 1]} : vector<1x128xf32> to vector<1x64xf32>
    %add3A_27 = arith.addf %slice3A, %slice3A_26 : vector<1x64xf32>
    %mul3A_28 = arith.constant 5.000000e-01 : f32
    %mul3A_29 = vector.broadcast %mul3A_28 : f32 to vector<1x64xf32>
    %mul3A_30 = arith.mulf %add3A_27, %mul3A_29 : vector<1x64xf32>
    %concatenate3A = tpu.concatenate %mul3A_30, %mul3A_30 in 1 : vector<1x64xf32>, vector<1x64xf32> -> vector<1x128xf32>
    %sub3A = vector.broadcast %concatenate3A : vector<1x128xf32> to vector<5000x128xf32>
    %sub3A_31 = arith.subf %add3A_16, %sub3A : vector<5000x128xf32>
    %mul3A_32 = arith.mulf %sub3A_31, %sub3A_31 : vector<5000x128xf32>
    %reduce_sum3A_33 = arith.constant dense<0.000000e+00> : vector<128xf32>
    %reduce_sum3A_34 = vector.multi_reduction <add>, %mul3A_32, %reduce_sum3A_33 [0] : vector<5000x128xf32> to vector<128xf32>
    %broadcast_in_dim3A_35 = vector.shape_cast %reduce_sum3A_34 : vector<128xf32> to vector<1x128xf32>
    %div3A_36 = arith.constant 5.000000e+03 : f32
    %div3A_37 = vector.broadcast %div3A_36 : f32 to vector<1x128xf32>
    %div3A_38 = arith.divf %broadcast_in_dim3A_35, %div3A_37 : vector<1x128xf32>
    %slice3A_39 = vector.extract_strided_slice %div3A_38 {offsets = [0, 0], sizes = [1, 64], strides = [1, 1]} : vector<1x128xf32> to vector<1x64xf32>
    %slice3A_40 = vector.extract_strided_slice %div3A_38 {offsets = [0, 64], sizes = [1, 64], strides = [1, 1]} : vector<1x128xf32> to vector<1x64xf32>
    %add3A_41 = arith.addf %slice3A_39, %slice3A_40 : vector<1x64xf32>
    %mul3A_42 = arith.constant 5.000000e-01 : f32
    %mul3A_43 = vector.broadcast %mul3A_42 : f32 to vector<1x64xf32>
    %mul3A_44 = arith.mulf %add3A_41, %mul3A_43 : vector<1x64xf32>
    %concatenate3A_45 = tpu.concatenate %mul3A_44, %mul3A_44 in 1 : vector<1x64xf32>, vector<1x64xf32> -> vector<1x128xf32>
    %add3A_46 = arith.constant 9.99999974E-6 : f32
    %add3A_47 = vector.broadcast %add3A_46 : f32 to vector<1x128xf32>
    %add3A_48 = arith.addf %concatenate3A_45, %add3A_47 : vector<1x128xf32>
    %rsqrt3A = math.rsqrt %add3A_48 : vector<1x128xf32>
    %mul3A_49 = vector.broadcast %rsqrt3A : vector<1x128xf32> to vector<5000x128xf32>
    %mul3A_50 = arith.mulf %sub3A_31, %mul3A_49 : vector<5000x128xf32>
    %mul3A_51 = vector.broadcast %get3A_19 : vector<1x128xf32> to vector<5000x128xf32>
    %mul3A_52 = arith.mulf %mul3A_50, %mul3A_51 : vector<5000x128xf32>
    %add3A_53 = vector.broadcast %get3A_22 : vector<1x128xf32> to vector<5000x128xf32>
    %add3A_54 = arith.addf %mul3A_52, %add3A_53 : vector<5000x128xf32>
    %max3A = arith.constant 0.000000e+00 : f32
    %max3A_55 = vector.broadcast %max3A : f32 to vector<5000x128xf32>
    %max3A_56 = arith.maximumf %add3A_54, %max3A_55 : vector<5000x128xf32>
    %get3A_57 = arith.constant 0 : index
    %get3A_58 = arith.constant 0 : index
    %get3A_59 = vector.load %arg6[%get3A_57, %get3A_58] : memref<128x128xf32, #tpu.memory_space<vmem>>, vector<128x128xf32>
    %dot_general3A = arith.constant dense<0.000000e+00> : vector<5000x128xf32>
    %dot_general3A_60 = tpu.matmul %max3A_56, %get3A_59, %dot_general3A {dimension_numbers = #tpu.dot_dimension_numbers<[1], [0], [0], [1], [0, 0, 1, 1], [], []>, transpose_lhs_hint = false} : vector<5000x128xf32>, vector<128x128xf32>, vector<5000x128xf32> -> vector<5000x128xf32>
    %mul3A_61 = arith.mulf %dot_general3A_60, %get3A_1 : vector<5000x128xf32>
    %swap3A = arith.constant 0 : index
    %swap3A_62 = arith.constant 0 : index
    %swap3A_63 = vector.load %arg7[%swap3A, %swap3A_62] : memref<5000x128xf32, #tpu.memory_space<vmem>>, vector<5000x128xf32>
    tpu.vector_store %arg7[%swap3A, %swap3A_62], %mul3A_61 {strides = array<i32>} : memref<5000x128xf32, #tpu.memory_space<vmem>>, vector<5000x128xf32>,
    return
  }
}

module attributes {stable_mosaic.version = 14 : i64} {
  func.func @body(%arg0: memref<10240x128xf32, #tpu.memory_space<vmem>>, %arg1: memref<5000x128xf32, #tpu.memory_space<vmem>>, %arg2: memref<5120x128xf32, #tpu.memory_space<vmem>>, %arg3: memref<1x128xf32, #tpu.memory_space<vmem>>, %arg4: memref<1x128xf32, #tpu.memory_space<vmem>>, %arg5: memref<1x128xf32, #tpu.memory_space<vmem>>, %arg6: memref<2x64xi32, #tpu.memory_space<smem>>, %arg7: memref<128x1xf32, #tpu.memory_space<vmem>>, %arg8: memref<1x1xf32, #tpu.memory_space<vmem>>, %arg9: memref<64x1xf32, #tpu.memory_space<vmem>>, %arg10: memref<5128x128xf32, #tpu.memory_space<vmem>>, %arg11: memref<64x64xf32, #tpu.memory_space<vmem>>, %arg12: memref<64x64xf32, #tpu.memory_space<vmem>>) attributes {dimension_semantics = [], scalar_prefetch = 0 : i64, scratch_operands = 3 : i64, tpu.core_type = #tpu.core_type<tc>} {
    %get3A = arith.constant 0 : index
    %get3A_0 = arith.constant 0 : index
    %get3A_1 = vector.load %arg2[%get3A, %get3A_0] : memref<5120x128xf32, #tpu.memory_space<vmem>>, vector<5000x128xf32>
    %get3A_2 = arith.constant 0 : index
    %get3A_3 = arith.constant 0 : index
    %get3A_4 = vector.load %arg0[%get3A_2, %get3A_3] : memref<10240x128xf32, #tpu.memory_space<vmem>>, vector<5000x128xf32>
    %get3A_5 = arith.constant 5120 : index
    %get3A_6 = arith.constant 0 : index
    %get3A_7 = vector.load %arg0[%get3A_5, %get3A_6] : memref<10240x128xf32, #tpu.memory_space<vmem>>, vector<5000x128xf32>
    %add3A = arith.addf %get3A_4, %get3A_7 : vector<5000x128xf32>
    %get3A_8 = arith.constant 0 : index
    %get3A_9 = arith.constant 0 : index
    %get3A_10 = vector.load %arg1[%get3A_8, %get3A_9] : memref<5000x128xf32, #tpu.memory_space<vmem>>, vector<5000x128xf32>
    %add3A_11 = arith.addf %add3A, %get3A_10 : vector<5000x128xf32>
    %mul3A = arith.mulf %get3A_1, %add3A_11 : vector<5000x128xf32>
    %get3A_12 = arith.constant 0 : index
    %get3A_13 = arith.constant 0 : index
    %get3A_14 = vector.load %arg3[%get3A_12, %get3A_13] : memref<1x128xf32, #tpu.memory_space<vmem>>, vector<1x128xf32>
    %add3A_15 = vector.broadcast %get3A_14 : vector<1x128xf32> to vector<5000x128xf32>
    %add3A_16 = arith.addf %mul3A, %add3A_15 : vector<5000x128xf32>
    %get3A_17 = arith.constant 0 : index
    %get3A_18 = arith.constant 0 : index
    %get3A_19 = vector.load %arg4[%get3A_17, %get3A_18] : memref<1x128xf32, #tpu.memory_space<vmem>>, vector<1x128xf32>
    %get3A_20 = arith.constant 0 : index
    %get3A_21 = arith.constant 0 : index
    %get3A_22 = vector.load %arg5[%get3A_20, %get3A_21] : memref<1x128xf32, #tpu.memory_space<vmem>>, vector<1x128xf32>
    %reduce_sum3A = arith.constant dense<0.000000e+00> : vector<128xf32>
    %reduce_sum3A_23 = vector.multi_reduction <add>, %add3A_16, %reduce_sum3A [0] : vector<5000x128xf32> to vector<128xf32>
    %broadcast_in_dim3A = vector.shape_cast %reduce_sum3A_23 : vector<128xf32> to vector<1x128xf32>
    %div3A = arith.constant 5.000000e+03 : f32
    %div3A_24 = vector.broadcast %div3A : f32 to vector<1x128xf32>
    %div3A_25 = arith.divf %broadcast_in_dim3A, %div3A_24 : vector<1x128xf32>
    %slice3A = vector.extract_strided_slice %div3A_25 {offsets = [0, 0], sizes = [1, 64], strides = [1, 1]} : vector<1x128xf32> to vector<1x64xf32>
    %slice3A_26 = vector.extract_strided_slice %div3A_25 {offsets = [0, 64], sizes = [1, 64], strides = [1, 1]} : vector<1x128xf32> to vector<1x64xf32>
    %add3A_27 = arith.addf %slice3A, %slice3A_26 : vector<1x64xf32>
    %mul3A_28 = arith.constant 5.000000e-01 : f32
    %mul3A_29 = vector.broadcast %mul3A_28 : f32 to vector<1x64xf32>
    %mul3A_30 = arith.mulf %add3A_27, %mul3A_29 : vector<1x64xf32>
    %concatenate3A = tpu.concatenate %mul3A_30, %mul3A_30 in 1 : vector<1x64xf32>, vector<1x64xf32> -> vector<1x128xf32>
    %sub3A = vector.broadcast %concatenate3A : vector<1x128xf32> to vector<5000x128xf32>
    %sub3A_31 = arith.subf %add3A_16, %sub3A : vector<5000x128xf32>
    %mul3A_32 = arith.mulf %sub3A_31, %sub3A_31 : vector<5000x128xf32>
    %reduce_sum3A_33 = arith.constant dense<0.000000e+00> : vector<128xf32>
    %reduce_sum3A_34 = vector.multi_reduction <add>, %mul3A_32, %reduce_sum3A_33 [0] : vector<5000x128xf32> to vector<128xf32>
    %broadcast_in_dim3A_35 = vector.shape_cast %reduce_sum3A_34 : vector<128xf32> to vector<1x128xf32>
    %div3A_36 = arith.constant 5.000000e+03 : f32
    %div3A_37 = vector.broadcast %div3A_36 : f32 to vector<1x128xf32>
    %div3A_38 = arith.divf %broadcast_in_dim3A_35, %div3A_37 : vector<1x128xf32>
    %slice3A_39 = vector.extract_strided_slice %div3A_38 {offsets = [0, 0], sizes = [1, 64], strides = [1, 1]} : vector<1x128xf32> to vector<1x64xf32>
    %slice3A_40 = vector.extract_strided_slice %div3A_38 {offsets = [0, 64], sizes = [1, 64], strides = [1, 1]} : vector<1x128xf32> to vector<1x64xf32>
    %add3A_41 = arith.addf %slice3A_39, %slice3A_40 : vector<1x64xf32>
    %mul3A_42 = arith.constant 5.000000e-01 : f32
    %mul3A_43 = vector.broadcast %mul3A_42 : f32 to vector<1x64xf32>
    %mul3A_44 = arith.mulf %add3A_41, %mul3A_43 : vector<1x64xf32>
    %concatenate3A_45 = tpu.concatenate %mul3A_44, %mul3A_44 in 1 : vector<1x64xf32>, vector<1x64xf32> -> vector<1x128xf32>
    %add3A_46 = arith.constant 9.99999974E-6 : f32
    %add3A_47 = vector.broadcast %add3A_46 : f32 to vector<1x128xf32>
    %add3A_48 = arith.addf %concatenate3A_45, %add3A_47 : vector<1x128xf32>
    %rsqrt3A = math.rsqrt %add3A_48 : vector<1x128xf32>
    %mul3A_49 = vector.broadcast %rsqrt3A : vector<1x128xf32> to vector<5000x128xf32>
    %mul3A_50 = arith.mulf %sub3A_31, %mul3A_49 : vector<5000x128xf32>
    %mul3A_51 = vector.broadcast %get3A_19 : vector<1x128xf32> to vector<5000x128xf32>
    %mul3A_52 = arith.mulf %mul3A_50, %mul3A_51 : vector<5000x128xf32>
    %add3A_53 = vector.broadcast %get3A_22 : vector<1x128xf32> to vector<5000x128xf32>
    %add3A_54 = arith.addf %mul3A_52, %add3A_53 : vector<5000x128xf32>
    %max3A = arith.constant 0.000000e+00 : f32
    %max3A_55 = vector.broadcast %max3A : f32 to vector<5000x128xf32>
    %max3A_56 = arith.maximumf %add3A_54, %max3A_55 : vector<5000x128xf32>
    %swap3A = arith.constant 0 : index
    %swap3A_57 = arith.constant 0 : index
    %swap3A_58 = vector.load %arg10[%swap3A, %swap3A_57] : memref<5128x128xf32, #tpu.memory_space<vmem>>, vector<5000x128xf32>
    tpu.vector_store %arg10[%swap3A, %swap3A_57], %max3A_56 {strides = array<i32>} : memref<5128x128xf32, #tpu.memory_space<vmem>>, vector<5000x128xf32>,
    %broadcast_in_dim3A_59 = arith.constant 0.000000e+00 : f32
    %broadcast_in_dim3A_60 = vector.broadcast %broadcast_in_dim3A_59 : f32 to vector<128x128xf32>
    %swap3A_61 = arith.constant 5000 : index
    %swap3A_62 = arith.constant 0 : index
    %swap3A_63 = vector.load %arg10[%swap3A_61, %swap3A_62] : memref<5128x128xf32, #tpu.memory_space<vmem>>, vector<128x128xf32>
    tpu.vector_store %arg10[%swap3A_61, %swap3A_62], %broadcast_in_dim3A_60 {strides = array<i32>} : memref<5128x128xf32, #tpu.memory_space<vmem>>, vector<128x128xf32>,
    %scan3A = arith.constant 0 : i32
    %scan3A_64 = arith.constant 64 : i32
    %scan3A_65 = arith.addi %scan3A, %scan3A_64 : i32
    %scan3A_66 = arith.constant 1 : i32
    scf.for %scan3A_92 = %scan3A to %scan3A_65 step %scan3A_66  : i32 {
      %get3A_93 = arith.constant 0 : index
      %get3A_94 = arith.index_cast %scan3A_92 : i32 to index
      %get3A_95 = memref.load %arg6[%get3A_93, %get3A_94] : memref<2x64xi32, #tpu.memory_space<smem>>
      %get3A_96 = arith.constant 1 : index
      %get3A_97 = arith.index_cast %scan3A_92 : i32 to index
      %get3A_98 = memref.load %arg6[%get3A_96, %get3A_97] : memref<2x64xi32, #tpu.memory_space<smem>>
      %jit3A = arith.constant 2 : i32
      %div3A_99 = arith.divsi %get3A_98, %jit3A : i32
      %sign3A = arith.constant 0 : i32
      %sign3A_100 = arith.cmpi sgt, %get3A_98, %sign3A : i32
      %sign3A_101 = arith.extui %sign3A_100 : i1 to i32
      %sign3A_102 = arith.constant 0 : i32
      %sign3A_103 = arith.cmpi slt, %get3A_98, %sign3A_102 : i32
      %sign3A_104 = arith.extui %sign3A_103 : i1 to i32
      %sign3A_105 = arith.subi %sign3A_101, %sign3A_104 : i32
      %sign3A_106 = arith.constant 0 : i32
      %sign3A_107 = arith.cmpi sgt, %jit3A, %sign3A_106 : i32
      %sign3A_108 = arith.extui %sign3A_107 : i1 to i32
      %sign3A_109 = arith.constant 0 : i32
      %sign3A_110 = arith.cmpi slt, %jit3A, %sign3A_109 : i32
      %sign3A_111 = arith.extui %sign3A_110 : i1 to i32
      %sign3A_112 = arith.subi %sign3A_108, %sign3A_111 : i32
      %ne3A = arith.cmpi ne, %sign3A_105, %sign3A_112 : i32
      %rem3A = arith.remsi %get3A_98, %jit3A : i32
      %ne3A_113 = arith.constant 0 : i32
      %ne3A_114 = arith.cmpi ne, %rem3A, %ne3A_113 : i32
      %and3A = arith.andi %ne3A, %ne3A_114 : i1
      %sub3A_115 = arith.constant 1 : i32
      %sub3A_116 = arith.subi %div3A_99, %sub3A_115 : i32
      %select_n3A = arith.select %and3A, %sub3A_116, %div3A_99 : i32
      %add3A_117 = arith.addi %get3A_98, %get3A_95 : i32
      %add3A_118 = arith.constant 1 : i32
      %add3A_119 = arith.addi %add3A_117, %add3A_118 : i32
      %jit3A_120 = arith.constant 2 : i32
      %div3A_121 = arith.divsi %add3A_119, %jit3A_120 : i32
      %sign3A_122 = arith.constant 0 : i32
      %sign3A_123 = arith.cmpi sgt, %add3A_119, %sign3A_122 : i32
      %sign3A_124 = arith.extui %sign3A_123 : i1 to i32
      %sign3A_125 = arith.constant 0 : i32
      %sign3A_126 = arith.cmpi slt, %add3A_119, %sign3A_125 : i32
      %sign3A_127 = arith.extui %sign3A_126 : i1 to i32
      %sign3A_128 = arith.subi %sign3A_124, %sign3A_127 : i32
      %sign3A_129 = arith.constant 0 : i32
      %sign3A_130 = arith.cmpi sgt, %jit3A_120, %sign3A_129 : i32
      %sign3A_131 = arith.extui %sign3A_130 : i1 to i32
      %sign3A_132 = arith.constant 0 : i32
      %sign3A_133 = arith.cmpi slt, %jit3A_120, %sign3A_132 : i32
      %sign3A_134 = arith.extui %sign3A_133 : i1 to i32
      %sign3A_135 = arith.subi %sign3A_131, %sign3A_134 : i32
      %ne3A_136 = arith.cmpi ne, %sign3A_128, %sign3A_135 : i32
      %rem3A_137 = arith.remsi %add3A_119, %jit3A_120 : i32
      %ne3A_138 = arith.constant 0 : i32
      %ne3A_139 = arith.cmpi ne, %rem3A_137, %ne3A_138 : i32
      %and3A_140 = arith.andi %ne3A_136, %ne3A_139 : i1
      %sub3A_141 = arith.constant 1 : i32
      %sub3A_142 = arith.subi %div3A_121, %sub3A_141 : i32
      %select_n3A_143 = arith.select %and3A_140, %sub3A_142, %div3A_121 : i32
      %sub3A_144 = arith.subi %select_n3A_143, %select_n3A : i32
      %add3A_145 = arith.constant 127 : i32
      %add3A_146 = arith.addi %sub3A_144, %add3A_145 : i32
      %jit3A_147 = arith.constant 128 : i32
      %div3A_148 = arith.divsi %add3A_146, %jit3A_147 : i32
      %sign3A_149 = arith.constant 0 : i32
      %sign3A_150 = arith.cmpi sgt, %add3A_146, %sign3A_149 : i32
      %sign3A_151 = arith.extui %sign3A_150 : i1 to i32
      %sign3A_152 = arith.constant 0 : i32
      %sign3A_153 = arith.cmpi slt, %add3A_146, %sign3A_152 : i32
      %sign3A_154 = arith.extui %sign3A_153 : i1 to i32
      %sign3A_155 = arith.subi %sign3A_151, %sign3A_154 : i32
      %sign3A_156 = arith.constant 0 : i32
      %sign3A_157 = arith.cmpi sgt, %jit3A_147, %sign3A_156 : i32
      %sign3A_158 = arith.extui %sign3A_157 : i1 to i32
      %sign3A_159 = arith.constant 0 : i32
      %sign3A_160 = arith.cmpi slt, %jit3A_147, %sign3A_159 : i32
      %sign3A_161 = arith.extui %sign3A_160 : i1 to i32
      %sign3A_162 = arith.subi %sign3A_158, %sign3A_161 : i32
      %ne3A_163 = arith.cmpi ne, %sign3A_155, %sign3A_162 : i32
      %rem3A_164 = arith.remsi %add3A_146, %jit3A_147 : i32
      %ne3A_165 = arith.constant 0 : i32
      %ne3A_166 = arith.cmpi ne, %rem3A_164, %ne3A_165 : i32
      %and3A_167 = arith.andi %ne3A_163, %ne3A_166 : i1
      %sub3A_168 = arith.constant 1 : i32
      %sub3A_169 = arith.subi %div3A_148, %sub3A_168 : i32
      %select_n3A_170 = arith.select %and3A_167, %sub3A_169, %div3A_148 : i32
      %broadcast_in_dim3A_171 = arith.constant 0.000000e+00 : f32
      %broadcast_in_dim3A_172 = vector.broadcast %broadcast_in_dim3A_171 : f32 to vector<1x128xf32>
      %broadcast_in_dim3A_173 = arith.constant 0xFF800000 : f32
      %broadcast_in_dim3A_174 = vector.broadcast %broadcast_in_dim3A_173 : f32 to vector<1x128xf32>
      %while3A = arith.constant 0 : i32
      %while3A_175 = arith.subi %select_n3A_170, %while3A : i32
      %while3A_176 = arith.addi %while3A, %while3A_175 : i32
      %while3A_177 = arith.constant 1 : i32
      %while3A_178 = arith.divsi %while3A_175, %while3A_177 : i32
      %while3A_179 = arith.muli %while3A_178, %while3A_177 : i32
      %while3A_180 = arith.addi %while3A, %while3A_179 : i32
      %while3A_181 = arith.constant 1 : i32
      %while3A_182:2 = scf.for %while3A_205 = %while3A to %while3A_180 step %while3A_181 iter_args(%while3A_206 = %broadcast_in_dim3A_172, %while3A_207 = %broadcast_in_dim3A_174) -> (vector<1x128xf32>, vector<1x128xf32>)  : i32 {
        %mul3A_208 = arith.constant 128 : i32
        %mul3A_209 = arith.muli %while3A_205, %mul3A_208 : i32
        %add3A_210 = arith.addi %select_n3A, %mul3A_209 : i32
        %get3A_211 = arith.index_cast %add3A_210 : i32 to index
        %get3A_212 = arith.constant 0 : index
        %get3A_213 = vector.load %arg10[%get3A_211, %get3A_212] : memref<5128x128xf32, #tpu.memory_space<vmem>>, vector<128x128xf32>
        %iota3A = tpu.iota {dimensions = array<i32: 0>} : vector<128x1xi32>
        %add3A_214 = vector.broadcast %select_n3A : i32 to vector<128x1xi32>
        %add3A_215 = arith.addi %iota3A, %add3A_214 : vector<128x1xi32>
        %mul3A_216 = arith.constant 128 : i32
        %mul3A_217 = arith.muli %while3A_205, %mul3A_216 : i32
        %add3A_218 = vector.broadcast %mul3A_217 : i32 to vector<128x1xi32>
        %add3A_219 = arith.addi %add3A_215, %add3A_218 : vector<128x1xi32>
        %mul3A_220 = arith.constant 2 : i32
        %mul3A_221 = vector.broadcast %mul3A_220 : i32 to vector<128x1xi32>
        %mul3A_222 = arith.muli %mul3A_221, %add3A_219 : vector<128x1xi32>
        %ge3A = vector.broadcast %get3A_98 : i32 to vector<128x1xi32>
        %ge3A_223 = arith.cmpi sge, %mul3A_222, %ge3A : vector<128x1xi32>
        %add3A_224 = arith.addi %get3A_98, %get3A_95 : i32
        %lt3A = vector.broadcast %add3A_224 : i32 to vector<128x1xi32>
        %lt3A_225 = arith.cmpi slt, %mul3A_222, %lt3A : vector<128x1xi32>
        %and3A_226 = arith.andi %ge3A_223, %lt3A_225 : vector<128x1xi1>
        %convert_element_type3A_227 = arith.extui %and3A_226 : vector<128x1xi1> to vector<128x1xi32>
        %convert_element_type3A_228 = arith.sitofp %convert_element_type3A_227 : vector<128x1xi32> to vector<128x1xf32>
        %add3A_229 = arith.constant 1 : i32
        %add3A_230 = vector.broadcast %add3A_229 : i32 to vector<128x1xi32>
        %add3A_231 = arith.addi %mul3A_222, %add3A_230 : vector<128x1xi32>
        %ge3A_232 = vector.broadcast %get3A_98 : i32 to vector<128x1xi32>
        %ge3A_233 = arith.cmpi sge, %add3A_231, %ge3A_232 : vector<128x1xi32>
        %add3A_234 = arith.constant 1 : i32
        %add3A_235 = vector.broadcast %add3A_234 : i32 to vector<128x1xi32>
        %add3A_236 = arith.addi %mul3A_222, %add3A_235 : vector<128x1xi32>
        %add3A_237 = arith.addi %get3A_98, %get3A_95 : i32
        %lt3A_238 = vector.broadcast %add3A_237 : i32 to vector<128x1xi32>
        %lt3A_239 = arith.cmpi slt, %add3A_236, %lt3A_238 : vector<128x1xi32>
        %and3A_240 = arith.andi %ge3A_233, %lt3A_239 : vector<128x1xi1>
        %convert_element_type3A_241 = arith.extui %and3A_240 : vector<128x1xi1> to vector<128x1xi32>
        %convert_element_type3A_242 = arith.sitofp %convert_element_type3A_241 : vector<128x1xi32> to vector<128x1xf32>
        %broadcast_in_dim3A_243 = vector.shape_cast %convert_element_type3A_228 : vector<128x1xf32> to vector<128x1xf32>
        %broadcast_in_dim3A_244 = vector.broadcast %broadcast_in_dim3A_243 : vector<128x1xf32> to vector<128x64xf32>
        %broadcast_in_dim3A_245 = vector.shape_cast %convert_element_type3A_242 : vector<128x1xf32> to vector<128x1xf32>
        %broadcast_in_dim3A_246 = vector.broadcast %broadcast_in_dim3A_245 : vector<128x1xf32> to vector<128x64xf32>
        %concatenate3A_247 = tpu.concatenate %broadcast_in_dim3A_244, %broadcast_in_dim3A_246 in 1 : vector<128x64xf32>, vector<128x64xf32> -> vector<128x128xf32>
        %gt3A_248 = arith.constant 5.000000e-01 : f32
        %gt3A_249 = vector.broadcast %gt3A_248 : f32 to vector<128x128xf32>
        %gt3A_250 = arith.cmpf ogt, %concatenate3A_247, %gt3A_249 : vector<128x128xf32>
        %jit3A_251 = arith.constant 0.000000e+00 : f32
        %broadcast_in_dim3A_252 = vector.broadcast %jit3A_251 : f32 to vector<128x128xf32>
        %select_n3A_253 = arith.select %gt3A_250, %get3A_213, %broadcast_in_dim3A_252 : vector<128x128xi1>, vector<128x128xf32>
        %reduce_sum3A_254 = arith.constant dense<0.000000e+00> : vector<128xf32>
        %reduce_sum3A_255 = vector.multi_reduction <add>, %select_n3A_253, %reduce_sum3A_254 [0] : vector<128x128xf32> to vector<128xf32>
        %broadcast_in_dim3A_256 = vector.shape_cast %reduce_sum3A_255 : vector<128xf32> to vector<1x128xf32>
        %add3A_257 = arith.addf %while3A_206, %broadcast_in_dim3A_256 : vector<1x128xf32>
        %jit3A_258 = arith.constant 0xFF800000 : f32
        %broadcast_in_dim3A_259 = vector.broadcast %jit3A_258 : f32 to vector<128x128xf32>
        %select_n3A_260 = arith.select %gt3A_250, %get3A_213, %broadcast_in_dim3A_259 : vector<128x128xi1>, vector<128x128xf32>
        %reduce_max3A = arith.constant dense<0xFF800000> : vector<128xf32>
        %reduce_max3A_261 = vector.multi_reduction <maximumf>, %select_n3A_260, %reduce_max3A [0] : vector<128x128xf32> to vector<128xf32>
        %broadcast_in_dim3A_262 = vector.shape_cast %reduce_max3A_261 : vector<128xf32> to vector<1x128xf32>
        %max3A_263 = arith.maximumf %while3A_207, %broadcast_in_dim3A_262 : vector<1x128xf32>
        scf.yield %add3A_257, %max3A_263 : vector<1x128xf32>, vector<1x128xf32>
      }
      %while3A_183 = arith.constant 1 : i32
      %while3A_184:2 = scf.for %while3A_205 = %while3A_180 to %while3A_176 step %while3A_183 iter_args(%while3A_206 = %while3A_182#0, %while3A_207 = %while3A_182#1) -> (vector<1x128xf32>, vector<1x128xf32>)  : i32 {
        %mul3A_208 = arith.constant 128 : i32
        %mul3A_209 = arith.muli %while3A_205, %mul3A_208 : i32
        %add3A_210 = arith.addi %select_n3A, %mul3A_209 : i32
        %get3A_211 = arith.index_cast %add3A_210 : i32 to index
        %get3A_212 = arith.constant 0 : index
        %get3A_213 = vector.load %arg10[%get3A_211, %get3A_212] : memref<5128x128xf32, #tpu.memory_space<vmem>>, vector<128x128xf32>
        %iota3A = tpu.iota {dimensions = array<i32: 0>} : vector<128x1xi32>
        %add3A_214 = vector.broadcast %select_n3A : i32 to vector<128x1xi32>
        %add3A_215 = arith.addi %iota3A, %add3A_214 : vector<128x1xi32>
        %mul3A_216 = arith.constant 128 : i32
        %mul3A_217 = arith.muli %while3A_205, %mul3A_216 : i32
        %add3A_218 = vector.broadcast %mul3A_217 : i32 to vector<128x1xi32>
        %add3A_219 = arith.addi %add3A_215, %add3A_218 : vector<128x1xi32>
        %mul3A_220 = arith.constant 2 : i32
        %mul3A_221 = vector.broadcast %mul3A_220 : i32 to vector<128x1xi32>
        %mul3A_222 = arith.muli %mul3A_221, %add3A_219 : vector<128x1xi32>
        %ge3A = vector.broadcast %get3A_98 : i32 to vector<128x1xi32>
        %ge3A_223 = arith.cmpi sge, %mul3A_222, %ge3A : vector<128x1xi32>
        %add3A_224 = arith.addi %get3A_98, %get3A_95 : i32
        %lt3A = vector.broadcast %add3A_224 : i32 to vector<128x1xi32>
        %lt3A_225 = arith.cmpi slt, %mul3A_222, %lt3A : vector<128x1xi32>
        %and3A_226 = arith.andi %ge3A_223, %lt3A_225 : vector<128x1xi1>
        %convert_element_type3A_227 = arith.extui %and3A_226 : vector<128x1xi1> to vector<128x1xi32>
        %convert_element_type3A_228 = arith.sitofp %convert_element_type3A_227 : vector<128x1xi32> to vector<128x1xf32>
        %add3A_229 = arith.constant 1 : i32
        %add3A_230 = vector.broadcast %add3A_229 : i32 to vector<128x1xi32>
        %add3A_231 = arith.addi %mul3A_222, %add3A_230 : vector<128x1xi32>
        %ge3A_232 = vector.broadcast %get3A_98 : i32 to vector<128x1xi32>
        %ge3A_233 = arith.cmpi sge, %add3A_231, %ge3A_232 : vector<128x1xi32>
        %add3A_234 = arith.constant 1 : i32
        %add3A_235 = vector.broadcast %add3A_234 : i32 to vector<128x1xi32>
        %add3A_236 = arith.addi %mul3A_222, %add3A_235 : vector<128x1xi32>
        %add3A_237 = arith.addi %get3A_98, %get3A_95 : i32
        %lt3A_238 = vector.broadcast %add3A_237 : i32 to vector<128x1xi32>
        %lt3A_239 = arith.cmpi slt, %add3A_236, %lt3A_238 : vector<128x1xi32>
        %and3A_240 = arith.andi %ge3A_233, %lt3A_239 : vector<128x1xi1>
        %convert_element_type3A_241 = arith.extui %and3A_240 : vector<128x1xi1> to vector<128x1xi32>
        %convert_element_type3A_242 = arith.sitofp %convert_element_type3A_241 : vector<128x1xi32> to vector<128x1xf32>
        %broadcast_in_dim3A_243 = vector.shape_cast %convert_element_type3A_228 : vector<128x1xf32> to vector<128x1xf32>
        %broadcast_in_dim3A_244 = vector.broadcast %broadcast_in_dim3A_243 : vector<128x1xf32> to vector<128x64xf32>
        %broadcast_in_dim3A_245 = vector.shape_cast %convert_element_type3A_242 : vector<128x1xf32> to vector<128x1xf32>
        %broadcast_in_dim3A_246 = vector.broadcast %broadcast_in_dim3A_245 : vector<128x1xf32> to vector<128x64xf32>
        %concatenate3A_247 = tpu.concatenate %broadcast_in_dim3A_244, %broadcast_in_dim3A_246 in 1 : vector<128x64xf32>, vector<128x64xf32> -> vector<128x128xf32>
        %gt3A_248 = arith.constant 5.000000e-01 : f32
        %gt3A_249 = vector.broadcast %gt3A_248 : f32 to vector<128x128xf32>
        %gt3A_250 = arith.cmpf ogt, %concatenate3A_247, %gt3A_249 : vector<128x128xf32>
        %jit3A_251 = arith.constant 0.000000e+00 : f32
        %broadcast_in_dim3A_252 = vector.broadcast %jit3A_251 : f32 to vector<128x128xf32>
        %select_n3A_253 = arith.select %gt3A_250, %get3A_213, %broadcast_in_dim3A_252 : vector<128x128xi1>, vector<128x128xf32>
        %reduce_sum3A_254 = arith.constant dense<0.000000e+00> : vector<128xf32>
        %reduce_sum3A_255 = vector.multi_reduction <add>, %select_n3A_253, %reduce_sum3A_254 [0] : vector<128x128xf32> to vector<128xf32>
        %broadcast_in_dim3A_256 = vector.shape_cast %reduce_sum3A_255 : vector<128xf32> to vector<1x128xf32>
        %add3A_257 = arith.addf %while3A_206, %broadcast_in_dim3A_256 : vector<1x128xf32>
        %jit3A_258 = arith.constant 0xFF800000 : f32
        %broadcast_in_dim3A_259 = vector.broadcast %jit3A_258 : f32 to vector<128x128xf32>
        %select_n3A_260 = arith.select %gt3A_250, %get3A_213, %broadcast_in_dim3A_259 : vector<128x128xi1>, vector<128x128xf32>
        %reduce_max3A = arith.constant dense<0xFF800000> : vector<128xf32>
        %reduce_max3A_261 = vector.multi_reduction <maximumf>, %select_n3A_260, %reduce_max3A [0] : vector<128x128xf32> to vector<128xf32>
        %broadcast_in_dim3A_262 = vector.shape_cast %reduce_max3A_261 : vector<128xf32> to vector<1x128xf32>
        %max3A_263 = arith.maximumf %while3A_207, %broadcast_in_dim3A_262 : vector<1x128xf32>
        scf.yield %add3A_257, %max3A_263 : vector<1x128xf32>, vector<1x128xf32>
      }
      %slice3A_185 = vector.extract_strided_slice %while3A_184#0 {offsets = [0, 0], sizes = [1, 64], strides = [1, 1]} : vector<1x128xf32> to vector<1x64xf32>
      %slice3A_186 = vector.extract_strided_slice %while3A_184#0 {offsets = [0, 64], sizes = [1, 64], strides = [1, 1]} : vector<1x128xf32> to vector<1x64xf32>
      %add3A_187 = arith.addf %slice3A_185, %slice3A_186 : vector<1x64xf32>
      %slice3A_188 = vector.extract_strided_slice %while3A_184#1 {offsets = [0, 0], sizes = [1, 64], strides = [1, 1]} : vector<1x128xf32> to vector<1x64xf32>
      %slice3A_189 = vector.extract_strided_slice %while3A_184#1 {offsets = [0, 64], sizes = [1, 64], strides = [1, 1]} : vector<1x128xf32> to vector<1x64xf32>
      %max3A_190 = arith.maximumf %slice3A_188, %slice3A_189 : vector<1x64xf32>
      %max3A_191 = arith.constant 1 : i32
      %max3A_192 = arith.maxsi %get3A_95, %max3A_191 : i32
      %convert_element_type3A = arith.sitofp %max3A_192 : i32 to f32
      %div3A_193 = vector.broadcast %convert_element_type3A : f32 to vector<1x64xf32>
      %div3A_194 = arith.divf %add3A_187, %div3A_193 : vector<1x64xf32>
      %swap3A_195 = arith.index_cast %scan3A_92 : i32 to index
      %swap3A_196 = arith.constant 0 : index
      %swap3A_197 = vector.load %arg11[%swap3A_195, %swap3A_196] : memref<64x64xf32, #tpu.memory_space<vmem>>, vector<1x64xf32>
      tpu.vector_store %arg11[%swap3A_195, %swap3A_196], %div3A_194 {strides = array<i32>} : memref<64x64xf32, #tpu.memory_space<vmem>>, vector<1x64xf32>,
      %gt3A = arith.constant 0 : i32
      %gt3A_198 = arith.cmpi sgt, %get3A_95, %gt3A : i32
      %jit3A_199 = arith.constant 0.000000e+00 : f32
      %broadcast_in_dim3A_200 = vector.broadcast %jit3A_199 : f32 to vector<1x64xf32>
      %select_n3A_201 = arith.select %gt3A_198, %max3A_190, %broadcast_in_dim3A_200 : vector<1x64xf32>
      %swap3A_202 = arith.index_cast %scan3A_92 : i32 to index
      %swap3A_203 = arith.constant 0 : index
      %swap3A_204 = vector.load %arg12[%swap3A_202, %swap3A_203] : memref<64x64xf32, #tpu.memory_space<vmem>>, vector<1x64xf32>
      tpu.vector_store %arg12[%swap3A_202, %swap3A_203], %select_n3A_201 {strides = array<i32>} : memref<64x64xf32, #tpu.memory_space<vmem>>, vector<1x64xf32>,
    }
    %scan3A_67 = arith.constant 64 : i32
    %get3A_68 = arith.constant 0 : index
    %get3A_69 = arith.constant 0 : index
    %get3A_70 = vector.load %arg11[%get3A_68, %get3A_69] : memref<64x64xf32, #tpu.memory_space<vmem>>, vector<64x64xf32>
    %get3A_71 = arith.constant 0 : index
    %get3A_72 = arith.constant 0 : index
    %get3A_73 = vector.load %arg7[%get3A_71, %get3A_72] : memref<128x1xf32, #tpu.memory_space<vmem>>, vector<64x1xf32>
    %dot_general3A = arith.constant dense<0.000000e+00> : vector<64x1xf32>
    %dot_general3A_74 = tpu.matmul %get3A_70, %get3A_73, %dot_general3A {dimension_numbers = #tpu.dot_dimension_numbers<[1], [0], [0], [1], [0, 0, 1, 1], [], []>, transpose_lhs_hint = false} : vector<64x64xf32>, vector<64x1xf32>, vector<64x1xf32> -> vector<64x1xf32>
    %get3A_75 = arith.constant 0 : index
    %get3A_76 = arith.constant 0 : index
    %get3A_77 = vector.load %arg12[%get3A_75, %get3A_76] : memref<64x64xf32, #tpu.memory_space<vmem>>, vector<64x64xf32>
    %get3A_78 = arith.constant 64 : index
    %get3A_79 = arith.constant 0 : index
    %get3A_80 = vector.load %arg7[%get3A_78, %get3A_79] : memref<128x1xf32, #tpu.memory_space<vmem>>, vector<64x1xf32>
    %dot_general3A_81 = arith.constant dense<0.000000e+00> : vector<64x1xf32>
    %dot_general3A_82 = tpu.matmul %get3A_77, %get3A_80, %dot_general3A_81 {dimension_numbers = #tpu.dot_dimension_numbers<[1], [0], [0], [1], [0, 0, 1, 1], [], []>, transpose_lhs_hint = false} : vector<64x64xf32>, vector<64x1xf32>, vector<64x1xf32> -> vector<64x1xf32>
    %add3A_83 = arith.addf %dot_general3A_74, %dot_general3A_82 : vector<64x1xf32>
    %get3A_84 = arith.constant 0 : index
    %get3A_85 = arith.constant 0 : index
    %get3A_86 = vector.load %arg8[%get3A_84, %get3A_85] : memref<1x1xf32, #tpu.memory_space<vmem>>, vector<1x1xf32>
    %add3A_87 = vector.broadcast %get3A_86 : vector<1x1xf32> to vector<64x1xf32>
    %add3A_88 = arith.addf %add3A_83, %add3A_87 : vector<64x1xf32>
    %swap3A_89 = arith.constant 0 : index
    %swap3A_90 = arith.constant 0 : index
    %swap3A_91 = vector.load %arg9[%swap3A_89, %swap3A_90] : memref<64x1xf32, #tpu.memory_space<vmem>>, vector<64x1xf32>
    tpu.vector_store %arg9[%swap3A_89, %swap3A_90], %add3A_88 {strides = array<i32>} : memref<64x1xf32, #tpu.memory_space<vmem>>, vector<64x1xf32>,
    return
  }
}

</mosaic_0001>

<sc_bundles>
// kernel: kernel.10.cloned.1.call-start
scs
__scs_entry_jumppad:
0x0: {  	(pc) =	sbr.rel $0x88, $3  }
0x1: {  	(tag) =	ssettag $0x0;
	lr =	simm.s32 $0x1  }
0x2: {  	[smem:$0x3F90] =	sst lr;
	_ =	strace $0xD0000000  }
0x3: {  	_ = 	snop  }
0x4: {  	_ = 	snop  }
0x5: {  	_ = 	snop  }
0x6: {  	_ = 	snop  }
0x7: {  	_ = 	snop  }
__scs_overlays_trampoline_lowered:
0x8: {  	[smem:$0x3F9F] =	sst s0  }
0x9: {  	[smem:$0x3FA0] =	sst s1  }
0xa: {  	[smem:$0x3FA1] =	sst s2  }
0xb: {  	[smem:$0x3FA2] =	sst s3  }
0xc: {  	[smem:$0x3FA3] =	sst s4  }
0xd: {  	[smem:$0x3FA4] =	sst s5  }
0xe: {  	[smem:$0x3FA5] =	sst s6  }
0xf: {  	[smem:$0x3FA6] =	sst s7  }
0x10: {  	[smem:$0x3FA7] =	sst s8  }
0x11: {  	[smem:$0x3FA8] =	sst s9;
	s0 =	simm.s32 @!p0 $0x0  }
0x12: {  	s1 =	sld [smem:$0x3F8E];
	s0 =	simm.s32 @p0 $0x1  }
0x13: {  	[smem:$0x3FA9] =	sst s0;
	s0 =	simm.s32 @!p1 $0x0  }
0x14: {  	s2 =	sld [smem:$0x3F8D];
	s0 =	simm.s32 @p1 $0x1  }
0x15: {  	[smem:$0x3FAA] =	sst s0;
	s0 =	simm.s32 @!p2 $0x0  }
0x16: {  	s3 =	sld [smem:$0x3FDB];
	s0 =	simm.s32 @p2 $0x1  }
0x17: {  	s4 =	simm.s32 $0x1BF5;
	[smem:$0x3FAC] =	sst s0  }
0x18: {  	s0 =	sld [smem:$0x3F8F];
	_ =	swait.ge [sflag:s4], $0x0  }
0x19: {  	s7 =	sld [smem:$0x3F90]  }
0x1a: {  	s8 =	sadd.s32 $0xFFFFE003, lr  }
0x1b: {  	s9 =	sadd.s32 $0xFFFFFEF7, lr;
	s5 =	simm.s32 $0xFFFFFFFF;
	p2 =	slt.u32 s8, $0xFFFFF086  }
0x1c: {  	p1 =	slt.u32 s9, $0xF7A;
	s5 =	simm.s32 @!p2 $0x0  }
0x1d: {  	s5 =	simm.s32 @p1 $0x1;
	p0 =	seq.s32 s7, s2  }
0x1e: {  	s7 =	smul.u32 @!p0 $0xF7A, s2;
	p2 =	seq.s32 @!p0 s5, $0x0  }
0x1f: {  	s9 =	smul.u32 $0xF7A, s1;
	s8 =	simm.s32 @!p0 $0x1BF5;
	p2 =	por !p2, p0  }
0x20: {  	[sflag:s8] =	ssyncset.s32 @!p0 $0xFFFFF086;
	s6 =	sadd.s32 @!p0 s3, s7;
	s7 =	simm.s32 @!p0 $0x108  }
0x21: {  	s3 =	sadd.s32 s3, s9;
	s6 =	sadd.s32 @!p0 $0x88, s6;
	s7 =	simm.s32 @p2 $0x1082  }
0x22: {  	[simem:s7], [sflag:s8] =	dma.local @!p0 [hbm:s6], $0xF7A  }
0x23: {  	s9 =	sor.u32 $0xD0000000, s2;
	s6 =	simm.s32 $0x108;
	_ =	swait.ge @!p0 [sflag:s8], $0x0  }
0x24: {  	s3 =	sadd.s32 $0x88, s3;
	s6 =	simm.s32 @!p1 $0x1082;
	[sflag:s4] =	ssyncset.s32 $0xFFFFF086  }
0x25: {  	[simem:s6], [sflag:s4] =	dma.local [hbm:s3], $0xF7A  }
0x26: {  	[smem:$0x3F90] =	sst s1;
	(tag) =	ssettag s2;
	_ =	strace s9  }
0x27: {  	s1 =	sld [smem:$0x3FA0]  }
0x28: {  	s2 =	sld [smem:$0x3FA1]  }
0x29: {  	s4 =	sld [smem:$0x3FA3]  }
0x2a: {  	p0 =	seq.s32 s5, $0x0;
	s5 =	sld [smem:$0x3FA4]  }
0x2b: {  	s6 =	sld [smem:$0x3FA5]  }
0x2c: {  	s7 =	sld [smem:$0x3FA6]  }
0x2d: {  	s3 =	simm.s32 $0x108;
	s8 =	sld [smem:$0x3FA7]  }
0x2e: {  	s3 =	simm.s32 @!p0 $0x1082;
	s9 =	sld [smem:$0x3FA8]  }
0x2f: {  	lr =	sadd.s32 s0, s3;
	s0 =	sld [smem:$0x3F9F]  }
0x30: {  	s3 =	sld [smem:$0x3FA2]  }
0x31: {  	[smem:$0x3FAB] =	sst s10  }
0x32: {  	s10 =	sld [smem:$0x3FA9];
	_ =	sdelay $0x3  }
0x33: {  	p0 =	seq.s32 s10, $0x1;
	s10 =	sld [smem:$0x3FAB];
	_ =	sdelay $0x3  }
0x34: {  	[smem:$0x3FAB] =	sst s10  }
0x35: {  	s10 =	sld [smem:$0x3FAA];
	_ =	sdelay $0x3  }
0x36: {  	p1 =	seq.s32 s10, $0x1;
	s10 =	sld [smem:$0x3FAB];
	_ =	sdelay $0x3  }
0x37: {  	[smem:$0x3FAB] =	sst s10  }
0x38: {  	s10 =	sld [smem:$0x3FAC]  }
0x39: {  	_ = 	snop;
	(pc) =	sbr.ind lr, $3  }
0x3a: {  	_ = 	snop  }
0x3b: {  	_ = 	snop  }
0x3c: {  	p2 =	seq.s32 s10, $0x1;
	s10 =	sld [smem:$0x3FAB]  }
0x3d: {  	_ =	shalt  }
0x3e: {  	_ =	shalt  }
0x3f: {  	_ =	shalt  }
0x40: {  	_ =	shalt  }
0x41: {  	_ =	shalt  }
0x42: {  	_ =	shalt  }
0x43: {  	_ =	shalt  }
0x44: {  	_ =	shalt  }
0x45: {  	_ =	shalt  }
0x46: {  	_ =	shalt  }
0x47: {  	_ =	shalt  }
0x48: {  	_ =	shalt  }
0x49: {  	_ =	shalt  }
0x4a: {  	_ =	shalt  }
0x4b: {  	_ =	shalt  }
0x4c: {  	_ =	shalt  }
0x4d: {  	_ =	shalt  }
0x4e: {  	_ =	shalt  }
0x4f: {  	_ =	shalt  }
0x50: {  	_ =	shalt  }
0x51: {  	_ =	shalt  }
0x52: {  	_ =	shalt  }
0x53: {  	_ =	shalt  }
0x54: {  	_ =	shalt  }
0x55: {  	_ =	shalt  }
0x56: {  	_ =	shalt  }
0x57: {  	_ =	shalt  }
0x58: {  	_ =	shalt  }
0x59: {  	_ =	shalt  }
0x5a: {  	_ =	shalt  }
0x5b: {  	_ =	shalt  }
0x5c: {  	_ =	shalt  }
0x5d: {  	_ =	shalt  }
0x5e: {  	_ =	shalt  }
0x5f: {  	_ =	shalt  }
0x60: {  	_ =	shalt  }
0x61: {  	_ =	shalt  }
0x62: {  	_ =	shalt  }
0x63: {  	_ =	shalt  }
0x64: {  	_ =	shalt  }
0x65: {  	_ =	shalt  }
0x66: {  	_ =	shalt  }
0x67: {  	_ =	shalt  }
0x68: {  	_ =	shalt  }
0x69: {  	_ =	shalt  }
0x6a: {  	_ =	shalt  }
0x6b: {  	_ =	shalt  }
0x6c: {  	_ =	shalt  }
0x6d: {  	_ =	shalt  }
0x6e: {  	_ =	shalt  }
0x6f: {  	_ =	shalt  }
0x70: {  	_ =	shalt  }
0x71: {  	_ =	shalt  }
0x72: {  	_ =	shalt  }
0x73: {  	_ =	shalt  }
0x74: {  	_ =	shalt  }
0x75: {  	_ =	shalt  }
0x76: {  	_ =	shalt  }
0x77: {  	_ =	shalt  }
0x78: {  	_ =	shalt  }
0x79: {  	_ =	shalt  }
0x7a: {  	_ =	shalt  }
0x7b: {  	_ =	shalt  }
0x7c: {  	_ =	shalt  }
0x7d: {  	_ =	shalt  }
0x7e: {  	_ =	shalt  }
0x7f: {  	_ =	shalt  }
0x80: {  	_ =	shalt  }
0x81: {  	_ =	shalt  }
0x82: {  	_ =	shalt  }
0x83: {  	_ =	shalt  }
0x84: {  	_ =	shalt  }
0x85: {  	_ =	shalt  }
0x86: {  	_ =	shalt  }
0x87: {  	_ =	shalt  }
.Lfunc_end0:
.L_simem_size_0:
called_computation_lowered:
.L_overlay_start_0:
0x88: {  	s2 =	sld [smem:$0x3FD9]  }
0x89: {  	s3 =	sld [smem:$0x3FFE];
	_ =	sdelay $0x1  }
0x8a: {  	s1 =	srdreg.scid  }
0x8b: {  	s0 =	sand.u32 $0x1, s1  }
0x8c: {  	s16 =	sshll.u32 s0, $0xA;
	s2 =	sadd.s32 s3, s2  }
0x8d: {  	s2 =	sadd.s32 s2, s16  }
0x8e: {  	[smem:$0x3FB7] =	sst s2  }
0x8f: {  	_ = 	snop  }
0x90: {  	(tm) =	ssettm $0x1  }
0x91: {  	s17 =	sld [smem:$0x3FFB];
	_ =	sdelay $0x3  }
0x92: {  	_ =	strace s17  }
0x93: {  	s2 =	sld [smem:$0x3FFC];
	_ =	sdelay $0x3  }
0x94: {  	_ =	strace s2  }
0x95: {  	s2 =	sld [smem:$0x3FFD];
	_ =	sdelay $0x3  }
0x96: {  	_ =	strace s2  }
0x97: {  	_ =	strace $0x8FFFFFFF  }
0x98: {  	s18 =	sld [smem:$0x3FDB];
	_ =	sdelay $0x1  }
0x99: {  	s19 =	simm.s32 $_scs_section_size  }
0x9a: {  	s4 =	simm.s32 $_size__tile_overlayer_lowered;
	s5 =	simm.s32 $_tile_overlayer_lowered  }
0x9b: {  	s22 =	simm.s32 $0x1BFF;
	s21 =	sshll.u32 s5, $0x1;
	s2 =	sadd.s32 s19, s18  }
0x9c: {  	s6 =	simm.s32 $0x0;
	s20 =	sshll.u32 s4, $0x1;
	s4 =	sadd.s32 s21, s2  }
0x9d: {  	[timem:s6], [sflag:s22] =	dma.local [hbm:s4], s20  }
0x9e: {  	_ =	swait.ge [sflag:s22], s20  }
0x9f: {  	s3 =	ssub.s32 $0x0, s20;
	[sflag:s22] =	ssyncset.done $0x0  }
0xa0: {  	[sflag:s22] =	ssyncadd.s32 s3;
	_ =	sdelay $0x1  }
0xa1: {  	s23 =	simm.s32 $0x1B8B  }
0xa2: {  	_ =	swait.ge [sflag:s23], $0x1  }
0xa3: {  	[sflag:s23] =	ssyncset.done $0x0  }
0xa4: {  	s25 =	simm.s32 $0x1B8E;
	s24 =	sld [smem:$0x3FFE];
	[sflag:s23] =	ssyncadd.s32 $0xFFFFFFFF  }
0xa5: {  	s26 =	simm.s32 $execute0_lowered;
	[smem:$0x3FD2] =	sst s25  }
0xa6: {  	s4 =	sshll.u32 s26, $0x1;
	_ =	strace $0x80000046;
	[dreg:$0x1] =	wrdreg $0xFFFFFFFF  }
0xa7: {  	s28 =	simm.s32 $_size_execute0_lowered;
	s2 =	sadd.s32 s2, s4;
	[dreg:$0x0] =	wrdreg $0x0  }
0xa8: {  	s4 =	sshll.u32 s28, $0x1;
	[dreg:$0x2] =	wrdreg s2  }
0xa9: {  	[dreg:$0x3] =	wrdreg s4  }
0xaa: {  	[dreg:$0x4] =	wrdreg $0xC0  }
0xab: {  	_ =	task [dreg:s6], $0x5FFFF  }
0xac: {  	[dreg:$0x1] =	wrdreg $0xFFFFFFFF  }
0xad: {  	[dreg:$0x0] =	wrdreg $0x60  }
0xae: {  	[dreg:$0x2] =	wrdreg s24  }
0xaf: {  	[dreg:$0x3] =	wrdreg $0x30000  }
0xb0: {  	[dreg:$0x4] =	wrdreg $0x9  }
0xb1: {  	_ =	task.clear_ibuf [dreg:s6], $0x5FFFF;
	_ =	strace $0x90000046  }
0xb2: {  	s29 =	simm.s32 $0x9;
	_ =	strace $0x80000048  }
0xb3: {  	_ =	swait.ge [sflag:s29], $0x1  }
0xb4: {  	[sflag:s29] =	ssyncadd.s32 $0xFFFFFFFF  }
0xb5: {  	_ =	strace $0x90000048  }
0xb6: {  	_ =	sfence  }
0xb7: {  	s30 =	sld [smem:$0x0];
	_ =	sdelay $0x2  }
0xb8: {  	s31 =	sshll.u32 s1, $0xD;
	s1 =	sshrl.u32 s1, $0x2  }
0xb9: {  	s3 =	sand.u32 $0x4000, s31;
	s1 =	sadd.s32 s1, s30  }
0xba: {  	s0 =	sor.u32 s3, s0;
	s1 =	sshll.u32 s1, $0x11  }
0xbb: {  	s0 =	sor.u32 s1, s0  }
0xbc: {  	s0 =	sadd.s32 $0x8F2B, s0  }
0xbd: {  	[sflag:s0] =	ssyncadd.remote.s32 $0x1  }
0xbe: {  	_ =	sfence.sel $0xFFFF  }
0xbf: {  	[dreg:$0x0] =	wrdreg $0xFFFFFFFF;
	(pc) =	sbr.abs _section_cstart, $3  }
0xc0: {  	[dreg:$0x1] =	wrdreg $0xFFFFFFFF  }
0xc1: {  	_ =	task.clear_ibuf [dreg:s6], $0x2FFFF;
	_ =	strace $0x9FFFFFFF  }
0xc2: {  	(tm) =	ssettm $0x7FFFFFFF  }
0xc3: {  	_ =	shalt  }
tec
execute0_lowered:
.L_overlay_start_1:
0x0: {  	(tag) =	ssettag $0x1  }
0x1: {  	s1 =	srdreg.scid;
	s7 =	rddreg [dreg:$0x0]  }
0x2: {  	s0 =	stileid.u32;
	s2 =	rddreg [dreg:$0x1];
	s3 =	simm.s32 $0x0  }
0x3: {  	s14 =	simm.s32 $0x1;
	s15 =	simm.s32 $0x0;
	s6 =	sand.u32 $0x1, s1  }
0x4: {  	s30 =	sshll.u32 s0, $0x1;
	s8 =	smul.u32 $0x2800, s0;
	[smem:$0x7FF] =	sst s3  }
0x5: {  	s11 =	sshll.u32 s0, $0x6;
	s1 =	sor.u32 s6, s30;
	s5 =	smul.u32 $0x28000, s6  }
0x6: {  	s6 =	ssub.s32 $0x2, s6;
	s4 =	smul.u32 $0x500, s1;
	s1 =	rddreg [dreg:$0x2]  }
0x7: {  	_ =	strace $0x80000047;
	s31 =	sshrl.u32 s6, $0x1;
	s13 =	sadd.s32 s8, s2  }
0x8: {  	s10 =	sadd.s32 s8, s5;
	s5 =	sadd.s32 $0x18C00, s7;
	s12 =	ssub.s32 s6, s31  }
0x9: {  	s6 =	sor.u32 $0x1C02, s11;
	s11 =	simm.s32 $0x2;
	s10 =	sshrl.u32 s10, $0x3  }
0xa: {  	s9 =	sadd.s32 s4, s7;
	s4 =	sadd.s32 $0x19200, s7;
	s10 =	sadd.s32 s10, s7  }
0xb: {  	s7 =	sadd.s32 $0x4C00, s9;
	s9 =	smax.u32 s12, $0x1;
	s12 =	simm.s32 $0x2800  }
0xc: {  	s8 =	sadd.s32 $0x19400, s10;
	s10 =	sshrl.u32 s13, $0x3;
	s13 =	simm.s32 $0x80  }
.LBB2_1:
0xd: {  	[spmem:s10], [sflag:s6] =	dma.local [hbm:s5], $0x500  }
0xe: {  	_ =	swait.ge [sflag:s11], $0x500  }
0xf: {  	[sflag:s11] =	ssyncset.done $0x0  }
0x10: {  	[sflag:s11] =	ssyncadd.s32 $0xFFFFFB00  }
0x11: {  	[tilespmem:s12], [sflag:$0x2] =	stream.linear.gather [hbm4b:s4+s3], $0x800, $0x38;
	[tilespmem:$0x5800] =	vst v63  }
0x12: {  	_ =	swait.ge [sflag:s11], $0x800  }
0x13: {  	[sflag:s11] =	ssyncset.done $0x0  }
0x14: {  	[sflag:s11] =	ssyncadd.s32 $0xFFFFF800  }
0x15: {  	[tilespmem:s3], [sflag:$0x2] =	stream.linear.gather [hbm4b:s7+s3], $0x2800, $0x38;
	[tilespmem:$0x5800] =	vst v63  }
0x16: {  	_ =	swait.ge [sflag:s11], $0x2800  }
0x17: {  	[sflag:s11] =	ssyncset.done $0x0  }
0x18: {  	[sflag:s11] =	ssyncadd.s32 $0xFFFFD800  }
0x19: {  	s16 =	simm.s32 $0x0;
	[bflag:$0x0] =	sbarrier.arrive $0xFFFF  }
0x1a: {  	[spmem:s2] =	stream.indirect.scatter.add.f32 [tilespmem:s12], [sflag:$0x1], $0x10, s16, s13, $0xb8;
	[tilespmem:$0x5800] =	vst v63  }
0x1b: {  	s29 =	simm.s32 $0x80  }
0x1c: {  	[spmem:s2] =	stream.indirect.scatter.add.f32 [tilespmem:s12], [sflag:$0x1], $0x10, s29, s13, $0xb8;
	[tilespmem:$0x5800] =	vst v63  }
0x1d: {  	s30 =	simm.s32 $0x100  }
0x1e: {  	[spmem:s2] =	stream.indirect.scatter.add.f32 [tilespmem:s12], [sflag:$0x1], $0x10, s30, s13, $0xb8;
	[tilespmem:$0x5800] =	vst v63  }
0x1f: {  	s31 =	simm.s32 $0x180  }
0x20: {  	[spmem:s2] =	stream.indirect.scatter.add.f32 [tilespmem:s12], [sflag:$0x1], $0x10, s31, s13, $0xb8;
	[tilespmem:$0x5800] =	vst v63  }
0x21: {  	_ =	swait.ge [sflag:s14], $0x800  }
0x22: {  	[sflag:s14] =	ssyncset.done $0x0  }
0x23: {  	[sflag:s14] =	ssyncadd.s32 $0xFFFFF800  }
0x24: {  	_ =	swait.ge [sflag:s14], $0x800  }
0x25: {  	[sflag:s14] =	ssyncset.done $0x0  }
0x26: {  	[sflag:s14] =	ssyncadd.s32 $0xFFFFF800  }
0x27: {  	_ =	swait.ge [sflag:s14], $0x800  }
0x28: {  	[sflag:s14] =	ssyncset.done $0x0  }
0x29: {  	[sflag:s14] =	ssyncadd.s32 $0xFFFFF800  }
0x2a: {  	_ =	swait.ge [sflag:s14], $0x800  }
0x2b: {  	s17 =	simm.s32 $0x1000;
	s16 =	simm.s32 $0x800;
	[sflag:s14] =	ssyncset.done $0x0  }
.LBB2_2:
0x2c: {  	s18 =	sshra.s32 s16, $0x2  }
0x2d: {  	[sflag:s14] =	ssyncadd.s32 $0xFFFFF800;
	s16 =	smov.u32 s17;
	s19 =	sadd.s32 $0x800, s17  }
0x2e: {  	[spmem:s2] =	stream.indirect.scatter.add.f32 [tilespmem:s12], [sflag:$0x1], $0x10, s18, s13, $0xb8;
	[tilespmem:$0x5800] =	vst v63  }
0x2f: {  	p0 =	sne.s32 s17, $0x9800;
	s17 =	sadd.s32 $0x80, s18  }
0x30: {  	[spmem:s2] =	stream.indirect.scatter.add.f32 [tilespmem:s12], [sflag:$0x1], $0x10, s17, s13, $0xb8;
	[tilespmem:$0x5800] =	vst v63  }
0x31: {  	s17 =	sadd.s32 $0x100, s18  }
0x32: {  	[spmem:s2] =	stream.indirect.scatter.add.f32 [tilespmem:s12], [sflag:$0x1], $0x10, s17, s13, $0xb8;
	[tilespmem:$0x5800] =	vst v63  }
0x33: {  	s17 =	sadd.s32 $0x180, s18  }
0x34: {  	[spmem:s2] =	stream.indirect.scatter.add.f32 [tilespmem:s12], [sflag:$0x1], $0x10, s17, s13, $0xb8;
	[tilespmem:$0x5800] =	vst v63  }
0x35: {  	_ =	swait.ge [sflag:s14], $0x800  }
0x36: {  	[sflag:s14] =	ssyncset.done $0x0  }
0x37: {  	[sflag:s14] =	ssyncadd.s32 $0xFFFFF800  }
0x38: {  	_ =	swait.ge [sflag:s14], $0x800  }
0x39: {  	[sflag:s14] =	ssyncset.done $0x0  }
0x3a: {  	[sflag:s14] =	ssyncadd.s32 $0xFFFFF800  }
.Ltmp0:
0x3b: {  	_ =	swait.ge [sflag:s14], $0x800;
	(pc) =	sbr.rel @p0 .LBB2_2-.Ltmp0, $4  }
0x3c: {  	[sflag:s14] =	ssyncset.done $0x0  }
0x3d: {  	[sflag:s14] =	ssyncadd.s32 $0xFFFFF800  }
0x3e: {  	_ =	swait.ge [sflag:s14], $0x800  }
0x3f: {  	s17 =	smov.u32 s19;
	[sflag:s14] =	ssyncset.done $0x0  }
0x40: {  	s16 =	sshra.s32 s16, $0x2;
	[sflag:s14] =	ssyncadd.s32 $0xFFFFF800  }
0x41: {  	[spmem:s2] =	stream.indirect.scatter.add.f32 [tilespmem:s12], [sflag:$0x1], $0x10, s16, s13, $0xb8;
	[tilespmem:$0x5800] =	vst v63  }
0x42: {  	s17 =	sadd.s32 $0x80, s16  }
0x43: {  	[spmem:s2] =	stream.indirect.scatter.add.f32 [tilespmem:s12], [sflag:$0x1], $0x10, s17, s13, $0xb8;
	[tilespmem:$0x5800] =	vst v63  }
0x44: {  	s31 =	sadd.s32 $0x100, s16  }
0x45: {  	[spmem:s2] =	stream.indirect.scatter.add.f32 [tilespmem:s12], [sflag:$0x1], $0x10, s31, s13, $0xb8;
	[tilespmem:$0x5800] =	vst v63  }
0x46: {  	s16 =	sadd.s32 $0x180, s16  }
0x47: {  	[spmem:s2] =	stream.indirect.scatter.add.f32 [tilespmem:s12], [sflag:$0x1], $0x10, s16, s13, $0xb8;
	[tilespmem:$0x5800] =	vst v63  }
0x48: {  	_ =	swait.ge [sflag:s14], $0x800  }
0x49: {  	[sflag:s14] =	ssyncset.done $0x0  }
0x4a: {  	[sflag:s14] =	ssyncadd.s32 $0xFFFFF800  }
0x4b: {  	_ =	swait.ge [sflag:s14], $0x800  }
0x4c: {  	[sflag:s14] =	ssyncset.done $0x0  }
0x4d: {  	[sflag:s14] =	ssyncadd.s32 $0xFFFFF800  }
0x4e: {  	_ =	swait.ge [sflag:s14], $0x800  }
0x4f: {  	[sflag:s14] =	ssyncset.done $0x0  }
0x50: {  	[sflag:s14] =	ssyncadd.s32 $0xFFFFF800  }
0x51: {  	_ =	swait.ge [sflag:s14], $0x800  }
0x52: {  	s15 =	sadd.s32 $0x1, s15;
	[sflag:s14] =	ssyncset.done $0x0  }
0x53: {  	p0 =	sne.s32 s15, s9;
	[sflag:s14] =	ssyncadd.s32 $0xFFFFF800  }
.Ltmp1:
0x54: {  	[bflag:$0x0] =	sbarrier.arrive $0xFFFF;
	(pc) =	sbr.rel @p0 .LBB2_1-.Ltmp1, $4  }
0x55: {  	[hbm:s8], [sflag:s6] =	dma.local [spmem:s10], $0x500  }
0x56: {  	_ =	swait.ge [sflag:s11], $0x500  }
0x57: {  	[sflag:s11] =	ssyncset.done $0x0  }
0x58: {  	[sflag:s11] =	ssyncadd.s32 $0xFFFFFB00  }
0x59: {  	_ =	sfence.sel $0x180000  }
0x5a: {  	[bflag:$0x0] =	sbarrier.arrive $0xFFFF  }
0x5b: {  	p0 =	sne.s32 s0, $0x0;
	_ =	strace $0x90000047  }
0x5c: {  	s0 =	sadd.s32 @!p0 $0x100000, s1;
	[bflag:$0x2] =	sbarrier.arrive $0xFFFF  }
0x5d: {  	[sflag:s0] =	ssyncadd.tile.s32 @!p0 $0x1;
	_ =	shalt  }
.Lfunc_end2:
_tile_overlayer_lowered:
.L_overlay_start_2:
0x5e: {  	(tag) =	ssettag $0x2  }
0x5f: {  	s0 =	rddreg [dreg:$0x0];
	s2 =	stileid.u32  }
0x60: {  	s1 =	rddreg [dreg:$0x1];
	p0 =	sne.s32 s2, $0x0  }
0x61: {  	s3 =	rddreg [dreg:$0x2];
	[bflag:$0x3] =	sbarrier.arrive $0xFFFF;
	s2 =	simm.s32 @!p0 $0x1C02  }
0x62: {  	[timem:s3], [sflag:s2] =	dma.local @!p0 [hbm:s0], s1  }
0x63: {  	s0 =	simm.s32 @!p0 $0x2  }
0x64: {  	_ =	swait.ge @!p0 [sflag:s0], s1  }
0x65: {  	s1 =	ssub.s32 @!p0 $0x0, s1;
	[sflag:s0] =	ssyncset.done @!p0 $0x0  }
0x66: {  	[sflag:s0] =	ssyncadd.s32 @!p0 s1  }
0x67: {  	[bflag:$0x3] =	sbarrier.arrive $0xFFFF  }
0x68: {  	_ =	shalt  }

// kernel: kernel.13.cloned.1.call-start
scs
__scs_entry_jumppad:
0x0: {  	(pc) =	sbr.rel $0x88, $3  }
0x1: {  	(tag) =	ssettag $0x0;
	lr =	simm.s32 $0x1  }
0x2: {  	[smem:$0x3F90] =	sst lr;
	_ =	strace $0xD0000000  }
0x3: {  	_ = 	snop  }
0x4: {  	_ = 	snop  }
0x5: {  	_ = 	snop  }
0x6: {  	_ = 	snop  }
0x7: {  	_ = 	snop  }
__scs_overlays_trampoline_lowered:
0x8: {  	[smem:$0x3F9F] =	sst s0  }
0x9: {  	[smem:$0x3FA0] =	sst s1  }
0xa: {  	[smem:$0x3FA1] =	sst s2  }
0xb: {  	[smem:$0x3FA2] =	sst s3  }
0xc: {  	[smem:$0x3FA3] =	sst s4  }
0xd: {  	[smem:$0x3FA4] =	sst s5  }
0xe: {  	[smem:$0x3FA5] =	sst s6  }
0xf: {  	[smem:$0x3FA6] =	sst s7  }
0x10: {  	[smem:$0x3FA7] =	sst s8  }
0x11: {  	[smem:$0x3FA8] =	sst s9;
	s0 =	simm.s32 @!p0 $0x0  }
0x12: {  	s1 =	sld [smem:$0x3F8E];
	s0 =	simm.s32 @p0 $0x1  }
0x13: {  	[smem:$0x3FA9] =	sst s0;
	s0 =	simm.s32 @!p1 $0x0  }
0x14: {  	s2 =	sld [smem:$0x3F8D];
	s0 =	simm.s32 @p1 $0x1  }
0x15: {  	[smem:$0x3FAA] =	sst s0;
	s0 =	simm.s32 @!p2 $0x0  }
0x16: {  	s3 =	sld [smem:$0x3FDB];
	s0 =	simm.s32 @p2 $0x1  }
0x17: {  	s4 =	simm.s32 $0x1BF5;
	[smem:$0x3FAC] =	sst s0  }
0x18: {  	s0 =	sld [smem:$0x3F8F];
	_ =	swait.ge [sflag:s4], $0x0  }
0x19: {  	s7 =	sld [smem:$0x3F90]  }
0x1a: {  	s8 =	sadd.s32 $0xFFFFE003, lr  }
0x1b: {  	s9 =	sadd.s32 $0xFFFFFEF7, lr;
	s5 =	simm.s32 $0xFFFFFFFF;
	p2 =	slt.u32 s8, $0xFFFFF086  }
0x1c: {  	p1 =	slt.u32 s9, $0xF7A;
	s5 =	simm.s32 @!p2 $0x0  }
0x1d: {  	s5 =	simm.s32 @p1 $0x1;
	p0 =	seq.s32 s7, s2  }
0x1e: {  	s7 =	smul.u32 @!p0 $0xF7A, s2;
	p2 =	seq.s32 @!p0 s5, $0x0  }
0x1f: {  	s9 =	smul.u32 $0xF7A, s1;
	s8 =	simm.s32 @!p0 $0x1BF5;
	p2 =	por !p2, p0  }
0x20: {  	[sflag:s8] =	ssyncset.s32 @!p0 $0xFFFFF086;
	s6 =	sadd.s32 @!p0 s3, s7;
	s7 =	simm.s32 @!p0 $0x108  }
0x21: {  	s3 =	sadd.s32 s3, s9;
	s6 =	sadd.s32 @!p0 $0x88, s6;
	s7 =	simm.s32 @p2 $0x1082  }
0x22: {  	[simem:s7], [sflag:s8] =	dma.local @!p0 [hbm:s6], $0xF7A  }
0x23: {  	s9 =	sor.u32 $0xD0000000, s2;
	s6 =	simm.s32 $0x108;
	_ =	swait.ge @!p0 [sflag:s8], $0x0  }
0x24: {  	s3 =	sadd.s32 $0x88, s3;
	s6 =	simm.s32 @!p1 $0x1082;
	[sflag:s4] =	ssyncset.s32 $0xFFFFF086  }
0x25: {  	[simem:s6], [sflag:s4] =	dma.local [hbm:s3], $0xF7A  }
0x26: {  	[smem:$0x3F90] =	sst s1;
	(tag) =	ssettag s2;
	_ =	strace s9  }
0x27: {  	s1 =	sld [smem:$0x3FA0]  }
0x28: {  	s2 =	sld [smem:$0x3FA1]  }
0x29: {  	s4 =	sld [smem:$0x3FA3]  }
0x2a: {  	p0 =	seq.s32 s5, $0x0;
	s5 =	sld [smem:$0x3FA4]  }
0x2b: {  	s6 =	sld [smem:$0x3FA5]  }
0x2c: {  	s7 =	sld [smem:$0x3FA6]  }
0x2d: {  	s3 =	simm.s32 $0x108;
	s8 =	sld [smem:$0x3FA7]  }
0x2e: {  	s3 =	simm.s32 @!p0 $0x1082;
	s9 =	sld [smem:$0x3FA8]  }
0x2f: {  	lr =	sadd.s32 s0, s3;
	s0 =	sld [smem:$0x3F9F]  }
0x30: {  	s3 =	sld [smem:$0x3FA2]  }
0x31: {  	[smem:$0x3FAB] =	sst s10  }
0x32: {  	s10 =	sld [smem:$0x3FA9];
	_ =	sdelay $0x3  }
0x33: {  	p0 =	seq.s32 s10, $0x1;
	s10 =	sld [smem:$0x3FAB];
	_ =	sdelay $0x3  }
0x34: {  	[smem:$0x3FAB] =	sst s10  }
0x35: {  	s10 =	sld [smem:$0x3FAA];
	_ =	sdelay $0x3  }
0x36: {  	p1 =	seq.s32 s10, $0x1;
	s10 =	sld [smem:$0x3FAB];
	_ =	sdelay $0x3  }
0x37: {  	[smem:$0x3FAB] =	sst s10  }
0x38: {  	s10 =	sld [smem:$0x3FAC]  }
0x39: {  	_ = 	snop;
	(pc) =	sbr.ind lr, $3  }
0x3a: {  	_ = 	snop  }
0x3b: {  	_ = 	snop  }
0x3c: {  	p2 =	seq.s32 s10, $0x1;
	s10 =	sld [smem:$0x3FAB]  }
0x3d: {  	_ =	shalt  }
0x3e: {  	_ =	shalt  }
0x3f: {  	_ =	shalt  }
0x40: {  	_ =	shalt  }
0x41: {  	_ =	shalt  }
0x42: {  	_ =	shalt  }
0x43: {  	_ =	shalt  }
0x44: {  	_ =	shalt  }
0x45: {  	_ =	shalt  }
0x46: {  	_ =	shalt  }
0x47: {  	_ =	shalt  }
0x48: {  	_ =	shalt  }
0x49: {  	_ =	shalt  }
0x4a: {  	_ =	shalt  }
0x4b: {  	_ =	shalt  }
0x4c: {  	_ =	shalt  }
0x4d: {  	_ =	shalt  }
0x4e: {  	_ =	shalt  }
0x4f: {  	_ =	shalt  }
0x50: {  	_ =	shalt  }
0x51: {  	_ =	shalt  }
0x52: {  	_ =	shalt  }
0x53: {  	_ =	shalt  }
0x54: {  	_ =	shalt  }
0x55: {  	_ =	shalt  }
0x56: {  	_ =	shalt  }
0x57: {  	_ =	shalt  }
0x58: {  	_ =	shalt  }
0x59: {  	_ =	shalt  }
0x5a: {  	_ =	shalt  }
0x5b: {  	_ =	shalt  }
0x5c: {  	_ =	shalt  }
0x5d: {  	_ =	shalt  }
0x5e: {  	_ =	shalt  }
0x5f: {  	_ =	shalt  }
0x60: {  	_ =	shalt  }
0x61: {  	_ =	shalt  }
0x62: {  	_ =	shalt  }
0x63: {  	_ =	shalt  }
0x64: {  	_ =	shalt  }
0x65: {  	_ =	shalt  }
0x66: {  	_ =	shalt  }
0x67: {  	_ =	shalt  }
0x68: {  	_ =	shalt  }
0x69: {  	_ =	shalt  }
0x6a: {  	_ =	shalt  }
0x6b: {  	_ =	shalt  }
0x6c: {  	_ =	shalt  }
0x6d: {  	_ =	shalt  }
0x6e: {  	_ =	shalt  }
0x6f: {  	_ =	shalt  }
0x70: {  	_ =	shalt  }
0x71: {  	_ =	shalt  }
0x72: {  	_ =	shalt  }
0x73: {  	_ =	shalt  }
0x74: {  	_ =	shalt  }
0x75: {  	_ =	shalt  }
0x76: {  	_ =	shalt  }
0x77: {  	_ =	shalt  }
0x78: {  	_ =	shalt  }
0x79: {  	_ =	shalt  }
0x7a: {  	_ =	shalt  }
0x7b: {  	_ =	shalt  }
0x7c: {  	_ =	shalt  }
0x7d: {  	_ =	shalt  }
0x7e: {  	_ =	shalt  }
0x7f: {  	_ =	shalt  }
0x80: {  	_ =	shalt  }
0x81: {  	_ =	shalt  }
0x82: {  	_ =	shalt  }
0x83: {  	_ =	shalt  }
0x84: {  	_ =	shalt  }
0x85: {  	_ =	shalt  }
0x86: {  	_ =	shalt  }
0x87: {  	_ =	shalt  }
.Lfunc_end0:
.L_simem_size_0:
called_computation.1_lowered:
.L_overlay_start_0:
0x88: {  	s2 =	sld [smem:$0x3FD9]  }
0x89: {  	s3 =	sld [smem:$0x3FFE];
	_ =	sdelay $0x1  }
0x8a: {  	s1 =	srdreg.scid  }
0x8b: {  	s0 =	sand.u32 $0x1, s1  }
0x8c: {  	s16 =	sshll.u32 s0, $0xA;
	s2 =	sadd.s32 s3, s2  }
0x8d: {  	s2 =	sadd.s32 s2, s16  }
0x8e: {  	[smem:$0x3FB7] =	sst s2  }
0x8f: {  	_ = 	snop  }
0x90: {  	(tm) =	ssettm $0x1  }
0x91: {  	s17 =	sld [smem:$0x3FFB];
	_ =	sdelay $0x3  }
0x92: {  	_ =	strace s17  }
0x93: {  	s2 =	sld [smem:$0x3FFC];
	_ =	sdelay $0x3  }
0x94: {  	_ =	strace s2  }
0x95: {  	s2 =	sld [smem:$0x3FFD];
	_ =	sdelay $0x3  }
0x96: {  	_ =	strace s2  }
0x97: {  	_ =	strace $0x8FFFFFFF  }
0x98: {  	s18 =	sld [smem:$0x3FDB];
	_ =	sdelay $0x1  }
0x99: {  	s19 =	simm.s32 $_scs_section_size  }
0x9a: {  	s4 =	simm.s32 $_size__tile_overlayer_lowered;
	s5 =	simm.s32 $_tile_overlayer_lowered  }
0x9b: {  	s22 =	simm.s32 $0x1BFF;
	s21 =	sshll.u32 s5, $0x1;
	s2 =	sadd.s32 s19, s18  }
0x9c: {  	s6 =	simm.s32 $0x0;
	s20 =	sshll.u32 s4, $0x1;
	s4 =	sadd.s32 s21, s2  }
0x9d: {  	[timem:s6], [sflag:s22] =	dma.local [hbm:s4], s20  }
0x9e: {  	_ =	swait.ge [sflag:s22], s20  }
0x9f: {  	s3 =	ssub.s32 $0x0, s20;
	[sflag:s22] =	ssyncset.done $0x0  }
0xa0: {  	[sflag:s22] =	ssyncadd.s32 s3;
	_ =	sdelay $0x1  }
0xa1: {  	s23 =	simm.s32 $0x1B8B  }
0xa2: {  	_ =	swait.ge [sflag:s23], $0x1  }
0xa3: {  	[sflag:s23] =	ssyncset.done $0x0  }
0xa4: {  	s25 =	simm.s32 $0x1B8E;
	s24 =	sld [smem:$0x3FFE];
	[sflag:s23] =	ssyncadd.s32 $0xFFFFFFFF  }
0xa5: {  	s26 =	simm.s32 $execute0_lowered;
	[smem:$0x3FD2] =	sst s25  }
0xa6: {  	s4 =	sshll.u32 s26, $0x1;
	_ =	strace $0x80000049;
	[dreg:$0x1] =	wrdreg $0xFFFFFFFF  }
0xa7: {  	s28 =	simm.s32 $_size_execute0_lowered;
	s2 =	sadd.s32 s2, s4;
	[dreg:$0x0] =	wrdreg $0x0  }
0xa8: {  	s4 =	sshll.u32 s28, $0x1;
	[dreg:$0x2] =	wrdreg s2  }
0xa9: {  	[dreg:$0x3] =	wrdreg s4  }
0xaa: {  	[dreg:$0x4] =	wrdreg $0xC0  }
0xab: {  	_ =	task [dreg:s6], $0x5FFFF  }
0xac: {  	[dreg:$0x1] =	wrdreg $0xFFFFFFFF  }
0xad: {  	[dreg:$0x0] =	wrdreg $0x60  }
0xae: {  	[dreg:$0x2] =	wrdreg s24  }
0xaf: {  	[dreg:$0x3] =	wrdreg $0xD0000  }
0xb0: {  	[dreg:$0x4] =	wrdreg $0x9  }
0xb1: {  	_ =	task.clear_ibuf [dreg:s6], $0x5FFFF;
	_ =	strace $0x90000049  }
0xb2: {  	s29 =	simm.s32 $0x9;
	_ =	strace $0x8000004B  }
0xb3: {  	_ =	swait.ge [sflag:s29], $0x1  }
0xb4: {  	[sflag:s29] =	ssyncadd.s32 $0xFFFFFFFF  }
0xb5: {  	_ =	strace $0x9000004B  }
0xb6: {  	_ =	sfence  }
0xb7: {  	s30 =	sld [smem:$0x0];
	_ =	sdelay $0x2  }
0xb8: {  	s31 =	sshll.u32 s1, $0xD;
	s1 =	sshrl.u32 s1, $0x2  }
0xb9: {  	s3 =	sand.u32 $0x4000, s31;
	s1 =	sadd.s32 s1, s30  }
0xba: {  	s0 =	sor.u32 s3, s0;
	s1 =	sshll.u32 s1, $0x11  }
0xbb: {  	s0 =	sor.u32 s1, s0  }
0xbc: {  	s0 =	sadd.s32 $0x8F2B, s0  }
0xbd: {  	[sflag:s0] =	ssyncadd.remote.s32 $0x1  }
0xbe: {  	_ =	sfence.sel $0xFFFF  }
0xbf: {  	[dreg:$0x0] =	wrdreg $0xFFFFFFFF;
	(pc) =	sbr.abs _section_cstart, $3  }
0xc0: {  	[dreg:$0x1] =	wrdreg $0xFFFFFFFF  }
0xc1: {  	_ =	task.clear_ibuf [dreg:s6], $0x2FFFF;
	_ =	strace $0x9FFFFFFF  }
0xc2: {  	(tm) =	ssettm $0x7FFFFFFF  }
0xc3: {  	_ =	shalt  }
tec
execute0_lowered:
.L_overlay_start_1:
0x0: {  	(tag) =	ssettag $0x1  }
0x1: {  	s0 =	srdreg.scid  }
0x2: {  	s10 =	stileid.u32;
	s6 =	rddreg [dreg:$0x0]  }
0x3: {  	s2 =	rddreg [dreg:$0x1];
	s3 =	simm.s32 $0x0;
	s12 =	simm.s32 $0x6  }
0x4: {  	s14 =	simm.s32 $0x80;
	s15 =	simm.s32 $0x5000;
	s16 =	simm.s32 $0x7000  }
0x5: {  	s17 =	simm.s32 $0x100;
	s18 =	simm.s32 $0x9000;
	s19 =	simm.s32 $0x180  }
0x6: {  	s20 =	simm.s32 $0xB000;
	s21 =	simm.s32 $0x1;
	s22 =	simm.s32 $0x2  }
0x7: {  	s23 =	simm.s32 $0x3;
	s24 =	simm.s32 $0x4;
	s28 =	simm.s32 $0x4E80  }
0x8: {  	s29 =	simm.s32 $0x4F00;
	s30 =	simm.s32 $0x4F80;
	s31 =	simm.s32 $0x0  }
0x9: {  	s0 =	sand.u32 $0x1, s0;
	s1 =	sshll.u32 s10, $0x1;
	s7 =	smul.u32 $0xA000, s10  }
0xa: {  	[smem:$0x7FF] =	sst s3;
	s4 =	sadd.s32 $0x18C00, s6;
	s26 =	sshll.u32 s10, $0x6  }
0xb: {  	s1 =	sor.u32 s0, s1;
	s5 =	smul.u32 $0xA0000, s0;
	s0 =	ssub.s32 $0x2, s0  }
0xc: {  	_ =	strace $0x8000004A;
	s1 =	smul.u32 $0x500, s1;
	s25 =	sshrl.u32 s0, $0x1  }
0xd: {  	s11 =	sadd.s32 s7, s2;
	s8 =	sadd.s32 s7, s5;
	s5 =	sadd.s32 $0x2C600, s6  }
0xe: {  	s0 =	ssub.s32 s0, s25;
	s11 =	sshrl.u32 s11, $0x3;
	s25 =	simm.s32 $0x5  }
0xf: {  	s1 =	sadd.s32 s1, s6;
	s8 =	sshrl.u32 s8, $0x3;
	s10 =	smax.u32 s0, $0x1  }
0x10: {  	s9 =	sadd.s32 s8, s6;
	s6 =	sor.u32 $0x1C06, s26;
	s7 =	sadd.s32 $0xEC00, s1  }
0x11: {  	s8 =	sadd.s32 $0x4C00, s1;
	s26 =	simm.s32 $0x4E00;
	s9 =	sadd.s32 $0x2DA00, s9  }
.LBB2_1:
0x12: {  	[spmem:s11], [sflag:s6] =	dma.local [hbm:s5], $0x1400  }
0x13: {  	_ =	swait.ge [sflag:s12], $0x1400  }
0x14: {  	[sflag:s12] =	ssyncset.done $0x0  }
0x15: {  	[sflag:s12] =	ssyncadd.s32 $0xFFFFEC00  }
0x16: {  	[tilespmem:s3], [sflag:$0x6] =	stream.linear.gather [hbm4b:s7+s3], $0x2800, $0x38;
	[tilespmem:$0x17000] =	vst v63  }
0x17: {  	_ =	swait.ge [sflag:s12], $0x2800  }
0x18: {  	[sflag:s12] =	ssyncset.done $0x0  }
0x19: {  	s0 =	simm.s32 $0x2800;
	[sflag:s12] =	ssyncadd.s32 $0xFFFFD800  }
0x1a: {  	[tilespmem:s0], [sflag:$0x6] =	stream.linear.gather [hbm4b:s8+s3], $0x2800, $0x38;
	[tilespmem:$0x17000] =	vst v63  }
0x1b: {  	_ =	swait.ge [sflag:s12], $0x2800  }
0x1c: {  	[sflag:s12] =	ssyncset.done $0x0  }
0x1d: {  	[sflag:s12] =	ssyncadd.s32 $0xFFFFD800  }
0x1e: {  	[bflag:$0x0] =	sbarrier.arrive $0xFFFF  }
0x1f: {  	[tilespmem:s15], [sflag:$0x1] =	stream.indirect.gather [hbm4b:s4+s14], $0x40, s3, s14, $0xb8;
	[tilespmem:$0x17000] =	vst v63  }
0x20: {  	_ = 	snop  }
0x21: {  	[tilespmem:s16], [sflag:$0x2] =	stream.indirect.gather [hbm4b:s4+s14], $0x40, s14, s14, $0xb8;
	[tilespmem:$0x17000] =	vst v63  }
0x22: {  	_ = 	snop  }
0x23: {  	[tilespmem:s18], [sflag:$0x3] =	stream.indirect.gather [hbm4b:s4+s14], $0x40, s17, s14, $0xb8;
	[tilespmem:$0x17000] =	vst v63  }
0x24: {  	_ = 	snop  }
0x25: {  	[tilespmem:s20], [sflag:$0x4] =	stream.indirect.gather [hbm4b:s4+s14], $0x40, s19, s14, $0xb8;
	[tilespmem:$0x17000] =	vst v63  }
0x26: {  	_ =	swait.ge [sflag:s21], $0x2000  }
0x27: {  	[sflag:s21] =	ssyncset.done $0x0  }
0x28: {  	[sflag:s21] =	ssyncadd.s32 $0xFFFFE000  }
0x29: {  	_ =	swait.ge [sflag:s22], $0x2000  }
0x2a: {  	[sflag:s22] =	ssyncset.done $0x0  }
0x2b: {  	s13 =	simm.s32 $0x2800;
	[sflag:s22] =	ssyncadd.s32 $0xFFFFE000  }
0x2c: {  	[spmem:s2] =	stream.indirect.scatter.add.f32 [tilespmem:s15], [sflag:$0x5], $0x40, s13, s14, $0xb8;
	[tilespmem:$0x17000] =	vst v63  }
0x2d: {  	s1 =	simm.s32 $0x2880  }
0x2e: {  	[spmem:s2] =	stream.indirect.scatter.add.f32 [tilespmem:s16], [sflag:$0x5], $0x40, s1, s14, $0xb8;
	[tilespmem:$0x17000] =	vst v63  }
0x2f: {  	_ =	swait.ge [sflag:s23], $0x2000  }
0x30: {  	[sflag:s23] =	ssyncset.done $0x0  }
0x31: {  	[sflag:s23] =	ssyncadd.s32 $0xFFFFE000  }
0x32: {  	_ =	swait.ge [sflag:s24], $0x2000  }
0x33: {  	[sflag:s24] =	ssyncset.done $0x0  }
0x34: {  	[sflag:s24] =	ssyncadd.s32 $0xFFFFE000  }
0x35: {  	_ =	swait.ge [sflag:s25], $0x2000  }
0x36: {  	[sflag:s25] =	ssyncset.done $0x0  }
0x37: {  	[sflag:s25] =	ssyncadd.s32 $0xFFFFE000  }
0x38: {  	_ =	swait.ge [sflag:s25], $0x2000  }
0x39: {  	[sflag:s25] =	ssyncset.done $0x0  }
0x3a: {  	s13 =	simm.s32 $0x2900;
	[sflag:s25] =	ssyncadd.s32 $0xFFFFE000  }
0x3b: {  	[spmem:s2] =	stream.indirect.scatter.add.f32 [tilespmem:s18], [sflag:$0x5], $0x40, s13, s14, $0xb8;
	[tilespmem:$0x17000] =	vst v63  }
0x3c: {  	s1 =	simm.s32 $0x2980  }
0x3d: {  	[spmem:s2] =	stream.indirect.scatter.add.f32 [tilespmem:s20], [sflag:$0x5], $0x40, s1, s14, $0xb8;
	[tilespmem:$0x17000] =	vst v63  }
0x3e: {  	s13 =	simm.s32 $0x200  }
0x3f: {  	[tilespmem:s15], [sflag:$0x1] =	stream.indirect.gather [hbm4b:s4+s14], $0x40, s13, s14, $0xb8;
	[tilespmem:$0x17000] =	vst v63  }
0x40: {  	s1 =	simm.s32 $0x280  }
0x41: {  	[tilespmem:s16], [sflag:$0x2] =	stream.indirect.gather [hbm4b:s4+s14], $0x40, s1, s14, $0xb8;
	[tilespmem:$0x17000] =	vst v63  }
0x42: {  	_ =	swait.ge [sflag:s25], $0x2000  }
0x43: {  	[sflag:s25] =	ssyncset.done $0x0  }
0x44: {  	[sflag:s25] =	ssyncadd.s32 $0xFFFFE000  }
0x45: {  	_ =	swait.ge [sflag:s25], $0x2000  }
0x46: {  	s0 =	simm.s32 $0x380;
	[sflag:s25] =	ssyncset.done $0x0  }
0x47: {  	s13 =	simm.s32 $0x300;
	s1 =	simm.s32 $0x800;
	[sflag:s25] =	ssyncadd.s32 $0xFFFFE000  }
0x48: {  	[tilespmem:s18], [sflag:$0x3] =	stream.indirect.gather [hbm4b:s4+s14], $0x40, s13, s14, $0xb8;
	[tilespmem:$0x17000] =	vst v63  }
.LBB2_2:
0x49: {  	[tilespmem:s20], [sflag:$0x4] =	stream.indirect.gather [hbm4b:s4+s14], $0x40, s0, s14, $0xb8;
	[tilespmem:$0x17000] =	vst v63  }
0x4a: {  	s0 =	smov.u32 s1  }
0x4b: {  	p0 =	sne.s32 s1, $0x9000;
	s1 =	sadd.s32 $0x800, s1;
	_ =	swait.ge [sflag:s21], $0x2000  }
0x4c: {  	[sflag:s21] =	ssyncset.done $0x0  }
0x4d: {  	[sflag:s21] =	ssyncadd.s32 $0xFFFFE000  }
0x4e: {  	_ =	swait.ge [sflag:s22], $0x2000  }
0x4f: {  	s0 =	sshra.s32 s0, $0x2;
	[sflag:s22] =	ssyncset.done $0x0  }
0x50: {  	s13 =	sadd.s32 $0x2800, s0;
	[sflag:s22] =	ssyncadd.s32 $0xFFFFE000  }
0x51: {  	[spmem:s2] =	stream.indirect.scatter.add.f32 [tilespmem:s15], [sflag:$0x5], $0x40, s13, s14, $0xb8;
	[tilespmem:$0x17000] =	vst v63  }
0x52: {  	s13 =	sadd.s32 $0x2880, s0  }
0x53: {  	[spmem:s2] =	stream.indirect.scatter.add.f32 [tilespmem:s16], [sflag:$0x5], $0x40, s13, s14, $0xb8;
	[tilespmem:$0x17000] =	vst v63  }
0x54: {  	_ =	swait.ge [sflag:s23], $0x2000  }
0x55: {  	[sflag:s23] =	ssyncset.done $0x0  }
0x56: {  	[sflag:s23] =	ssyncadd.s32 $0xFFFFE000  }
0x57: {  	_ =	swait.ge [sflag:s24], $0x2000  }
0x58: {  	[sflag:s24] =	ssyncset.done $0x0  }
0x59: {  	[sflag:s24] =	ssyncadd.s32 $0xFFFFE000  }
0x5a: {  	_ =	swait.ge [sflag:s25], $0x2000  }
0x5b: {  	[sflag:s25] =	ssyncset.done $0x0  }
0x5c: {  	[sflag:s25] =	ssyncadd.s32 $0xFFFFE000  }
0x5d: {  	_ =	swait.ge [sflag:s25], $0x2000  }
0x5e: {  	[sflag:s25] =	ssyncset.done $0x0  }
0x5f: {  	s13 =	sadd.s32 $0x2900, s0;
	[sflag:s25] =	ssyncadd.s32 $0xFFFFE000  }
0x60: {  	[spmem:s2] =	stream.indirect.scatter.add.f32 [tilespmem:s18], [sflag:$0x5], $0x40, s13, s14, $0xb8;
	[tilespmem:$0x17000] =	vst v63  }
0x61: {  	s13 =	sadd.s32 $0x2980, s0  }
0x62: {  	[spmem:s2] =	stream.indirect.scatter.add.f32 [tilespmem:s20], [sflag:$0x5], $0x40, s13, s14, $0xb8;
	[tilespmem:$0x17000] =	vst v63  }
0x63: {  	s13 =	sadd.s32 $0x200, s0  }
0x64: {  	[tilespmem:s15], [sflag:$0x1] =	stream.indirect.gather [hbm4b:s4+s14], $0x40, s13, s14, $0xb8;
	[tilespmem:$0x17000] =	vst v63  }
0x65: {  	s13 =	sadd.s32 $0x280, s0  }
0x66: {  	[tilespmem:s16], [sflag:$0x2] =	stream.indirect.gather [hbm4b:s4+s14], $0x40, s13, s14, $0xb8;
	[tilespmem:$0x17000] =	vst v63  }
0x67: {  	_ =	swait.ge [sflag:s25], $0x2000  }
0x68: {  	[sflag:s25] =	ssyncset.done $0x0  }
0x69: {  	[sflag:s25] =	ssyncadd.s32 $0xFFFFE000  }
.Ltmp0:
0x6a: {  	_ =	swait.ge [sflag:s25], $0x2000;
	(pc) =	sbr.rel @p0 .LBB2_2-.Ltmp0, $4  }
0x6b: {  	[sflag:s25] =	ssyncset.done $0x0  }
0x6c: {  	s13 =	sadd.s32 $0x300, s0;
	[sflag:s25] =	ssyncadd.s32 $0xFFFFE000  }
0x6d: {  	[tilespmem:s18], [sflag:$0x3] =	stream.indirect.gather [hbm4b:s4+s14], $0x40, s13, s14, $0xb8;
	[tilespmem:$0x17000] =	vst v63  }
0x6e: {  	s0 =	sadd.s32 $0x380, s0  }
0x6f: {  	[tilespmem:s20], [sflag:$0x4] =	stream.indirect.gather [hbm4b:s4+s14], $0x40, s0, s14, $0xb8;
	[tilespmem:$0x17000] =	vst v63  }
0x70: {  	_ =	swait.ge [sflag:s21], $0x2000  }
0x71: {  	[sflag:s21] =	ssyncset.done $0x0  }
0x72: {  	[sflag:s21] =	ssyncadd.s32 $0xFFFFE000  }
0x73: {  	_ =	swait.ge [sflag:s22], $0x2000  }
0x74: {  	[sflag:s22] =	ssyncset.done $0x0  }
0x75: {  	[sflag:s22] =	ssyncadd.s32 $0xFFFFE000  }
0x76: {  	[spmem:s2] =	stream.indirect.scatter.add.f32 [tilespmem:s15], [sflag:$0x5], $0x40, s26, s14, $0xb8;
	[tilespmem:$0x17000] =	vst v63  }
0x77: {  	_ = 	snop  }
0x78: {  	[spmem:s2] =	stream.indirect.scatter.add.f32 [tilespmem:s16], [sflag:$0x5], $0x40, s28, s14, $0xb8;
	[tilespmem:$0x17000] =	vst v63  }
0x79: {  	_ =	swait.ge [sflag:s23], $0x2000  }
0x7a: {  	[sflag:s23] =	ssyncset.done $0x0  }
0x7b: {  	[sflag:s23] =	ssyncadd.s32 $0xFFFFE000  }
0x7c: {  	_ =	swait.ge [sflag:s24], $0x2000  }
0x7d: {  	[sflag:s24] =	ssyncset.done $0x0  }
0x7e: {  	[sflag:s24] =	ssyncadd.s32 $0xFFFFE000  }
0x7f: {  	_ =	swait.ge [sflag:s25], $0x2000  }
0x80: {  	[sflag:s25] =	ssyncset.done $0x0  }
0x81: {  	[sflag:s25] =	ssyncadd.s32 $0xFFFFE000  }
0x82: {  	_ =	swait.ge [sflag:s25], $0x2000  }
0x83: {  	[sflag:s25] =	ssyncset.done $0x0  }
0x84: {  	[sflag:s25] =	ssyncadd.s32 $0xFFFFE000  }
0x85: {  	[spmem:s2] =	stream.indirect.scatter.add.f32 [tilespmem:s18], [sflag:$0x5], $0x40, s29, s14, $0xb8;
	[tilespmem:$0x17000] =	vst v63  }
0x86: {  	_ = 	snop  }
0x87: {  	[spmem:s2] =	stream.indirect.scatter.add.f32 [tilespmem:s20], [sflag:$0x5], $0x40, s30, s14, $0xb8;
	[tilespmem:$0x17000] =	vst v63  }
0x88: {  	_ =	swait.ge [sflag:s25], $0x2000  }
0x89: {  	[sflag:s25] =	ssyncset.done $0x0  }
0x8a: {  	[sflag:s25] =	ssyncadd.s32 $0xFFFFE000  }
0x8b: {  	_ =	swait.ge [sflag:s25], $0x2000  }
0x8c: {  	s31 =	sadd.s32 $0x1, s31;
	[sflag:s25] =	ssyncset.done $0x0  }
0x8d: {  	p0 =	sne.s32 s31, s10;
	[sflag:s25] =	ssyncadd.s32 $0xFFFFE000  }
.Ltmp1:
0x8e: {  	[bflag:$0x0] =	sbarrier.arrive $0xFFFF;
	(pc) =	sbr.rel @p0 .LBB2_1-.Ltmp1, $4  }
0x8f: {  	[hbm:s9], [sflag:s6] =	dma.local [spmem:s11], $0x1400  }
0x90: {  	_ =	swait.ge [sflag:s12], $0x1400  }
0x91: {  	[sflag:s12] =	ssyncset.done $0x0  }
0x92: {  	[sflag:s12] =	ssyncadd.s32 $0xFFFFEC00  }
0x93: {  	_ =	sfence.sel $0x180000  }
0x94: {  	[bflag:$0x0] =	sbarrier.arrive $0xFFFF  }
0x95: {  	_ =	strace $0x9000004A  }
0x96: {  	s0 =	stileid.u32;
	[bflag:$0x2] =	sbarrier.arrive $0xFFFF  }
0x97: {  	p0 =	sne.s32 s0, $0x0;
	s0 =	rddreg [dreg:$0x2]  }
0x98: {  	s0 =	sadd.s32 @!p0 $0x100000, s0  }
0x99: {  	[sflag:s0] =	ssyncadd.tile.s32 @!p0 $0x1;
	_ =	shalt  }
.Lfunc_end2:
_tile_overlayer_lowered:
.L_overlay_start_2:
0x9a: {  	(tag) =	ssettag $0x2  }
0x9b: {  	s0 =	rddreg [dreg:$0x0];
	s2 =	stileid.u32  }
0x9c: {  	s1 =	rddreg [dreg:$0x1];
	p0 =	sne.s32 s2, $0x0  }
0x9d: {  	s3 =	rddreg [dreg:$0x2];
	[bflag:$0x3] =	sbarrier.arrive $0xFFFF;
	s2 =	simm.s32 @!p0 $0x1C06  }
0x9e: {  	[timem:s3], [sflag:s2] =	dma.local @!p0 [hbm:s0], s1  }
0x9f: {  	s0 =	simm.s32 @!p0 $0x6  }
0xa0: {  	_ =	swait.ge @!p0 [sflag:s0], s1  }
0xa1: {  	s1 =	ssub.s32 @!p0 $0x0, s1;
	[sflag:s0] =	ssyncset.done @!p0 $0x0  }
0xa2: {  	[sflag:s0] =	ssyncadd.s32 @!p0 s1  }
0xa3: {  	[bflag:$0x3] =	sbarrier.arrive $0xFFFF  }
0xa4: {  	_ =	shalt  }

// kernel: kernel.16.cloned.1.call-start
scs
__scs_entry_jumppad:
0x0: {  	(pc) =	sbr.rel $0x88, $3  }
0x1: {  	(tag) =	ssettag $0x0;
	lr =	simm.s32 $0x1  }
0x2: {  	[smem:$0x3F90] =	sst lr;
	_ =	strace $0xD0000000  }
0x3: {  	_ = 	snop  }
0x4: {  	_ = 	snop  }
0x5: {  	_ = 	snop  }
0x6: {  	_ = 	snop  }
0x7: {  	_ = 	snop  }
__scs_overlays_trampoline_lowered:
0x8: {  	[smem:$0x3F9F] =	sst s0  }
0x9: {  	[smem:$0x3FA0] =	sst s1  }
0xa: {  	[smem:$0x3FA1] =	sst s2  }
0xb: {  	[smem:$0x3FA2] =	sst s3  }
0xc: {  	[smem:$0x3FA3] =	sst s4  }
0xd: {  	[smem:$0x3FA4] =	sst s5  }
0xe: {  	[smem:$0x3FA5] =	sst s6  }
0xf: {  	[smem:$0x3FA6] =	sst s7  }
0x10: {  	[smem:$0x3FA7] =	sst s8  }
0x11: {  	[smem:$0x3FA8] =	sst s9;
	s0 =	simm.s32 @!p0 $0x0  }
0x12: {  	s1 =	sld [smem:$0x3F8E];
	s0 =	simm.s32 @p0 $0x1  }
0x13: {  	[smem:$0x3FA9] =	sst s0;
	s0 =	simm.s32 @!p1 $0x0  }
0x14: {  	s2 =	sld [smem:$0x3F8D];
	s0 =	simm.s32 @p1 $0x1  }
0x15: {  	[smem:$0x3FAA] =	sst s0;
	s0 =	simm.s32 @!p2 $0x0  }
0x16: {  	s3 =	sld [smem:$0x3FDB];
	s0 =	simm.s32 @p2 $0x1  }
0x17: {  	s4 =	simm.s32 $0x1BF5;
	[smem:$0x3FAC] =	sst s0  }
0x18: {  	s0 =	sld [smem:$0x3F8F];
	_ =	swait.ge [sflag:s4], $0x0  }
0x19: {  	s7 =	sld [smem:$0x3F90]  }
0x1a: {  	s8 =	sadd.s32 $0xFFFFE003, lr  }
0x1b: {  	s9 =	sadd.s32 $0xFFFFFEF7, lr;
	s5 =	simm.s32 $0xFFFFFFFF;
	p2 =	slt.u32 s8, $0xFFFFF086  }
0x1c: {  	p1 =	slt.u32 s9, $0xF7A;
	s5 =	simm.s32 @!p2 $0x0  }
0x1d: {  	s5 =	simm.s32 @p1 $0x1;
	p0 =	seq.s32 s7, s2  }
0x1e: {  	s7 =	smul.u32 @!p0 $0xF7A, s2;
	p2 =	seq.s32 @!p0 s5, $0x0  }
0x1f: {  	s9 =	smul.u32 $0xF7A, s1;
	s8 =	simm.s32 @!p0 $0x1BF5;
	p2 =	por !p2, p0  }
0x20: {  	[sflag:s8] =	ssyncset.s32 @!p0 $0xFFFFF086;
	s6 =	sadd.s32 @!p0 s3, s7;
	s7 =	simm.s32 @!p0 $0x108  }
0x21: {  	s3 =	sadd.s32 s3, s9;
	s6 =	sadd.s32 @!p0 $0x88, s6;
	s7 =	simm.s32 @p2 $0x1082  }
0x22: {  	[simem:s7], [sflag:s8] =	dma.local @!p0 [hbm:s6], $0xF7A  }
0x23: {  	s9 =	sor.u32 $0xD0000000, s2;
	s6 =	simm.s32 $0x108;
	_ =	swait.ge @!p0 [sflag:s8], $0x0  }
0x24: {  	s3 =	sadd.s32 $0x88, s3;
	s6 =	simm.s32 @!p1 $0x1082;
	[sflag:s4] =	ssyncset.s32 $0xFFFFF086  }
0x25: {  	[simem:s6], [sflag:s4] =	dma.local [hbm:s3], $0xF7A  }
0x26: {  	[smem:$0x3F90] =	sst s1;
	(tag) =	ssettag s2;
	_ =	strace s9  }
0x27: {  	s1 =	sld [smem:$0x3FA0]  }
0x28: {  	s2 =	sld [smem:$0x3FA1]  }
0x29: {  	s4 =	sld [smem:$0x3FA3]  }
0x2a: {  	p0 =	seq.s32 s5, $0x0;
	s5 =	sld [smem:$0x3FA4]  }
0x2b: {  	s6 =	sld [smem:$0x3FA5]  }
0x2c: {  	s7 =	sld [smem:$0x3FA6]  }
0x2d: {  	s3 =	simm.s32 $0x108;
	s8 =	sld [smem:$0x3FA7]  }
0x2e: {  	s3 =	simm.s32 @!p0 $0x1082;
	s9 =	sld [smem:$0x3FA8]  }
0x2f: {  	lr =	sadd.s32 s0, s3;
	s0 =	sld [smem:$0x3F9F]  }
0x30: {  	s3 =	sld [smem:$0x3FA2]  }
0x31: {  	[smem:$0x3FAB] =	sst s10  }
0x32: {  	s10 =	sld [smem:$0x3FA9];
	_ =	sdelay $0x3  }
0x33: {  	p0 =	seq.s32 s10, $0x1;
	s10 =	sld [smem:$0x3FAB];
	_ =	sdelay $0x3  }
0x34: {  	[smem:$0x3FAB] =	sst s10  }
0x35: {  	s10 =	sld [smem:$0x3FAA];
	_ =	sdelay $0x3  }
0x36: {  	p1 =	seq.s32 s10, $0x1;
	s10 =	sld [smem:$0x3FAB];
	_ =	sdelay $0x3  }
0x37: {  	[smem:$0x3FAB] =	sst s10  }
0x38: {  	s10 =	sld [smem:$0x3FAC]  }
0x39: {  	_ = 	snop;
	(pc) =	sbr.ind lr, $3  }
0x3a: {  	_ = 	snop  }
0x3b: {  	_ = 	snop  }
0x3c: {  	p2 =	seq.s32 s10, $0x1;
	s10 =	sld [smem:$0x3FAB]  }
0x3d: {  	_ =	shalt  }
0x3e: {  	_ =	shalt  }
0x3f: {  	_ =	shalt  }
0x40: {  	_ =	shalt  }
0x41: {  	_ =	shalt  }
0x42: {  	_ =	shalt  }
0x43: {  	_ =	shalt  }
0x44: {  	_ =	shalt  }
0x45: {  	_ =	shalt  }
0x46: {  	_ =	shalt  }
0x47: {  	_ =	shalt  }
0x48: {  	_ =	shalt  }
0x49: {  	_ =	shalt  }
0x4a: {  	_ =	shalt  }
0x4b: {  	_ =	shalt  }
0x4c: {  	_ =	shalt  }
0x4d: {  	_ =	shalt  }
0x4e: {  	_ =	shalt  }
0x4f: {  	_ =	shalt  }
0x50: {  	_ =	shalt  }
0x51: {  	_ =	shalt  }
0x52: {  	_ =	shalt  }
0x53: {  	_ =	shalt  }
0x54: {  	_ =	shalt  }
0x55: {  	_ =	shalt  }
0x56: {  	_ =	shalt  }
0x57: {  	_ =	shalt  }
0x58: {  	_ =	shalt  }
0x59: {  	_ =	shalt  }
0x5a: {  	_ =	shalt  }
0x5b: {  	_ =	shalt  }
0x5c: {  	_ =	shalt  }
0x5d: {  	_ =	shalt  }
0x5e: {  	_ =	shalt  }
0x5f: {  	_ =	shalt  }
0x60: {  	_ =	shalt  }
0x61: {  	_ =	shalt  }
0x62: {  	_ =	shalt  }
0x63: {  	_ =	shalt  }
0x64: {  	_ =	shalt  }
0x65: {  	_ =	shalt  }
0x66: {  	_ =	shalt  }
0x67: {  	_ =	shalt  }
0x68: {  	_ =	shalt  }
0x69: {  	_ =	shalt  }
0x6a: {  	_ =	shalt  }
0x6b: {  	_ =	shalt  }
0x6c: {  	_ =	shalt  }
0x6d: {  	_ =	shalt  }
0x6e: {  	_ =	shalt  }
0x6f: {  	_ =	shalt  }
0x70: {  	_ =	shalt  }
0x71: {  	_ =	shalt  }
0x72: {  	_ =	shalt  }
0x73: {  	_ =	shalt  }
0x74: {  	_ =	shalt  }
0x75: {  	_ =	shalt  }
0x76: {  	_ =	shalt  }
0x77: {  	_ =	shalt  }
0x78: {  	_ =	shalt  }
0x79: {  	_ =	shalt  }
0x7a: {  	_ =	shalt  }
0x7b: {  	_ =	shalt  }
0x7c: {  	_ =	shalt  }
0x7d: {  	_ =	shalt  }
0x7e: {  	_ =	shalt  }
0x7f: {  	_ =	shalt  }
0x80: {  	_ =	shalt  }
0x81: {  	_ =	shalt  }
0x82: {  	_ =	shalt  }
0x83: {  	_ =	shalt  }
0x84: {  	_ =	shalt  }
0x85: {  	_ =	shalt  }
0x86: {  	_ =	shalt  }
0x87: {  	_ =	shalt  }
.Lfunc_end0:
.L_simem_size_0:
called_computation.2_lowered:
.L_overlay_start_0:
0x88: {  	s2 =	sld [smem:$0x3FD9]  }
0x89: {  	s3 =	sld [smem:$0x3FFE];
	_ =	sdelay $0x1  }
0x8a: {  	s1 =	srdreg.scid  }
0x8b: {  	s0 =	sand.u32 $0x1, s1  }
0x8c: {  	s16 =	sshll.u32 s0, $0xA;
	s2 =	sadd.s32 s3, s2  }
0x8d: {  	s2 =	sadd.s32 s2, s16  }
0x8e: {  	[smem:$0x3FB7] =	sst s2  }
0x8f: {  	_ = 	snop  }
0x90: {  	(tm) =	ssettm $0x1  }
0x91: {  	s17 =	sld [smem:$0x3FFB];
	_ =	sdelay $0x3  }
0x92: {  	_ =	strace s17  }
0x93: {  	s2 =	sld [smem:$0x3FFC];
	_ =	sdelay $0x3  }
0x94: {  	_ =	strace s2  }
0x95: {  	s2 =	sld [smem:$0x3FFD];
	_ =	sdelay $0x3  }
0x96: {  	_ =	strace s2  }
0x97: {  	_ =	strace $0x8FFFFFFF  }
0x98: {  	s18 =	sld [smem:$0x3FDB];
	_ =	sdelay $0x1  }
0x99: {  	s19 =	simm.s32 $_scs_section_size  }
0x9a: {  	s4 =	simm.s32 $_size__tile_overlayer_lowered;
	s5 =	simm.s32 $_tile_overlayer_lowered  }
0x9b: {  	s22 =	simm.s32 $0x1BFF;
	s21 =	sshll.u32 s5, $0x1;
	s2 =	sadd.s32 s19, s18  }
0x9c: {  	s6 =	simm.s32 $0x0;
	s20 =	sshll.u32 s4, $0x1;
	s4 =	sadd.s32 s21, s2  }
0x9d: {  	[timem:s6], [sflag:s22] =	dma.local [hbm:s4], s20  }
0x9e: {  	_ =	swait.ge [sflag:s22], s20  }
0x9f: {  	s3 =	ssub.s32 $0x0, s20;
	[sflag:s22] =	ssyncset.done $0x0  }
0xa0: {  	[sflag:s22] =	ssyncadd.s32 s3;
	_ =	sdelay $0x1  }
0xa1: {  	s23 =	simm.s32 $0x1B8B  }
0xa2: {  	_ =	swait.ge [sflag:s23], $0x1  }
0xa3: {  	[sflag:s23] =	ssyncset.done $0x0  }
0xa4: {  	s25 =	simm.s32 $0x1B8E;
	s24 =	sld [smem:$0x3FFE];
	[sflag:s23] =	ssyncadd.s32 $0xFFFFFFFF  }
0xa5: {  	s26 =	simm.s32 $execute0_lowered;
	[smem:$0x3FD2] =	sst s25  }
0xa6: {  	s4 =	sshll.u32 s26, $0x1;
	_ =	strace $0x8000004C;
	[dreg:$0x1] =	wrdreg $0xFFFFFFFF  }
0xa7: {  	s28 =	simm.s32 $_size_execute0_lowered;
	s2 =	sadd.s32 s2, s4;
	[dreg:$0x0] =	wrdreg $0x0  }
0xa8: {  	s4 =	sshll.u32 s28, $0x1;
	[dreg:$0x2] =	wrdreg s2  }
0xa9: {  	[dreg:$0x3] =	wrdreg s4  }
0xaa: {  	[dreg:$0x4] =	wrdreg $0xC0  }
0xab: {  	_ =	task [dreg:s6], $0x5FFFF  }
0xac: {  	[dreg:$0x1] =	wrdreg $0xFFFFFFFF  }
0xad: {  	[dreg:$0x0] =	wrdreg $0x60  }
0xae: {  	[dreg:$0x2] =	wrdreg s24  }
0xaf: {  	[dreg:$0x3] =	wrdreg $0xD0000  }
0xb0: {  	[dreg:$0x4] =	wrdreg $0x9  }
0xb1: {  	_ =	task.clear_ibuf [dreg:s6], $0x5FFFF;
	_ =	strace $0x9000004C  }
0xb2: {  	s29 =	simm.s32 $0x9;
	_ =	strace $0x8000004E  }
0xb3: {  	_ =	swait.ge [sflag:s29], $0x1  }
0xb4: {  	[sflag:s29] =	ssyncadd.s32 $0xFFFFFFFF  }
0xb5: {  	_ =	strace $0x9000004E  }
0xb6: {  	_ =	sfence  }
0xb7: {  	s30 =	sld [smem:$0x0];
	_ =	sdelay $0x2  }
0xb8: {  	s31 =	sshll.u32 s1, $0xD;
	s1 =	sshrl.u32 s1, $0x2  }
0xb9: {  	s3 =	sand.u32 $0x4000, s31;
	s1 =	sadd.s32 s1, s30  }
0xba: {  	s0 =	sor.u32 s3, s0;
	s1 =	sshll.u32 s1, $0x11  }
0xbb: {  	s0 =	sor.u32 s1, s0  }
0xbc: {  	s0 =	sadd.s32 $0x8F2B, s0  }
0xbd: {  	[sflag:s0] =	ssyncadd.remote.s32 $0x1  }
0xbe: {  	_ =	sfence.sel $0xFFFF  }
0xbf: {  	[dreg:$0x0] =	wrdreg $0xFFFFFFFF;
	(pc) =	sbr.abs _section_cstart, $3  }
0xc0: {  	[dreg:$0x1] =	wrdreg $0xFFFFFFFF  }
0xc1: {  	_ =	task.clear_ibuf [dreg:s6], $0x2FFFF;
	_ =	strace $0x9FFFFFFF  }
0xc2: {  	(tm) =	ssettm $0x7FFFFFFF  }
0xc3: {  	_ =	shalt  }
tec
execute0_lowered:
.L_overlay_start_1:
0x0: {  	(tag) =	ssettag $0x1  }
0x1: {  	s0 =	srdreg.scid  }
0x2: {  	s10 =	stileid.u32;
	s6 =	rddreg [dreg:$0x0]  }
0x3: {  	s2 =	rddreg [dreg:$0x1];
	s3 =	simm.s32 $0x0;
	s12 =	simm.s32 $0x6  }
0x4: {  	s14 =	simm.s32 $0x80;
	s15 =	simm.s32 $0x5000;
	s16 =	simm.s32 $0x7000  }
0x5: {  	s17 =	simm.s32 $0x100;
	s18 =	simm.s32 $0x9000;
	s19 =	simm.s32 $0x180  }
0x6: {  	s20 =	simm.s32 $0xB000;
	s21 =	simm.s32 $0x1;
	s22 =	simm.s32 $0x2  }
0x7: {  	s23 =	simm.s32 $0x3;
	s24 =	simm.s32 $0x4;
	s28 =	simm.s32 $0x4E80  }
0x8: {  	s29 =	simm.s32 $0x4F00;
	s30 =	simm.s32 $0x4F80;
	s31 =	simm.s32 $0x0  }
0x9: {  	s0 =	sand.u32 $0x1, s0;
	s1 =	sshll.u32 s10, $0x1;
	s7 =	smul.u32 $0xA000, s10  }
0xa: {  	[smem:$0x7FF] =	sst s3;
	s4 =	sadd.s32 $0x18C00, s6;
	s26 =	sshll.u32 s10, $0x6  }
0xb: {  	s1 =	sor.u32 s0, s1;
	s5 =	smul.u32 $0xA0000, s0;
	s0 =	ssub.s32 $0x2, s0  }
0xc: {  	_ =	strace $0x8000004D;
	s1 =	smul.u32 $0x500, s1;
	s25 =	sshrl.u32 s0, $0x1  }
0xd: {  	s11 =	sadd.s32 s7, s2;
	s8 =	sadd.s32 s7, s5;
	s5 =	sadd.s32 $0x2C600, s6  }
0xe: {  	s0 =	ssub.s32 s0, s25;
	s11 =	sshrl.u32 s11, $0x3;
	s25 =	simm.s32 $0x5  }
0xf: {  	s1 =	sadd.s32 s1, s6;
	s8 =	sshrl.u32 s8, $0x3;
	s10 =	smax.u32 s0, $0x1  }
0x10: {  	s9 =	sadd.s32 s8, s6;
	s6 =	sor.u32 $0x1C06, s26;
	s7 =	sadd.s32 $0xEC00, s1  }
0x11: {  	s8 =	sadd.s32 $0x4C00, s1;
	s26 =	simm.s32 $0x4E00;
	s9 =	sadd.s32 $0x2DA00, s9  }
.LBB2_1:
0x12: {  	[spmem:s11], [sflag:s6] =	dma.local [hbm:s5], $0x1400  }
0x13: {  	_ =	swait.ge [sflag:s12], $0x1400  }
0x14: {  	[sflag:s12] =	ssyncset.done $0x0  }
0x15: {  	[sflag:s12] =	ssyncadd.s32 $0xFFFFEC00  }
0x16: {  	[tilespmem:s3], [sflag:$0x6] =	stream.linear.gather [hbm4b:s7+s3], $0x2800, $0x38;
	[tilespmem:$0x17000] =	vst v63  }
0x17: {  	_ =	swait.ge [sflag:s12], $0x2800  }
0x18: {  	[sflag:s12] =	ssyncset.done $0x0  }
0x19: {  	s0 =	simm.s32 $0x2800;
	[sflag:s12] =	ssyncadd.s32 $0xFFFFD800  }
0x1a: {  	[tilespmem:s0], [sflag:$0x6] =	stream.linear.gather [hbm4b:s8+s3], $0x2800, $0x38;
	[tilespmem:$0x17000] =	vst v63  }
0x1b: {  	_ =	swait.ge [sflag:s12], $0x2800  }
0x1c: {  	[sflag:s12] =	ssyncset.done $0x0  }
0x1d: {  	[sflag:s12] =	ssyncadd.s32 $0xFFFFD800  }
0x1e: {  	[bflag:$0x0] =	sbarrier.arrive $0xFFFF  }
0x1f: {  	[tilespmem:s15], [sflag:$0x1] =	stream.indirect.gather [hbm4b:s4+s14], $0x40, s3, s14, $0xb8;
	[tilespmem:$0x17000] =	vst v63  }
0x20: {  	_ = 	snop  }
0x21: {  	[tilespmem:s16], [sflag:$0x2] =	stream.indirect.gather [hbm4b:s4+s14], $0x40, s14, s14, $0xb8;
	[tilespmem:$0x17000] =	vst v63  }
0x22: {  	_ = 	snop  }
0x23: {  	[tilespmem:s18], [sflag:$0x3] =	stream.indirect.gather [hbm4b:s4+s14], $0x40, s17, s14, $0xb8;
	[tilespmem:$0x17000] =	vst v63  }
0x24: {  	_ = 	snop  }
0x25: {  	[tilespmem:s20], [sflag:$0x4] =	stream.indirect.gather [hbm4b:s4+s14], $0x40, s19, s14, $0xb8;
	[tilespmem:$0x17000] =	vst v63  }
0x26: {  	_ =	swait.ge [sflag:s21], $0x2000  }
0x27: {  	[sflag:s21] =	ssyncset.done $0x0  }
0x28: {  	[sflag:s21] =	ssyncadd.s32 $0xFFFFE000  }
0x29: {  	_ =	swait.ge [sflag:s22], $0x2000  }
0x2a: {  	[sflag:s22] =	ssyncset.done $0x0  }
0x2b: {  	s13 =	simm.s32 $0x2800;
	[sflag:s22] =	ssyncadd.s32 $0xFFFFE000  }
0x2c: {  	[spmem:s2] =	stream.indirect.scatter.add.f32 [tilespmem:s15], [sflag:$0x5], $0x40, s13, s14, $0xb8;
	[tilespmem:$0x17000] =	vst v63  }
0x2d: {  	s1 =	simm.s32 $0x2880  }
0x2e: {  	[spmem:s2] =	stream.indirect.scatter.add.f32 [tilespmem:s16], [sflag:$0x5], $0x40, s1, s14, $0xb8;
	[tilespmem:$0x17000] =	vst v63  }
0x2f: {  	_ =	swait.ge [sflag:s23], $0x2000  }
0x30: {  	[sflag:s23] =	ssyncset.done $0x0  }
0x31: {  	[sflag:s23] =	ssyncadd.s32 $0xFFFFE000  }
0x32: {  	_ =	swait.ge [sflag:s24], $0x2000  }
0x33: {  	[sflag:s24] =	ssyncset.done $0x0  }
0x34: {  	[sflag:s24] =	ssyncadd.s32 $0xFFFFE000  }
0x35: {  	_ =	swait.ge [sflag:s25], $0x2000  }
0x36: {  	[sflag:s25] =	ssyncset.done $0x0  }
0x37: {  	[sflag:s25] =	ssyncadd.s32 $0xFFFFE000  }
0x38: {  	_ =	swait.ge [sflag:s25], $0x2000  }
0x39: {  	[sflag:s25] =	ssyncset.done $0x0  }
0x3a: {  	s13 =	simm.s32 $0x2900;
	[sflag:s25] =	ssyncadd.s32 $0xFFFFE000  }
0x3b: {  	[spmem:s2] =	stream.indirect.scatter.add.f32 [tilespmem:s18], [sflag:$0x5], $0x40, s13, s14, $0xb8;
	[tilespmem:$0x17000] =	vst v63  }
0x3c: {  	s1 =	simm.s32 $0x2980  }
0x3d: {  	[spmem:s2] =	stream.indirect.scatter.add.f32 [tilespmem:s20], [sflag:$0x5], $0x40, s1, s14, $0xb8;
	[tilespmem:$0x17000] =	vst v63  }
0x3e: {  	s13 =	simm.s32 $0x200  }
0x3f: {  	[tilespmem:s15], [sflag:$0x1] =	stream.indirect.gather [hbm4b:s4+s14], $0x40, s13, s14, $0xb8;
	[tilespmem:$0x17000] =	vst v63  }
0x40: {  	s1 =	simm.s32 $0x280  }
0x41: {  	[tilespmem:s16], [sflag:$0x2] =	stream.indirect.gather [hbm4b:s4+s14], $0x40, s1, s14, $0xb8;
	[tilespmem:$0x17000] =	vst v63  }
0x42: {  	_ =	swait.ge [sflag:s25], $0x2000  }
0x43: {  	[sflag:s25] =	ssyncset.done $0x0  }
0x44: {  	[sflag:s25] =	ssyncadd.s32 $0xFFFFE000  }
0x45: {  	_ =	swait.ge [sflag:s25], $0x2000  }
0x46: {  	s0 =	simm.s32 $0x380;
	[sflag:s25] =	ssyncset.done $0x0  }
0x47: {  	s13 =	simm.s32 $0x300;
	s1 =	simm.s32 $0x800;
	[sflag:s25] =	ssyncadd.s32 $0xFFFFE000  }
0x48: {  	[tilespmem:s18], [sflag:$0x3] =	stream.indirect.gather [hbm4b:s4+s14], $0x40, s13, s14, $0xb8;
	[tilespmem:$0x17000] =	vst v63  }
.LBB2_2:
0x49: {  	[tilespmem:s20], [sflag:$0x4] =	stream.indirect.gather [hbm4b:s4+s14], $0x40, s0, s14, $0xb8;
	[tilespmem:$0x17000] =	vst v63  }
0x4a: {  	s0 =	smov.u32 s1  }
0x4b: {  	p0 =	sne.s32 s1, $0x9000;
	s1 =	sadd.s32 $0x800, s1;
	_ =	swait.ge [sflag:s21], $0x2000  }
0x4c: {  	[sflag:s21] =	ssyncset.done $0x0  }
0x4d: {  	[sflag:s21] =	ssyncadd.s32 $0xFFFFE000  }
0x4e: {  	_ =	swait.ge [sflag:s22], $0x2000  }
0x4f: {  	s0 =	sshra.s32 s0, $0x2;
	[sflag:s22] =	ssyncset.done $0x0  }
0x50: {  	s13 =	sadd.s32 $0x2800, s0;
	[sflag:s22] =	ssyncadd.s32 $0xFFFFE000  }
0x51: {  	[spmem:s2] =	stream.indirect.scatter.add.f32 [tilespmem:s15], [sflag:$0x5], $0x40, s13, s14, $0xb8;
	[tilespmem:$0x17000] =	vst v63  }
0x52: {  	s13 =	sadd.s32 $0x2880, s0  }
0x53: {  	[spmem:s2] =	stream.indirect.scatter.add.f32 [tilespmem:s16], [sflag:$0x5], $0x40, s13, s14, $0xb8;
	[tilespmem:$0x17000] =	vst v63  }
0x54: {  	_ =	swait.ge [sflag:s23], $0x2000  }
0x55: {  	[sflag:s23] =	ssyncset.done $0x0  }
0x56: {  	[sflag:s23] =	ssyncadd.s32 $0xFFFFE000  }
0x57: {  	_ =	swait.ge [sflag:s24], $0x2000  }
0x58: {  	[sflag:s24] =	ssyncset.done $0x0  }
0x59: {  	[sflag:s24] =	ssyncadd.s32 $0xFFFFE000  }
0x5a: {  	_ =	swait.ge [sflag:s25], $0x2000  }
0x5b: {  	[sflag:s25] =	ssyncset.done $0x0  }
0x5c: {  	[sflag:s25] =	ssyncadd.s32 $0xFFFFE000  }
0x5d: {  	_ =	swait.ge [sflag:s25], $0x2000  }
0x5e: {  	[sflag:s25] =	ssyncset.done $0x0  }
0x5f: {  	s13 =	sadd.s32 $0x2900, s0;
	[sflag:s25] =	ssyncadd.s32 $0xFFFFE000  }
0x60: {  	[spmem:s2] =	stream.indirect.scatter.add.f32 [tilespmem:s18], [sflag:$0x5], $0x40, s13, s14, $0xb8;
	[tilespmem:$0x17000] =	vst v63  }
0x61: {  	s13 =	sadd.s32 $0x2980, s0  }
0x62: {  	[spmem:s2] =	stream.indirect.scatter.add.f32 [tilespmem:s20], [sflag:$0x5], $0x40, s13, s14, $0xb8;
	[tilespmem:$0x17000] =	vst v63  }
0x63: {  	s13 =	sadd.s32 $0x200, s0  }
0x64: {  	[tilespmem:s15], [sflag:$0x1] =	stream.indirect.gather [hbm4b:s4+s14], $0x40, s13, s14, $0xb8;
	[tilespmem:$0x17000] =	vst v63  }
0x65: {  	s13 =	sadd.s32 $0x280, s0  }
0x66: {  	[tilespmem:s16], [sflag:$0x2] =	stream.indirect.gather [hbm4b:s4+s14], $0x40, s13, s14, $0xb8;
	[tilespmem:$0x17000] =	vst v63  }
0x67: {  	_ =	swait.ge [sflag:s25], $0x2000  }
0x68: {  	[sflag:s25] =	ssyncset.done $0x0  }
0x69: {  	[sflag:s25] =	ssyncadd.s32 $0xFFFFE000  }
.Ltmp0:
0x6a: {  	_ =	swait.ge [sflag:s25], $0x2000;
	(pc) =	sbr.rel @p0 .LBB2_2-.Ltmp0, $4  }
0x6b: {  	[sflag:s25] =	ssyncset.done $0x0  }
0x6c: {  	s13 =	sadd.s32 $0x300, s0;
	[sflag:s25] =	ssyncadd.s32 $0xFFFFE000  }
0x6d: {  	[tilespmem:s18], [sflag:$0x3] =	stream.indirect.gather [hbm4b:s4+s14], $0x40, s13, s14, $0xb8;
	[tilespmem:$0x17000] =	vst v63  }
0x6e: {  	s0 =	sadd.s32 $0x380, s0  }
0x6f: {  	[tilespmem:s20], [sflag:$0x4] =	stream.indirect.gather [hbm4b:s4+s14], $0x40, s0, s14, $0xb8;
	[tilespmem:$0x17000] =	vst v63  }
0x70: {  	_ =	swait.ge [sflag:s21], $0x2000  }
0x71: {  	[sflag:s21] =	ssyncset.done $0x0  }
0x72: {  	[sflag:s21] =	ssyncadd.s32 $0xFFFFE000  }
0x73: {  	_ =	swait.ge [sflag:s22], $0x2000  }
0x74: {  	[sflag:s22] =	ssyncset.done $0x0  }
0x75: {  	[sflag:s22] =	ssyncadd.s32 $0xFFFFE000  }
0x76: {  	[spmem:s2] =	stream.indirect.scatter.add.f32 [tilespmem:s15], [sflag:$0x5], $0x40, s26, s14, $0xb8;
	[tilespmem:$0x17000] =	vst v63  }
0x77: {  	_ = 	snop  }
0x78: {  	[spmem:s2] =	stream.indirect.scatter.add.f32 [tilespmem:s16], [sflag:$0x5], $0x40, s28, s14, $0xb8;
	[tilespmem:$0x17000] =	vst v63  }
0x79: {  	_ =	swait.ge [sflag:s23], $0x2000  }
0x7a: {  	[sflag:s23] =	ssyncset.done $0x0  }
0x7b: {  	[sflag:s23] =	ssyncadd.s32 $0xFFFFE000  }
0x7c: {  	_ =	swait.ge [sflag:s24], $0x2000  }
0x7d: {  	[sflag:s24] =	ssyncset.done $0x0  }
0x7e: {  	[sflag:s24] =	ssyncadd.s32 $0xFFFFE000  }
0x7f: {  	_ =	swait.ge [sflag:s25], $0x2000  }
0x80: {  	[sflag:s25] =	ssyncset.done $0x0  }
0x81: {  	[sflag:s25] =	ssyncadd.s32 $0xFFFFE000  }
0x82: {  	_ =	swait.ge [sflag:s25], $0x2000  }
0x83: {  	[sflag:s25] =	ssyncset.done $0x0  }
0x84: {  	[sflag:s25] =	ssyncadd.s32 $0xFFFFE000  }
0x85: {  	[spmem:s2] =	stream.indirect.scatter.add.f32 [tilespmem:s18], [sflag:$0x5], $0x40, s29, s14, $0xb8;
	[tilespmem:$0x17000] =	vst v63  }
0x86: {  	_ = 	snop  }
0x87: {  	[spmem:s2] =	stream.indirect.scatter.add.f32 [tilespmem:s20], [sflag:$0x5], $0x40, s30, s14, $0xb8;
	[tilespmem:$0x17000] =	vst v63  }
0x88: {  	_ =	swait.ge [sflag:s25], $0x2000  }
0x89: {  	[sflag:s25] =	ssyncset.done $0x0  }
0x8a: {  	[sflag:s25] =	ssyncadd.s32 $0xFFFFE000  }
0x8b: {  	_ =	swait.ge [sflag:s25], $0x2000  }
0x8c: {  	s31 =	sadd.s32 $0x1, s31;
	[sflag:s25] =	ssyncset.done $0x0  }
0x8d: {  	p0 =	sne.s32 s31, s10;
	[sflag:s25] =	ssyncadd.s32 $0xFFFFE000  }
.Ltmp1:
0x8e: {  	[bflag:$0x0] =	sbarrier.arrive $0xFFFF;
	(pc) =	sbr.rel @p0 .LBB2_1-.Ltmp1, $4  }
0x8f: {  	[hbm:s9], [sflag:s6] =	dma.local [spmem:s11], $0x1400  }
0x90: {  	_ =	swait.ge [sflag:s12], $0x1400  }
0x91: {  	[sflag:s12] =	ssyncset.done $0x0  }
0x92: {  	[sflag:s12] =	ssyncadd.s32 $0xFFFFEC00  }
0x93: {  	_ =	sfence.sel $0x180000  }
0x94: {  	[bflag:$0x0] =	sbarrier.arrive $0xFFFF  }
0x95: {  	_ =	strace $0x9000004D  }
0x96: {  	s0 =	stileid.u32;
	[bflag:$0x2] =	sbarrier.arrive $0xFFFF  }
0x97: {  	p0 =	sne.s32 s0, $0x0;
	s0 =	rddreg [dreg:$0x2]  }
0x98: {  	s0 =	sadd.s32 @!p0 $0x100000, s0  }
0x99: {  	[sflag:s0] =	ssyncadd.tile.s32 @!p0 $0x1;
	_ =	shalt  }
.Lfunc_end2:
_tile_overlayer_lowered:
.L_overlay_start_2:
0x9a: {  	(tag) =	ssettag $0x2  }
0x9b: {  	s0 =	rddreg [dreg:$0x0];
	s2 =	stileid.u32  }
0x9c: {  	s1 =	rddreg [dreg:$0x1];
	p0 =	sne.s32 s2, $0x0  }
0x9d: {  	s3 =	rddreg [dreg:$0x2];
	[bflag:$0x3] =	sbarrier.arrive $0xFFFF;
	s2 =	simm.s32 @!p0 $0x1C06  }
0x9e: {  	[timem:s3], [sflag:s2] =	dma.local @!p0 [hbm:s0], s1  }
0x9f: {  	s0 =	simm.s32 @!p0 $0x6  }
0xa0: {  	_ =	swait.ge @!p0 [sflag:s0], s1  }
0xa1: {  	s1 =	ssub.s32 @!p0 $0x0, s1;
	[sflag:s0] =	ssyncset.done @!p0 $0x0  }
0xa2: {  	[sflag:s0] =	ssyncadd.s32 @!p0 s1  }
0xa3: {  	[bflag:$0x3] =	sbarrier.arrive $0xFFFF  }
0xa4: {  	_ =	shalt  }

// kernel: kernel.19.cloned.1.call-start
scs
__scs_entry_jumppad:
0x0: {  	(pc) =	sbr.rel $0x88, $3  }
0x1: {  	(tag) =	ssettag $0x0;
	lr =	simm.s32 $0x1  }
0x2: {  	[smem:$0x3F90] =	sst lr;
	_ =	strace $0xD0000000  }
0x3: {  	_ = 	snop  }
0x4: {  	_ = 	snop  }
0x5: {  	_ = 	snop  }
0x6: {  	_ = 	snop  }
0x7: {  	_ = 	snop  }
__scs_overlays_trampoline_lowered:
0x8: {  	[smem:$0x3F9F] =	sst s0  }
0x9: {  	[smem:$0x3FA0] =	sst s1  }
0xa: {  	[smem:$0x3FA1] =	sst s2  }
0xb: {  	[smem:$0x3FA2] =	sst s3  }
0xc: {  	[smem:$0x3FA3] =	sst s4  }
0xd: {  	[smem:$0x3FA4] =	sst s5  }
0xe: {  	[smem:$0x3FA5] =	sst s6  }
0xf: {  	[smem:$0x3FA6] =	sst s7  }
0x10: {  	[smem:$0x3FA7] =	sst s8  }
0x11: {  	[smem:$0x3FA8] =	sst s9;
	s0 =	simm.s32 @!p0 $0x0  }
0x12: {  	s1 =	sld [smem:$0x3F8E];
	s0 =	simm.s32 @p0 $0x1  }
0x13: {  	[smem:$0x3FA9] =	sst s0;
	s0 =	simm.s32 @!p1 $0x0  }
0x14: {  	s2 =	sld [smem:$0x3F8D];
	s0 =	simm.s32 @p1 $0x1  }
0x15: {  	[smem:$0x3FAA] =	sst s0;
	s0 =	simm.s32 @!p2 $0x0  }
0x16: {  	s3 =	sld [smem:$0x3FDB];
	s0 =	simm.s32 @p2 $0x1  }
0x17: {  	s4 =	simm.s32 $0x1BF5;
	[smem:$0x3FAC] =	sst s0  }
0x18: {  	s0 =	sld [smem:$0x3F8F];
	_ =	swait.ge [sflag:s4], $0x0  }
0x19: {  	s7 =	sld [smem:$0x3F90]  }
0x1a: {  	s8 =	sadd.s32 $0xFFFFE003, lr  }
0x1b: {  	s9 =	sadd.s32 $0xFFFFFEF7, lr;
	s5 =	simm.s32 $0xFFFFFFFF;
	p2 =	slt.u32 s8, $0xFFFFF086  }
0x1c: {  	p1 =	slt.u32 s9, $0xF7A;
	s5 =	simm.s32 @!p2 $0x0  }
0x1d: {  	s5 =	simm.s32 @p1 $0x1;
	p0 =	seq.s32 s7, s2  }
0x1e: {  	s7 =	smul.u32 @!p0 $0xF7A, s2;
	p2 =	seq.s32 @!p0 s5, $0x0  }
0x1f: {  	s9 =	smul.u32 $0xF7A, s1;
	s8 =	simm.s32 @!p0 $0x1BF5;
	p2 =	por !p2, p0  }
0x20: {  	[sflag:s8] =	ssyncset.s32 @!p0 $0xFFFFF086;
	s6 =	sadd.s32 @!p0 s3, s7;
	s7 =	simm.s32 @!p0 $0x108  }
0x21: {  	s3 =	sadd.s32 s3, s9;
	s6 =	sadd.s32 @!p0 $0x88, s6;
	s7 =	simm.s32 @p2 $0x1082  }
0x22: {  	[simem:s7], [sflag:s8] =	dma.local @!p0 [hbm:s6], $0xF7A  }
0x23: {  	s9 =	sor.u32 $0xD0000000, s2;
	s6 =	simm.s32 $0x108;
	_ =	swait.ge @!p0 [sflag:s8], $0x0  }
0x24: {  	s3 =	sadd.s32 $0x88, s3;
	s6 =	simm.s32 @!p1 $0x1082;
	[sflag:s4] =	ssyncset.s32 $0xFFFFF086  }
0x25: {  	[simem:s6], [sflag:s4] =	dma.local [hbm:s3], $0xF7A  }
0x26: {  	[smem:$0x3F90] =	sst s1;
	(tag) =	ssettag s2;
	_ =	strace s9  }
0x27: {  	s1 =	sld [smem:$0x3FA0]  }
0x28: {  	s2 =	sld [smem:$0x3FA1]  }
0x29: {  	s4 =	sld [smem:$0x3FA3]  }
0x2a: {  	p0 =	seq.s32 s5, $0x0;
	s5 =	sld [smem:$0x3FA4]  }
0x2b: {  	s6 =	sld [smem:$0x3FA5]  }
0x2c: {  	s7 =	sld [smem:$0x3FA6]  }
0x2d: {  	s3 =	simm.s32 $0x108;
	s8 =	sld [smem:$0x3FA7]  }
0x2e: {  	s3 =	simm.s32 @!p0 $0x1082;
	s9 =	sld [smem:$0x3FA8]  }
0x2f: {  	lr =	sadd.s32 s0, s3;
	s0 =	sld [smem:$0x3F9F]  }
0x30: {  	s3 =	sld [smem:$0x3FA2]  }
0x31: {  	[smem:$0x3FAB] =	sst s10  }
0x32: {  	s10 =	sld [smem:$0x3FA9];
	_ =	sdelay $0x3  }
0x33: {  	p0 =	seq.s32 s10, $0x1;
	s10 =	sld [smem:$0x3FAB];
	_ =	sdelay $0x3  }
0x34: {  	[smem:$0x3FAB] =	sst s10  }
0x35: {  	s10 =	sld [smem:$0x3FAA];
	_ =	sdelay $0x3  }
0x36: {  	p1 =	seq.s32 s10, $0x1;
	s10 =	sld [smem:$0x3FAB];
	_ =	sdelay $0x3  }
0x37: {  	[smem:$0x3FAB] =	sst s10  }
0x38: {  	s10 =	sld [smem:$0x3FAC]  }
0x39: {  	_ = 	snop;
	(pc) =	sbr.ind lr, $3  }
0x3a: {  	_ = 	snop  }
0x3b: {  	_ = 	snop  }
0x3c: {  	p2 =	seq.s32 s10, $0x1;
	s10 =	sld [smem:$0x3FAB]  }
0x3d: {  	_ =	shalt  }
0x3e: {  	_ =	shalt  }
0x3f: {  	_ =	shalt  }
0x40: {  	_ =	shalt  }
0x41: {  	_ =	shalt  }
0x42: {  	_ =	shalt  }
0x43: {  	_ =	shalt  }
0x44: {  	_ =	shalt  }
0x45: {  	_ =	shalt  }
0x46: {  	_ =	shalt  }
0x47: {  	_ =	shalt  }
0x48: {  	_ =	shalt  }
0x49: {  	_ =	shalt  }
0x4a: {  	_ =	shalt  }
0x4b: {  	_ =	shalt  }
0x4c: {  	_ =	shalt  }
0x4d: {  	_ =	shalt  }
0x4e: {  	_ =	shalt  }
0x4f: {  	_ =	shalt  }
0x50: {  	_ =	shalt  }
0x51: {  	_ =	shalt  }
0x52: {  	_ =	shalt  }
0x53: {  	_ =	shalt  }
0x54: {  	_ =	shalt  }
0x55: {  	_ =	shalt  }
0x56: {  	_ =	shalt  }
0x57: {  	_ =	shalt  }
0x58: {  	_ =	shalt  }
0x59: {  	_ =	shalt  }
0x5a: {  	_ =	shalt  }
0x5b: {  	_ =	shalt  }
0x5c: {  	_ =	shalt  }
0x5d: {  	_ =	shalt  }
0x5e: {  	_ =	shalt  }
0x5f: {  	_ =	shalt  }
0x60: {  	_ =	shalt  }
0x61: {  	_ =	shalt  }
0x62: {  	_ =	shalt  }
0x63: {  	_ =	shalt  }
0x64: {  	_ =	shalt  }
0x65: {  	_ =	shalt  }
0x66: {  	_ =	shalt  }
0x67: {  	_ =	shalt  }
0x68: {  	_ =	shalt  }
0x69: {  	_ =	shalt  }
0x6a: {  	_ =	shalt  }
0x6b: {  	_ =	shalt  }
0x6c: {  	_ =	shalt  }
0x6d: {  	_ =	shalt  }
0x6e: {  	_ =	shalt  }
0x6f: {  	_ =	shalt  }
0x70: {  	_ =	shalt  }
0x71: {  	_ =	shalt  }
0x72: {  	_ =	shalt  }
0x73: {  	_ =	shalt  }
0x74: {  	_ =	shalt  }
0x75: {  	_ =	shalt  }
0x76: {  	_ =	shalt  }
0x77: {  	_ =	shalt  }
0x78: {  	_ =	shalt  }
0x79: {  	_ =	shalt  }
0x7a: {  	_ =	shalt  }
0x7b: {  	_ =	shalt  }
0x7c: {  	_ =	shalt  }
0x7d: {  	_ =	shalt  }
0x7e: {  	_ =	shalt  }
0x7f: {  	_ =	shalt  }
0x80: {  	_ =	shalt  }
0x81: {  	_ =	shalt  }
0x82: {  	_ =	shalt  }
0x83: {  	_ =	shalt  }
0x84: {  	_ =	shalt  }
0x85: {  	_ =	shalt  }
0x86: {  	_ =	shalt  }
0x87: {  	_ =	shalt  }
.Lfunc_end0:
.L_simem_size_0:
called_computation.3_lowered:
.L_overlay_start_0:
0x88: {  	s2 =	sld [smem:$0x3FD9]  }
0x89: {  	s3 =	sld [smem:$0x3FFE];
	_ =	sdelay $0x1  }
0x8a: {  	s1 =	srdreg.scid  }
0x8b: {  	s0 =	sand.u32 $0x1, s1  }
0x8c: {  	s16 =	sshll.u32 s0, $0xA;
	s2 =	sadd.s32 s3, s2  }
0x8d: {  	s2 =	sadd.s32 s2, s16  }
0x8e: {  	[smem:$0x3FB7] =	sst s2  }
0x8f: {  	_ = 	snop  }
0x90: {  	(tm) =	ssettm $0x1  }
0x91: {  	s17 =	sld [smem:$0x3FFB];
	_ =	sdelay $0x3  }
0x92: {  	_ =	strace s17  }
0x93: {  	s2 =	sld [smem:$0x3FFC];
	_ =	sdelay $0x3  }
0x94: {  	_ =	strace s2  }
0x95: {  	s2 =	sld [smem:$0x3FFD];
	_ =	sdelay $0x3  }
0x96: {  	_ =	strace s2  }
0x97: {  	_ =	strace $0x8FFFFFFF  }
0x98: {  	s18 =	sld [smem:$0x3FDB];
	_ =	sdelay $0x1  }
0x99: {  	s19 =	simm.s32 $_scs_section_size  }
0x9a: {  	s4 =	simm.s32 $_size__tile_overlayer_lowered;
	s5 =	simm.s32 $_tile_overlayer_lowered  }
0x9b: {  	s22 =	simm.s32 $0x1BFF;
	s21 =	sshll.u32 s5, $0x1;
	s2 =	sadd.s32 s19, s18  }
0x9c: {  	s6 =	simm.s32 $0x0;
	s20 =	sshll.u32 s4, $0x1;
	s4 =	sadd.s32 s21, s2  }
0x9d: {  	[timem:s6], [sflag:s22] =	dma.local [hbm:s4], s20  }
0x9e: {  	_ =	swait.ge [sflag:s22], s20  }
0x9f: {  	s3 =	ssub.s32 $0x0, s20;
	[sflag:s22] =	ssyncset.done $0x0  }
0xa0: {  	[sflag:s22] =	ssyncadd.s32 s3;
	_ =	sdelay $0x1  }
0xa1: {  	s23 =	simm.s32 $0x1B8B  }
0xa2: {  	_ =	swait.ge [sflag:s23], $0x1  }
0xa3: {  	[sflag:s23] =	ssyncset.done $0x0  }
0xa4: {  	s25 =	simm.s32 $0x1B8E;
	s24 =	sld [smem:$0x3FFE];
	[sflag:s23] =	ssyncadd.s32 $0xFFFFFFFF  }
0xa5: {  	s26 =	simm.s32 $execute0_lowered;
	[smem:$0x3FD2] =	sst s25  }
0xa6: {  	s4 =	sshll.u32 s26, $0x1;
	_ =	strace $0x8000004F;
	[dreg:$0x1] =	wrdreg $0xFFFFFFFF  }
0xa7: {  	s28 =	simm.s32 $_size_execute0_lowered;
	s2 =	sadd.s32 s2, s4;
	[dreg:$0x0] =	wrdreg $0x0  }
0xa8: {  	s4 =	sshll.u32 s28, $0x1;
	[dreg:$0x2] =	wrdreg s2  }
0xa9: {  	[dreg:$0x3] =	wrdreg s4  }
0xaa: {  	[dreg:$0x4] =	wrdreg $0xC0  }
0xab: {  	_ =	task [dreg:s6], $0x5FFFF  }
0xac: {  	[dreg:$0x1] =	wrdreg $0xFFFFFFFF  }
0xad: {  	[dreg:$0x0] =	wrdreg $0x60  }
0xae: {  	[dreg:$0x2] =	wrdreg s24  }
0xaf: {  	[dreg:$0x3] =	wrdreg $0xD0000  }
0xb0: {  	[dreg:$0x4] =	wrdreg $0x9  }
0xb1: {  	_ =	task.clear_ibuf [dreg:s6], $0x5FFFF;
	_ =	strace $0x9000004F  }
0xb2: {  	s29 =	simm.s32 $0x9;
	_ =	strace $0x80000051  }
0xb3: {  	_ =	swait.ge [sflag:s29], $0x1  }
0xb4: {  	[sflag:s29] =	ssyncadd.s32 $0xFFFFFFFF  }
0xb5: {  	_ =	strace $0x90000051  }
0xb6: {  	_ =	sfence  }
0xb7: {  	s30 =	sld [smem:$0x0];
	_ =	sdelay $0x2  }
0xb8: {  	s31 =	sshll.u32 s1, $0xD;
	s1 =	sshrl.u32 s1, $0x2  }
0xb9: {  	s3 =	sand.u32 $0x4000, s31;
	s1 =	sadd.s32 s1, s30  }
0xba: {  	s0 =	sor.u32 s3, s0;
	s1 =	sshll.u32 s1, $0x11  }
0xbb: {  	s0 =	sor.u32 s1, s0  }
0xbc: {  	s0 =	sadd.s32 $0x8F2B, s0  }
0xbd: {  	[sflag:s0] =	ssyncadd.remote.s32 $0x1  }
0xbe: {  	_ =	sfence.sel $0xFFFF  }
0xbf: {  	[dreg:$0x0] =	wrdreg $0xFFFFFFFF;
	(pc) =	sbr.abs _section_cstart, $3  }
0xc0: {  	[dreg:$0x1] =	wrdreg $0xFFFFFFFF  }
0xc1: {  	_ =	task.clear_ibuf [dreg:s6], $0x2FFFF;
	_ =	strace $0x9FFFFFFF  }
0xc2: {  	(tm) =	ssettm $0x7FFFFFFF  }
0xc3: {  	_ =	shalt  }
tec
execute0_lowered:
.L_overlay_start_1:
0x0: {  	(tag) =	ssettag $0x1  }
0x1: {  	s0 =	srdreg.scid  }
0x2: {  	s10 =	stileid.u32;
	s6 =	rddreg [dreg:$0x0]  }
0x3: {  	s2 =	rddreg [dreg:$0x1];
	s3 =	simm.s32 $0x0;
	s12 =	simm.s32 $0x6  }
0x4: {  	s14 =	simm.s32 $0x80;
	s15 =	simm.s32 $0x5000;
	s16 =	simm.s32 $0x7000  }
0x5: {  	s17 =	simm.s32 $0x100;
	s18 =	simm.s32 $0x9000;
	s19 =	simm.s32 $0x180  }
0x6: {  	s20 =	simm.s32 $0xB000;
	s21 =	simm.s32 $0x1;
	s22 =	simm.s32 $0x2  }
0x7: {  	s23 =	simm.s32 $0x3;
	s24 =	simm.s32 $0x4;
	s28 =	simm.s32 $0x4E80  }
0x8: {  	s29 =	simm.s32 $0x4F00;
	s30 =	simm.s32 $0x4F80;
	s31 =	simm.s32 $0x0  }
0x9: {  	s0 =	sand.u32 $0x1, s0;
	s1 =	sshll.u32 s10, $0x1;
	s7 =	smul.u32 $0xA000, s10  }
0xa: {  	[smem:$0x7FF] =	sst s3;
	s4 =	sadd.s32 $0x18C00, s6;
	s26 =	sshll.u32 s10, $0x6  }
0xb: {  	s1 =	sor.u32 s0, s1;
	s5 =	smul.u32 $0xA0000, s0;
	s0 =	ssub.s32 $0x2, s0  }
0xc: {  	_ =	strace $0x80000050;
	s1 =	smul.u32 $0x500, s1;
	s25 =	sshrl.u32 s0, $0x1  }
0xd: {  	s11 =	sadd.s32 s7, s2;
	s8 =	sadd.s32 s7, s5;
	s5 =	sadd.s32 $0x2C600, s6  }
0xe: {  	s0 =	ssub.s32 s0, s25;
	s11 =	sshrl.u32 s11, $0x3;
	s25 =	simm.s32 $0x5  }
0xf: {  	s1 =	sadd.s32 s1, s6;
	s8 =	sshrl.u32 s8, $0x3;
	s10 =	smax.u32 s0, $0x1  }
0x10: {  	s9 =	sadd.s32 s8, s6;
	s6 =	sor.u32 $0x1C06, s26;
	s7 =	sadd.s32 $0xEC00, s1  }
0x11: {  	s8 =	sadd.s32 $0x4C00, s1;
	s26 =	simm.s32 $0x4E00;
	s9 =	sadd.s32 $0x2DA00, s9  }
.LBB2_1:
0x12: {  	[spmem:s11], [sflag:s6] =	dma.local [hbm:s5], $0x1400  }
0x13: {  	_ =	swait.ge [sflag:s12], $0x1400  }
0x14: {  	[sflag:s12] =	ssyncset.done $0x0  }
0x15: {  	[sflag:s12] =	ssyncadd.s32 $0xFFFFEC00  }
0x16: {  	[tilespmem:s3], [sflag:$0x6] =	stream.linear.gather [hbm4b:s7+s3], $0x2800, $0x38;
	[tilespmem:$0x17000] =	vst v63  }
0x17: {  	_ =	swait.ge [sflag:s12], $0x2800  }
0x18: {  	[sflag:s12] =	ssyncset.done $0x0  }
0x19: {  	s0 =	simm.s32 $0x2800;
	[sflag:s12] =	ssyncadd.s32 $0xFFFFD800  }
0x1a: {  	[tilespmem:s0], [sflag:$0x6] =	stream.linear.gather [hbm4b:s8+s3], $0x2800, $0x38;
	[tilespmem:$0x17000] =	vst v63  }
0x1b: {  	_ =	swait.ge [sflag:s12], $0x2800  }
0x1c: {  	[sflag:s12] =	ssyncset.done $0x0  }
0x1d: {  	[sflag:s12] =	ssyncadd.s32 $0xFFFFD800  }
0x1e: {  	[bflag:$0x0] =	sbarrier.arrive $0xFFFF  }
0x1f: {  	[tilespmem:s15], [sflag:$0x1] =	stream.indirect.gather [hbm4b:s4+s14], $0x40, s3, s14, $0xb8;
	[tilespmem:$0x17000] =	vst v63  }
0x20: {  	_ = 	snop  }
0x21: {  	[tilespmem:s16], [sflag:$0x2] =	stream.indirect.gather [hbm4b:s4+s14], $0x40, s14, s14, $0xb8;
	[tilespmem:$0x17000] =	vst v63  }
0x22: {  	_ = 	snop  }
0x23: {  	[tilespmem:s18], [sflag:$0x3] =	stream.indirect.gather [hbm4b:s4+s14], $0x40, s17, s14, $0xb8;
	[tilespmem:$0x17000] =	vst v63  }
0x24: {  	_ = 	snop  }
0x25: {  	[tilespmem:s20], [sflag:$0x4] =	stream.indirect.gather [hbm4b:s4+s14], $0x40, s19, s14, $0xb8;
	[tilespmem:$0x17000] =	vst v63  }
0x26: {  	_ =	swait.ge [sflag:s21], $0x2000  }
0x27: {  	[sflag:s21] =	ssyncset.done $0x0  }
0x28: {  	[sflag:s21] =	ssyncadd.s32 $0xFFFFE000  }
0x29: {  	_ =	swait.ge [sflag:s22], $0x2000  }
0x2a: {  	[sflag:s22] =	ssyncset.done $0x0  }
0x2b: {  	s13 =	simm.s32 $0x2800;
	[sflag:s22] =	ssyncadd.s32 $0xFFFFE000  }
0x2c: {  	[spmem:s2] =	stream.indirect.scatter.add.f32 [tilespmem:s15], [sflag:$0x5], $0x40, s13, s14, $0xb8;
	[tilespmem:$0x17000] =	vst v63  }
0x2d: {  	s1 =	simm.s32 $0x2880  }
0x2e: {  	[spmem:s2] =	stream.indirect.scatter.add.f32 [tilespmem:s16], [sflag:$0x5], $0x40, s1, s14, $0xb8;
	[tilespmem:$0x17000] =	vst v63  }
0x2f: {  	_ =	swait.ge [sflag:s23], $0x2000  }
0x30: {  	[sflag:s23] =	ssyncset.done $0x0  }
0x31: {  	[sflag:s23] =	ssyncadd.s32 $0xFFFFE000  }
0x32: {  	_ =	swait.ge [sflag:s24], $0x2000  }
0x33: {  	[sflag:s24] =	ssyncset.done $0x0  }
0x34: {  	[sflag:s24] =	ssyncadd.s32 $0xFFFFE000  }
0x35: {  	_ =	swait.ge [sflag:s25], $0x2000  }
0x36: {  	[sflag:s25] =	ssyncset.done $0x0  }
0x37: {  	[sflag:s25] =	ssyncadd.s32 $0xFFFFE000  }
0x38: {  	_ =	swait.ge [sflag:s25], $0x2000  }
0x39: {  	[sflag:s25] =	ssyncset.done $0x0  }
0x3a: {  	s13 =	simm.s32 $0x2900;
	[sflag:s25] =	ssyncadd.s32 $0xFFFFE000  }
0x3b: {  	[spmem:s2] =	stream.indirect.scatter.add.f32 [tilespmem:s18], [sflag:$0x5], $0x40, s13, s14, $0xb8;
	[tilespmem:$0x17000] =	vst v63  }
0x3c: {  	s1 =	simm.s32 $0x2980  }
0x3d: {  	[spmem:s2] =	stream.indirect.scatter.add.f32 [tilespmem:s20], [sflag:$0x5], $0x40, s1, s14, $0xb8;
	[tilespmem:$0x17000] =	vst v63  }
0x3e: {  	s13 =	simm.s32 $0x200  }
0x3f: {  	[tilespmem:s15], [sflag:$0x1] =	stream.indirect.gather [hbm4b:s4+s14], $0x40, s13, s14, $0xb8;
	[tilespmem:$0x17000] =	vst v63  }
0x40: {  	s1 =	simm.s32 $0x280  }
0x41: {  	[tilespmem:s16], [sflag:$0x2] =	stream.indirect.gather [hbm4b:s4+s14], $0x40, s1, s14, $0xb8;
	[tilespmem:$0x17000] =	vst v63  }
0x42: {  	_ =	swait.ge [sflag:s25], $0x2000  }
0x43: {  	[sflag:s25] =	ssyncset.done $0x0  }
0x44: {  	[sflag:s25] =	ssyncadd.s32 $0xFFFFE000  }
0x45: {  	_ =	swait.ge [sflag:s25], $0x2000  }
0x46: {  	s0 =	simm.s32 $0x380;
	[sflag:s25] =	ssyncset.done $0x0  }
0x47: {  	s13 =	simm.s32 $0x300;
	s1 =	simm.s32 $0x800;
	[sflag:s25] =	ssyncadd.s32 $0xFFFFE000  }
0x48: {  	[tilespmem:s18], [sflag:$0x3] =	stream.indirect.gather [hbm4b:s4+s14], $0x40, s13, s14, $0xb8;
	[tilespmem:$0x17000] =	vst v63  }
.LBB2_2:
0x49: {  	[tilespmem:s20], [sflag:$0x4] =	stream.indirect.gather [hbm4b:s4+s14], $0x40, s0, s14, $0xb8;
	[tilespmem:$0x17000] =	vst v63  }
0x4a: {  	s0 =	smov.u32 s1  }
0x4b: {  	p0 =	sne.s32 s1, $0x9000;
	s1 =	sadd.s32 $0x800, s1;
	_ =	swait.ge [sflag:s21], $0x2000  }
0x4c: {  	[sflag:s21] =	ssyncset.done $0x0  }
0x4d: {  	[sflag:s21] =	ssyncadd.s32 $0xFFFFE000  }
0x4e: {  	_ =	swait.ge [sflag:s22], $0x2000  }
0x4f: {  	s0 =	sshra.s32 s0, $0x2;
	[sflag:s22] =	ssyncset.done $0x0  }
0x50: {  	s13 =	sadd.s32 $0x2800, s0;
	[sflag:s22] =	ssyncadd.s32 $0xFFFFE000  }
0x51: {  	[spmem:s2] =	stream.indirect.scatter.add.f32 [tilespmem:s15], [sflag:$0x5], $0x40, s13, s14, $0xb8;
	[tilespmem:$0x17000] =	vst v63  }
0x52: {  	s13 =	sadd.s32 $0x2880, s0  }
0x53: {  	[spmem:s2] =	stream.indirect.scatter.add.f32 [tilespmem:s16], [sflag:$0x5], $0x40, s13, s14, $0xb8;
	[tilespmem:$0x17000] =	vst v63  }
0x54: {  	_ =	swait.ge [sflag:s23], $0x2000  }
0x55: {  	[sflag:s23] =	ssyncset.done $0x0  }
0x56: {  	[sflag:s23] =	ssyncadd.s32 $0xFFFFE000  }
0x57: {  	_ =	swait.ge [sflag:s24], $0x2000  }
0x58: {  	[sflag:s24] =	ssyncset.done $0x0  }
0x59: {  	[sflag:s24] =	ssyncadd.s32 $0xFFFFE000  }
0x5a: {  	_ =	swait.ge [sflag:s25], $0x2000  }
0x5b: {  	[sflag:s25] =	ssyncset.done $0x0  }
0x5c: {  	[sflag:s25] =	ssyncadd.s32 $0xFFFFE000  }
0x5d: {  	_ =	swait.ge [sflag:s25], $0x2000  }
0x5e: {  	[sflag:s25] =	ssyncset.done $0x0  }
0x5f: {  	s13 =	sadd.s32 $0x2900, s0;
	[sflag:s25] =	ssyncadd.s32 $0xFFFFE000  }
0x60: {  	[spmem:s2] =	stream.indirect.scatter.add.f32 [tilespmem:s18], [sflag:$0x5], $0x40, s13, s14, $0xb8;
	[tilespmem:$0x17000] =	vst v63  }
0x61: {  	s13 =	sadd.s32 $0x2980, s0  }
0x62: {  	[spmem:s2] =	stream.indirect.scatter.add.f32 [tilespmem:s20], [sflag:$0x5], $0x40, s13, s14, $0xb8;
	[tilespmem:$0x17000] =	vst v63  }
0x63: {  	s13 =	sadd.s32 $0x200, s0  }
0x64: {  	[tilespmem:s15], [sflag:$0x1] =	stream.indirect.gather [hbm4b:s4+s14], $0x40, s13, s14, $0xb8;
	[tilespmem:$0x17000] =	vst v63  }
0x65: {  	s13 =	sadd.s32 $0x280, s0  }
0x66: {  	[tilespmem:s16], [sflag:$0x2] =	stream.indirect.gather [hbm4b:s4+s14], $0x40, s13, s14, $0xb8;
	[tilespmem:$0x17000] =	vst v63  }
0x67: {  	_ =	swait.ge [sflag:s25], $0x2000  }
0x68: {  	[sflag:s25] =	ssyncset.done $0x0  }
0x69: {  	[sflag:s25] =	ssyncadd.s32 $0xFFFFE000  }
.Ltmp0:
0x6a: {  	_ =	swait.ge [sflag:s25], $0x2000;
	(pc) =	sbr.rel @p0 .LBB2_2-.Ltmp0, $4  }
0x6b: {  	[sflag:s25] =	ssyncset.done $0x0  }
0x6c: {  	s13 =	sadd.s32 $0x300, s0;
	[sflag:s25] =	ssyncadd.s32 $0xFFFFE000  }
0x6d: {  	[tilespmem:s18], [sflag:$0x3] =	stream.indirect.gather [hbm4b:s4+s14], $0x40, s13, s14, $0xb8;
	[tilespmem:$0x17000] =	vst v63  }
0x6e: {  	s0 =	sadd.s32 $0x380, s0  }
0x6f: {  	[tilespmem:s20], [sflag:$0x4] =	stream.indirect.gather [hbm4b:s4+s14], $0x40, s0, s14, $0xb8;
	[tilespmem:$0x17000] =	vst v63  }
0x70: {  	_ =	swait.ge [sflag:s21], $0x2000  }
0x71: {  	[sflag:s21] =	ssyncset.done $0x0  }
0x72: {  	[sflag:s21] =	ssyncadd.s32 $0xFFFFE000  }
0x73: {  	_ =	swait.ge [sflag:s22], $0x2000  }
0x74: {  	[sflag:s22] =	ssyncset.done $0x0  }
0x75: {  	[sflag:s22] =	ssyncadd.s32 $0xFFFFE000  }
0x76: {  	[spmem:s2] =	stream.indirect.scatter.add.f32 [tilespmem:s15], [sflag:$0x5], $0x40, s26, s14, $0xb8;
	[tilespmem:$0x17000] =	vst v63  }
0x77: {  	_ = 	snop  }
0x78: {  	[spmem:s2] =	stream.indirect.scatter.add.f32 [tilespmem:s16], [sflag:$0x5], $0x40, s28, s14, $0xb8;
	[tilespmem:$0x17000] =	vst v63  }
0x79: {  	_ =	swait.ge [sflag:s23], $0x2000  }
0x7a: {  	[sflag:s23] =	ssyncset.done $0x0  }
0x7b: {  	[sflag:s23] =	ssyncadd.s32 $0xFFFFE000  }
0x7c: {  	_ =	swait.ge [sflag:s24], $0x2000  }
0x7d: {  	[sflag:s24] =	ssyncset.done $0x0  }
0x7e: {  	[sflag:s24] =	ssyncadd.s32 $0xFFFFE000  }
0x7f: {  	_ =	swait.ge [sflag:s25], $0x2000  }
0x80: {  	[sflag:s25] =	ssyncset.done $0x0  }
0x81: {  	[sflag:s25] =	ssyncadd.s32 $0xFFFFE000  }
0x82: {  	_ =	swait.ge [sflag:s25], $0x2000  }
0x83: {  	[sflag:s25] =	ssyncset.done $0x0  }
0x84: {  	[sflag:s25] =	ssyncadd.s32 $0xFFFFE000  }
0x85: {  	[spmem:s2] =	stream.indirect.scatter.add.f32 [tilespmem:s18], [sflag:$0x5], $0x40, s29, s14, $0xb8;
	[tilespmem:$0x17000] =	vst v63  }
0x86: {  	_ = 	snop  }
0x87: {  	[spmem:s2] =	stream.indirect.scatter.add.f32 [tilespmem:s20], [sflag:$0x5], $0x40, s30, s14, $0xb8;
	[tilespmem:$0x17000] =	vst v63  }
0x88: {  	_ =	swait.ge [sflag:s25], $0x2000  }
0x89: {  	[sflag:s25] =	ssyncset.done $0x0  }
0x8a: {  	[sflag:s25] =	ssyncadd.s32 $0xFFFFE000  }
0x8b: {  	_ =	swait.ge [sflag:s25], $0x2000  }
0x8c: {  	s31 =	sadd.s32 $0x1, s31;
	[sflag:s25] =	ssyncset.done $0x0  }
0x8d: {  	p0 =	sne.s32 s31, s10;
	[sflag:s25] =	ssyncadd.s32 $0xFFFFE000  }
.Ltmp1:
0x8e: {  	[bflag:$0x0] =	sbarrier.arrive $0xFFFF;
	(pc) =	sbr.rel @p0 .LBB2_1-.Ltmp1, $4  }
0x8f: {  	[hbm:s9], [sflag:s6] =	dma.local [spmem:s11], $0x1400  }
0x90: {  	_ =	swait.ge [sflag:s12], $0x1400  }
0x91: {  	[sflag:s12] =	ssyncset.done $0x0  }
0x92: {  	[sflag:s12] =	ssyncadd.s32 $0xFFFFEC00  }
0x93: {  	_ =	sfence.sel $0x180000  }
0x94: {  	[bflag:$0x0] =	sbarrier.arrive $0xFFFF  }
0x95: {  	_ =	strace $0x90000050  }
0x96: {  	s0 =	stileid.u32;
	[bflag:$0x2] =	sbarrier.arrive $0xFFFF  }
0x97: {  	p0 =	sne.s32 s0, $0x0;
	s0 =	rddreg [dreg:$0x2]  }
0x98: {  	s0 =	sadd.s32 @!p0 $0x100000, s0  }
0x99: {  	[sflag:s0] =	ssyncadd.tile.s32 @!p0 $0x1;
	_ =	shalt  }
.Lfunc_end2:
_tile_overlayer_lowered:
.L_overlay_start_2:
0x9a: {  	(tag) =	ssettag $0x2  }
0x9b: {  	s0 =	rddreg [dreg:$0x0];
	s2 =	stileid.u32  }
0x9c: {  	s1 =	rddreg [dreg:$0x1];
	p0 =	sne.s32 s2, $0x0  }
0x9d: {  	s3 =	rddreg [dreg:$0x2];
	[bflag:$0x3] =	sbarrier.arrive $0xFFFF;
	s2 =	simm.s32 @!p0 $0x1C06  }
0x9e: {  	[timem:s3], [sflag:s2] =	dma.local @!p0 [hbm:s0], s1  }
0x9f: {  	s0 =	simm.s32 @!p0 $0x6  }
0xa0: {  	_ =	swait.ge @!p0 [sflag:s0], s1  }
0xa1: {  	s1 =	ssub.s32 @!p0 $0x0, s1;
	[sflag:s0] =	ssyncset.done @!p0 $0x0  }
0xa2: {  	[sflag:s0] =	ssyncadd.s32 @!p0 s1  }
0xa3: {  	[bflag:$0x3] =	sbarrier.arrive $0xFFFF  }
0xa4: {  	_ =	shalt  }

</sc_bundles>
